<compile_context>
chip_gen: v7x
topology: tpu7x:2x2x1
jax: 0.10.2.dev20260603
libtpu: 0.0.44.dev20260713+nightly
codegen_flags: <defaults>
</compile_context>

<pallas_src>
import functools

import jax
import jax.numpy as jnp
from jax import lax
from jax.experimental import pallas as pl
from jax.experimental.pallas import tpu as pltpu
from jax.experimental.pallas import tpu_sc as plsc

NUM_CODES = 5000
PAD_CODES = 5120
ROW_BLK = 1024
TAB_W = 128
N_CHUNKS = 4


def _prep_body(cbt_ref, wpo_ref, bpo_ref, wup_ref, bup_ref,
               a_ref, cbn_ref, lanef_ref, tab_ref):
    cbt = jnp.concatenate(
        [cbt_ref[...], jnp.zeros((8, PAD_CODES - NUM_CODES), jnp.float32)],
        axis=1)
    a_ref[...] = -2.0 * cbt
    cbn = jnp.sum(cbt * cbt, axis=0)
    lane = jax.lax.broadcasted_iota(jnp.int32, (1, PAD_CODES), 1)
    bias = jnp.where(lane >= NUM_CODES, jnp.float32(3e38), jnp.float32(0.0))
    cbn_ref[...] = cbn[None, :] + bias
    lanef_ref[...] = lane.astype(jnp.float32)
    wup = jnp.concatenate(
        [wup_ref[...], jnp.zeros((wup_ref.shape[0], TAB_W - wup_ref.shape[1]),
                                 jnp.float32)], axis=1)
    bup = jnp.concatenate(
        [bup_ref[...], jnp.zeros((1, TAB_W - bup_ref.shape[1]), jnp.float32)],
        axis=1)
    h2 = jax.lax.dot_general(cbt, wpo_ref[...],
                             (((0,), (0,)), ((), ())))
    h2 = h2 + bpo_ref[...]
    t = jnp.dot(h2, wup) + bup
    tab_ref[...] = jnp.clip(t, -1.0, 1.0)


def _make_argmin_body():
    def body(xt_ref, wdt_ref, bd_ref, wpit_ref, bpi_ref, a_ref, cbn_ref,
             lanef_ref, idx_ref):
        def compute(xt_val):
            h = lax.dot_general(
                xt_val, wdt_ref[...],
                (((0,), (1,)), ((), ()))) + bd_ref[...]
            z = lax.dot_general(
                h, wpit_ref[...],
                (((1,), (1,)), ((), ()))) + bpi_ref[...]
            d = jnp.dot(z, a_ref[...]) + cbn_ref[...]
            lanef = lanef_ref[...]
            rmin = d[:, :128]
            ridx = jnp.broadcast_to(lanef[:, :128], rmin.shape)
            for j in range(1, PAD_CODES // 128):
                dj = d[:, j * 128:(j + 1) * 128]
                lj = jnp.broadcast_to(lanef[:, j * 128:(j + 1) * 128],
                                      dj.shape)
                ridx = jnp.where(dj < rmin, lj, ridx)
                rmin = jnp.minimum(dj, rmin)
            m = jnp.min(rmin, axis=1, keepdims=True)
            idxf = jnp.min(
                jnp.where(rmin == m, ridx, jnp.float32(65536.0)), axis=1)
            idx_ref[...] = idxf.astype(jnp.int32)

        compute(xt_ref[...])

    return body


def _trans_body(*refs):
    o_ref = refs[-1]
    parts = refs[:-1]
    n = parts[0].shape[0]
    for c, p in enumerate(parts):
        o_ref[:, c * n:(c + 1) * n] = p[:, :o_ref.shape[0]][...].T


def _sc_gather(table, idx2):
    n_rows, n_lanes = idx2.shape
    chunks_per_tile = n_rows // 32
    rows_per_tile = chunks_per_tile * n_lanes
    mesh = plsc.VectorSubcoreMesh(core_axis_name="c", subcore_axis_name="s")

    @functools.partial(
        pl.kernel, mesh=mesh,
        out_type=jax.ShapeDtypeStruct((n_rows * n_lanes, TAB_W), jnp.float32),
        scratch_types=[
            pltpu.VMEM((chunks_per_tile, n_lanes), jnp.int32),
            pltpu.VMEM((rows_per_tile, TAB_W), jnp.float32),
            pltpu.SemaphoreType.DMA,
        ])
    def gather_kernel(tab_hbm, idx_hbm, out_hbm, idx_v, rows_v, sem):
        wid = lax.axis_index("s") * 2 + lax.axis_index("c")
        pltpu.sync_copy(idx_hbm.at[pl.ds(wid * chunks_per_tile,
                                         chunks_per_tile)], idx_v)
        copies = [
            pltpu.async_copy(tab_hbm.at[idx_v.at[c]],
                             rows_v.at[pl.ds(c * n_lanes, n_lanes)], sem)
            for c in range(chunks_per_tile)
        ]
        for cp in copies:
            cp.wait()
        pltpu.sync_copy(rows_v,
                        out_hbm.at[pl.ds(wid * rows_per_tile, rows_per_tile)])

    return gather_kernel(table, idx2)


def kernel(x, W_down, b_down, W_pi, b_pi, codebook, W_po, b_po, W_up, b_up):
    B = x.shape[0]
    out_feat = W_up.shape[1]

    cbt_in = codebook.T
    a_op, cbn_row, lanef_row, table = pl.pallas_call(
        _prep_body,
        in_specs=[
            pl.BlockSpec(cbt_in.shape, lambda: (0, 0)),
            pl.BlockSpec(W_po.shape, lambda: (0, 0)),
            pl.BlockSpec((1, b_po.shape[0]), lambda: (0, 0)),
            pl.BlockSpec(W_up.shape, lambda: (0, 0)),
            pl.BlockSpec((1, b_up.shape[0]), lambda: (0, 0)),
        ],
        out_specs=[
            pl.BlockSpec((8, PAD_CODES), lambda: (0, 0)),
            pl.BlockSpec((1, PAD_CODES), lambda: (0, 0)),
            pl.BlockSpec((1, PAD_CODES), lambda: (0, 0)),
            pl.BlockSpec((PAD_CODES, TAB_W), lambda: (0, 0)),
        ],
        out_shape=[
            jax.ShapeDtypeStruct((8, PAD_CODES), jnp.float32),
            jax.ShapeDtypeStruct((1, PAD_CODES), jnp.float32),
            jax.ShapeDtypeStruct((1, PAD_CODES), jnp.float32),
            jax.ShapeDtypeStruct((PAD_CODES, TAB_W), jnp.float32),
        ],
    )(cbt_in, W_po, b_po.reshape(1, -1), W_up, b_up.reshape(1, -1))

    chunk = B // N_CHUNKS
    xt = x.T
    wdt = W_down.T
    wpit = W_pi.T
    idx_parts, out_parts = [], []
    for c in range(N_CHUNKS):
        base = c * (chunk // ROW_BLK)
        idx_c = pl.pallas_call(
            _make_argmin_body(),
            grid=(chunk // ROW_BLK,),
            in_specs=[
                pl.BlockSpec((x.shape[1], ROW_BLK),
                             lambda i, base=base: (0, i + base)),
                pl.BlockSpec(wdt.shape, lambda i: (0, 0)),
                pl.BlockSpec((1, b_down.shape[0]), lambda i: (0, 0)),
                pl.BlockSpec(wpit.shape, lambda i: (0, 0)),
                pl.BlockSpec((1, b_pi.shape[0]), lambda i: (0, 0)),
                pl.BlockSpec((8, PAD_CODES), lambda i: (0, 0)),
                pl.BlockSpec((1, PAD_CODES), lambda i: (0, 0)),
                pl.BlockSpec((1, PAD_CODES), lambda i: (0, 0)),
            ],
            out_specs=pl.BlockSpec((ROW_BLK,), lambda i: (i,)),
            out_shape=jax.ShapeDtypeStruct((chunk,), jnp.int32),
        )(xt, wdt, b_down.reshape(1, -1), wpit, b_pi.reshape(1, -1),
          a_op, cbn_row, lanef_row)
        idx_parts.append(idx_c)
        out_parts.append(
            _sc_gather(table, idx_c.reshape(32, chunk // 32)))

    indices = jnp.concatenate(idx_parts)
    out_t = pl.pallas_call(
        _trans_body,
        in_specs=[pl.BlockSpec((chunk, TAB_W), lambda: (0, 0))
                  for _ in range(N_CHUNKS)],
        out_specs=pl.BlockSpec((out_feat, B), lambda: (0, 0)),
        out_shape=jax.ShapeDtypeStruct((out_feat, B), jnp.float32),
    )(*out_parts)
    out = out_t.T
    commit_loss = jnp.zeros((), dtype=jnp.float32)
    return (out, indices, commit_loss)

# --- scband reference (transcript-rebuilt; emitter-appended) ---
"""Pipeline reference for scband-vqexpert-75076028334464 (READ-ONLY COPY).

The authoritative reference and input builder live on the scoring server;
editing this copy changes nothing except your own understanding.
"""

import jax, jax.numpy as jnp
import numpy as np

B = 16384
IN_FEAT = 64
HIDDEN = 32
OUT_FEAT = 64
CODEBOOK_DIM = 8
NUM_CODES = 5000


def setup_inputs(seed: int = 0) -> dict:
    key = jax.random.key(seed)
    ks = jax.random.split(key, 12)
    x = jax.random.normal(ks[0], (B, IN_FEAT), dtype=jnp.float32)
    # VQExpert.down: Linear(in_feat, hidden)
    W_down = jax.random.normal(ks[1], (IN_FEAT, HIDDEN), dtype=jnp.float32) * 0.1
    b_down = jnp.zeros((HIDDEN,), dtype=jnp.float32)
    # VectorQuantize project_in: Linear(dim=32, codebook_dim=8)
    W_pi = jax.random.normal(ks[2], (HIDDEN, CODEBOOK_DIM), dtype=jnp.float32) * 0.1
    b_pi = jnp.zeros((CODEBOOK_DIM,), dtype=jnp.float32)
    # codebook (kmeans-init in torch; random here)
    codebook = jax.random.normal(ks[3], (NUM_CODES, CODEBOOK_DIM), dtype=jnp.float32)
    # VectorQuantize project_out: Linear(codebook_dim=8, dim=32)
    W_po = jax.random.normal(ks[4], (CODEBOOK_DIM, HIDDEN), dtype=jnp.float32) * 0.1
    b_po = jnp.zeros((HIDDEN,), dtype=jnp.float32)
    # VQExpert.up: Linear(hidden, out_feat)
    W_up = jax.random.normal(ks[5], (HIDDEN, OUT_FEAT), dtype=jnp.float32) * 0.1
    b_up = jnp.zeros((OUT_FEAT,), dtype=jnp.float32)
    return {
        "x": x,
        "W_down": W_down, "b_down": b_down,
        "W_pi": W_pi, "b_pi": b_pi,
        "codebook": codebook,
        "W_po": W_po, "b_po": b_po,
        "W_up": W_up, "b_up": b_up,
    }


def reference(x, W_down, b_down, W_pi, b_pi, codebook, W_po, b_po, W_up, b_up):
    # down: Linear(64 -> 32)
    h = x @ W_down + b_down
    # VectorQuantize project_in: 32 -> 8
    z = h @ W_pi + b_pi
    # euclidean nearest-code lookup
    d = (jnp.sum(z * z, axis=1, keepdims=True)
         - 2.0 * (z @ codebook.T)
         + jnp.sum(codebook * codebook, axis=1)[None, :])
    indices = jnp.argmin(d, axis=1)
    q = jnp.take(codebook, indices, axis=0)
    # straight-through estimator
    q = z + jax.lax.stop_gradient(q - z)
    # commitment_weight = 0 -> zero loss
    commit_loss = jnp.zeros((), dtype=jnp.float32)
    # project_out: 8 -> 32
    h2 = q @ W_po + b_po
    # up: Linear(32 -> 64)
    out = h2 @ W_up + b_up
    out = jnp.clip(out, -1.0, 1.0)
    return (out, indices, commit_loss)

if __name__ == "__main__":
    import jax
    _d = setup_inputs()
    print(jax.jit(kernel)(*tuple(_d.values())))

</pallas_src>

<mosaic_0001>
#map = affine_map<(d0, d1) -> (0, 0)>
module attributes {stable_mosaic.version = 14 : i64} {
  func.func @gather_kernel(%arg0: i32, %arg1: i32, %arg2: memref<5120x128xf32, #tpu.memory_space<hbm>>, %arg3: memref<32x128xi32, #tpu.memory_space<hbm>>, %arg4: memref<4096x128xf32, #tpu.memory_space<hbm>>, %arg5: memref<1x128xi32, #tpu.memory_space<vmem>>, %arg6: memref<128x128xf32, #tpu.memory_space<vmem>>, %arg7: memref<!tpu.dma_semaphore, #tpu.memory_space<semaphore_mem>>) attributes {dimension_semantics = [#tpu.dimension_semantics<core_parallel>, #tpu.dimension_semantics<subcore_parallel>], iteration_bounds = array<i64: 2, 16>, scalar_prefetch = 0 : i64, scratch_operands = 3 : i64, tpu.core_type = #tpu.core_type<sc_vector_subcore>, window_params = [{transform_indices = #map}, {transform_indices = #map}, {transform_indices = #map}]} {
    %mul3A = arith.constant 2 : i32
    %mul3A_0 = arith.muli %arg1, %mul3A : i32
    %add3A = arith.addi %mul3A_0, %arg0 : i32
    %mul3A_1 = arith.constant 1 : i32
    %mul3A_2 = arith.muli %add3A, %mul3A_1 : i32
    "tpu.region"() ({
      %run_scoped3A = tpu.sem_alloc : memref<!tpu.dma_semaphore, #tpu.memory_space<semaphore_mem>>
      %dma_start3A_23 = arith.constant 0 : i32
      %dma_start3A_24 = tpu.memref_slice %arg3[%mul3A_2, %dma_start3A_23] : memref<32x128xi32, #tpu.memory_space<hbm>> -> memref<1x128xi32, #tpu.memory_space<hbm>>
      %dma_start3A_25 = arith.constant 0 : i32
      %dma_start3A_26 = tpu.memref_slice %arg3[%mul3A_2, %dma_start3A_25] : memref<32x128xi32, #tpu.memory_space<hbm>> -> memref<1x128xi32, #tpu.memory_space<hbm>>
      tpu.enqueue_dma source(%dma_start3A_26 : memref<1x128xi32, #tpu.memory_space<hbm>>) target(%arg5 : memref<1x128xi32, #tpu.memory_space<vmem>>) target_semaphore(%run_scoped3A : memref<!tpu.dma_semaphore, #tpu.memory_space<semaphore_mem>>)
      %dma_wait3A_27 = arith.constant 0 : i32
      %dma_wait3A_28 = tpu.memref_slice %arg3[%mul3A_2, %dma_wait3A_27] : memref<32x128xi32, #tpu.memory_space<hbm>> -> memref<1x128xi32, #tpu.memory_space<hbm>>
      %dma_wait3A_29 = arith.constant 0 : i32
      %dma_wait3A_30 = tpu.memref_slice %arg3[%mul3A_2, %dma_wait3A_29] : memref<32x128xi32, #tpu.memory_space<hbm>> -> memref<1x128xi32, #tpu.memory_space<hbm>>
      tpu.wait_dma2 semaphore(%run_scoped3A : memref<!tpu.dma_semaphore, #tpu.memory_space<semaphore_mem>>) src(%dma_wait3A_30 : memref<1x128xi32, #tpu.memory_space<hbm>>) dst(%arg5 : memref<1x128xi32, #tpu.memory_space<vmem>>)
      tpu.yield
    }) : () -> ()
    %dma_start3A = arith.constant 0 : i32
    %dma_start3A_3 = arith.constant 0 : i32
    %dma_start3A_4 = arith.constant 0 : i32
    %dma_start3A_5 = tpu.memref_slice %arg6[%dma_start3A_3, %dma_start3A_4] : memref<128x128xf32, #tpu.memory_space<vmem>> -> memref<128x128xf32, #tpu.memory_space<vmem>>
    %dma_start3A_6 = arith.constant 0 : i32
    %dma_start3A_7 = tpu.memref_slice %arg5[%dma_start3A, %dma_start3A_6] : memref<1x128xi32, #tpu.memory_space<vmem>> -> memref<1x128xi32, #tpu.memory_space<vmem>>
    %dma_start3A_8 = tpu.memref_squeeze %dma_start3A_7 : memref<1x128xi32, #tpu.memory_space<vmem>> -> memref<128xi32, #tpu.memory_space<vmem>>
    %dma_start3A_9 = arith.constant 0 : i32
    %dma_start3A_10 = arith.constant 0 : i32
    %dma_start3A_11 = tpu.memref_slice %arg2[%dma_start3A_9, %dma_start3A_10] : memref<5120x128xf32, #tpu.memory_space<hbm>> -> memref<5120x128xf32, #tpu.memory_space<hbm>>
    tpu.enqueue_indirect_dma source(%dma_start3A_11 : memref<5120x128xf32, #tpu.memory_space<hbm>>) target(%dma_start3A_5 : memref<128x128xf32, #tpu.memory_space<vmem>>) offsets(%dma_start3A_8 : memref<128xi32, #tpu.memory_space<vmem>>) semaphore(%arg7 : memref<!tpu.dma_semaphore, #tpu.memory_space<semaphore_mem>>)
    %dma_wait3A = arith.constant 0 : i32
    %dma_wait3A_12 = arith.constant 0 : i32
    %dma_wait3A_13 = arith.constant 0 : i32
    %dma_wait3A_14 = tpu.memref_slice %arg6[%dma_wait3A_12, %dma_wait3A_13] : memref<128x128xf32, #tpu.memory_space<vmem>> -> memref<128x128xf32, #tpu.memory_space<vmem>>
    %dma_wait3A_15 = arith.constant 0 : i32
    %dma_wait3A_16 = tpu.memref_slice %arg5[%dma_wait3A, %dma_wait3A_15] : memref<1x128xi32, #tpu.memory_space<vmem>> -> memref<1x128xi32, #tpu.memory_space<vmem>>
    %dma_wait3A_17 = tpu.memref_squeeze %dma_wait3A_16 : memref<1x128xi32, #tpu.memory_space<vmem>> -> memref<128xi32, #tpu.memory_space<vmem>>
    %dma_wait3A_18 = arith.constant 0 : i32
    %dma_wait3A_19 = arith.constant 0 : i32
    %dma_wait3A_20 = tpu.memref_slice %arg2[%dma_wait3A_18, %dma_wait3A_19] : memref<5120x128xf32, #tpu.memory_space<hbm>> -> memref<5120x128xf32, #tpu.memory_space<hbm>>
    tpu.wait_indirect_dma semaphore(%arg7 : memref<!tpu.dma_semaphore, #tpu.memory_space<semaphore_mem>>) src(%dma_wait3A_20 : memref<5120x128xf32, #tpu.memory_space<hbm>>) dst(%dma_wait3A_14 : memref<128x128xf32, #tpu.memory_space<vmem>>)
    %mul3A_21 = arith.constant 128 : i32
    %mul3A_22 = arith.muli %add3A, %mul3A_21 : i32
    "tpu.region"() ({
      %run_scoped3A = tpu.sem_alloc : memref<!tpu.dma_semaphore, #tpu.memory_space<semaphore_mem>>
      %dma_start3A_23 = arith.constant 0 : i32
      %dma_start3A_24 = tpu.memref_slice %arg4[%mul3A_22, %dma_start3A_23] : memref<4096x128xf32, #tpu.memory_space<hbm>> -> memref<128x128xf32, #tpu.memory_space<hbm>>
      %dma_start3A_25 = arith.constant 0 : i32
      %dma_start3A_26 = tpu.memref_slice %arg4[%mul3A_22, %dma_start3A_25] : memref<4096x128xf32, #tpu.memory_space<hbm>> -> memref<128x128xf32, #tpu.memory_space<hbm>>
      tpu.enqueue_dma source(%arg6 : memref<128x128xf32, #tpu.memory_space<vmem>>) target(%dma_start3A_26 : memref<128x128xf32, #tpu.memory_space<hbm>>) target_semaphore(%run_scoped3A : memref<!tpu.dma_semaphore, #tpu.memory_space<semaphore_mem>>)
      %dma_wait3A_27 = arith.constant 0 : i32
      %dma_wait3A_28 = tpu.memref_slice %arg4[%mul3A_22, %dma_wait3A_27] : memref<4096x128xf32, #tpu.memory_space<hbm>> -> memref<128x128xf32, #tpu.memory_space<hbm>>
      %dma_wait3A_29 = arith.constant 0 : i32
      %dma_wait3A_30 = tpu.memref_slice %arg4[%mul3A_22, %dma_wait3A_29] : memref<4096x128xf32, #tpu.memory_space<hbm>> -> memref<128x128xf32, #tpu.memory_space<hbm>>
      tpu.wait_dma2 semaphore(%run_scoped3A : memref<!tpu.dma_semaphore, #tpu.memory_space<semaphore_mem>>) src(%arg6 : memref<128x128xf32, #tpu.memory_space<vmem>>) dst(%dma_wait3A_30 : memref<128x128xf32, #tpu.memory_space<hbm>>)
      tpu.yield
    }) : () -> ()
    return
  }
}

#map = affine_map<(d0, d1) -> (0, 0)>
module attributes {stable_mosaic.version = 14 : i64} {
  func.func @gather_kernel(%arg0: i32, %arg1: i32, %arg2: memref<5120x128xf32, #tpu.memory_space<hbm>>, %arg3: memref<32x128xi32, #tpu.memory_space<hbm>>, %arg4: memref<4096x128xf32, #tpu.memory_space<hbm>>, %arg5: memref<1x128xi32, #tpu.memory_space<vmem>>, %arg6: memref<128x128xf32, #tpu.memory_space<vmem>>, %arg7: memref<!tpu.dma_semaphore, #tpu.memory_space<semaphore_mem>>) attributes {dimension_semantics = [#tpu.dimension_semantics<core_parallel>, #tpu.dimension_semantics<subcore_parallel>], iteration_bounds = array<i64: 2, 16>, scalar_prefetch = 0 : i64, scratch_operands = 3 : i64, tpu.core_type = #tpu.core_type<sc_vector_subcore>, window_params = [{transform_indices = #map}, {transform_indices = #map}, {transform_indices = #map}]} {
    %mul3A = arith.constant 2 : i32
    %mul3A_0 = arith.muli %arg1, %mul3A : i32
    %add3A = arith.addi %mul3A_0, %arg0 : i32
    %mul3A_1 = arith.constant 1 : i32
    %mul3A_2 = arith.muli %add3A, %mul3A_1 : i32
    "tpu.region"() ({
      %run_scoped3A = tpu.sem_alloc : memref<!tpu.dma_semaphore, #tpu.memory_space<semaphore_mem>>
      %dma_start3A_23 = arith.constant 0 : i32
      %dma_start3A_24 = tpu.memref_slice %arg3[%mul3A_2, %dma_start3A_23] : memref<32x128xi32, #tpu.memory_space<hbm>> -> memref<1x128xi32, #tpu.memory_space<hbm>>
      %dma_start3A_25 = arith.constant 0 : i32
      %dma_start3A_26 = tpu.memref_slice %arg3[%mul3A_2, %dma_start3A_25] : memref<32x128xi32, #tpu.memory_space<hbm>> -> memref<1x128xi32, #tpu.memory_space<hbm>>
      tpu.enqueue_dma source(%dma_start3A_26 : memref<1x128xi32, #tpu.memory_space<hbm>>) target(%arg5 : memref<1x128xi32, #tpu.memory_space<vmem>>) target_semaphore(%run_scoped3A : memref<!tpu.dma_semaphore, #tpu.memory_space<semaphore_mem>>)
      %dma_wait3A_27 = arith.constant 0 : i32
      %dma_wait3A_28 = tpu.memref_slice %arg3[%mul3A_2, %dma_wait3A_27] : memref<32x128xi32, #tpu.memory_space<hbm>> -> memref<1x128xi32, #tpu.memory_space<hbm>>
      %dma_wait3A_29 = arith.constant 0 : i32
      %dma_wait3A_30 = tpu.memref_slice %arg3[%mul3A_2, %dma_wait3A_29] : memref<32x128xi32, #tpu.memory_space<hbm>> -> memref<1x128xi32, #tpu.memory_space<hbm>>
      tpu.wait_dma2 semaphore(%run_scoped3A : memref<!tpu.dma_semaphore, #tpu.memory_space<semaphore_mem>>) src(%dma_wait3A_30 : memref<1x128xi32, #tpu.memory_space<hbm>>) dst(%arg5 : memref<1x128xi32, #tpu.memory_space<vmem>>)
      tpu.yield
    }) : () -> ()
    %dma_start3A = arith.constant 0 : i32
    %dma_start3A_3 = arith.constant 0 : i32
    %dma_start3A_4 = arith.constant 0 : i32
    %dma_start3A_5 = tpu.memref_slice %arg6[%dma_start3A_3, %dma_start3A_4] : memref<128x128xf32, #tpu.memory_space<vmem>> -> memref<128x128xf32, #tpu.memory_space<vmem>>
    %dma_start3A_6 = arith.constant 0 : i32
    %dma_start3A_7 = tpu.memref_slice %arg5[%dma_start3A, %dma_start3A_6] : memref<1x128xi32, #tpu.memory_space<vmem>> -> memref<1x128xi32, #tpu.memory_space<vmem>>
    %dma_start3A_8 = tpu.memref_squeeze %dma_start3A_7 : memref<1x128xi32, #tpu.memory_space<vmem>> -> memref<128xi32, #tpu.memory_space<vmem>>
    %dma_start3A_9 = arith.constant 0 : i32
    %dma_start3A_10 = arith.constant 0 : i32
    %dma_start3A_11 = tpu.memref_slice %arg2[%dma_start3A_9, %dma_start3A_10] : memref<5120x128xf32, #tpu.memory_space<hbm>> -> memref<5120x128xf32, #tpu.memory_space<hbm>>
    tpu.enqueue_indirect_dma source(%dma_start3A_11 : memref<5120x128xf32, #tpu.memory_space<hbm>>) target(%dma_start3A_5 : memref<128x128xf32, #tpu.memory_space<vmem>>) offsets(%dma_start3A_8 : memref<128xi32, #tpu.memory_space<vmem>>) semaphore(%arg7 : memref<!tpu.dma_semaphore, #tpu.memory_space<semaphore_mem>>)
    %dma_wait3A = arith.constant 0 : i32
    %dma_wait3A_12 = arith.constant 0 : i32
    %dma_wait3A_13 = arith.constant 0 : i32
    %dma_wait3A_14 = tpu.memref_slice %arg6[%dma_wait3A_12, %dma_wait3A_13] : memref<128x128xf32, #tpu.memory_space<vmem>> -> memref<128x128xf32, #tpu.memory_space<vmem>>
    %dma_wait3A_15 = arith.constant 0 : i32
    %dma_wait3A_16 = tpu.memref_slice %arg5[%dma_wait3A, %dma_wait3A_15] : memref<1x128xi32, #tpu.memory_space<vmem>> -> memref<1x128xi32, #tpu.memory_space<vmem>>
    %dma_wait3A_17 = tpu.memref_squeeze %dma_wait3A_16 : memref<1x128xi32, #tpu.memory_space<vmem>> -> memref<128xi32, #tpu.memory_space<vmem>>
    %dma_wait3A_18 = arith.constant 0 : i32
    %dma_wait3A_19 = arith.constant 0 : i32
    %dma_wait3A_20 = tpu.memref_slice %arg2[%dma_wait3A_18, %dma_wait3A_19] : memref<5120x128xf32, #tpu.memory_space<hbm>> -> memref<5120x128xf32, #tpu.memory_space<hbm>>
    tpu.wait_indirect_dma semaphore(%arg7 : memref<!tpu.dma_semaphore, #tpu.memory_space<semaphore_mem>>) src(%dma_wait3A_20 : memref<5120x128xf32, #tpu.memory_space<hbm>>) dst(%dma_wait3A_14 : memref<128x128xf32, #tpu.memory_space<vmem>>)
    %mul3A_21 = arith.constant 128 : i32
    %mul3A_22 = arith.muli %add3A, %mul3A_21 : i32
    "tpu.region"() ({
      %run_scoped3A = tpu.sem_alloc : memref<!tpu.dma_semaphore, #tpu.memory_space<semaphore_mem>>
      %dma_start3A_23 = arith.constant 0 : i32
      %dma_start3A_24 = tpu.memref_slice %arg4[%mul3A_22, %dma_start3A_23] : memref<4096x128xf32, #tpu.memory_space<hbm>> -> memref<128x128xf32, #tpu.memory_space<hbm>>
      %dma_start3A_25 = arith.constant 0 : i32
      %dma_start3A_26 = tpu.memref_slice %arg4[%mul3A_22, %dma_start3A_25] : memref<4096x128xf32, #tpu.memory_space<hbm>> -> memref<128x128xf32, #tpu.memory_space<hbm>>
      tpu.enqueue_dma source(%arg6 : memref<128x128xf32, #tpu.memory_space<vmem>>) target(%dma_start3A_26 : memref<128x128xf32, #tpu.memory_space<hbm>>) target_semaphore(%run_scoped3A : memref<!tpu.dma_semaphore, #tpu.memory_space<semaphore_mem>>)
      %dma_wait3A_27 = arith.constant 0 : i32
      %dma_wait3A_28 = tpu.memref_slice %arg4[%mul3A_22, %dma_wait3A_27] : memref<4096x128xf32, #tpu.memory_space<hbm>> -> memref<128x128xf32, #tpu.memory_space<hbm>>
      %dma_wait3A_29 = arith.constant 0 : i32
      %dma_wait3A_30 = tpu.memref_slice %arg4[%mul3A_22, %dma_wait3A_29] : memref<4096x128xf32, #tpu.memory_space<hbm>> -> memref<128x128xf32, #tpu.memory_space<hbm>>
      tpu.wait_dma2 semaphore(%run_scoped3A : memref<!tpu.dma_semaphore, #tpu.memory_space<semaphore_mem>>) src(%arg6 : memref<128x128xf32, #tpu.memory_space<vmem>>) dst(%dma_wait3A_30 : memref<128x128xf32, #tpu.memory_space<hbm>>)
      tpu.yield
    }) : () -> ()
    return
  }
}

#map = affine_map<(d0, d1) -> (0, 0)>
module attributes {stable_mosaic.version = 14 : i64} {
  func.func @gather_kernel(%arg0: i32, %arg1: i32, %arg2: memref<5120x128xf32, #tpu.memory_space<hbm>>, %arg3: memref<32x128xi32, #tpu.memory_space<hbm>>, %arg4: memref<4096x128xf32, #tpu.memory_space<hbm>>, %arg5: memref<1x128xi32, #tpu.memory_space<vmem>>, %arg6: memref<128x128xf32, #tpu.memory_space<vmem>>, %arg7: memref<!tpu.dma_semaphore, #tpu.memory_space<semaphore_mem>>) attributes {dimension_semantics = [#tpu.dimension_semantics<core_parallel>, #tpu.dimension_semantics<subcore_parallel>], iteration_bounds = array<i64: 2, 16>, scalar_prefetch = 0 : i64, scratch_operands = 3 : i64, tpu.core_type = #tpu.core_type<sc_vector_subcore>, window_params = [{transform_indices = #map}, {transform_indices = #map}, {transform_indices = #map}]} {
    %mul3A = arith.constant 2 : i32
    %mul3A_0 = arith.muli %arg1, %mul3A : i32
    %add3A = arith.addi %mul3A_0, %arg0 : i32
    %mul3A_1 = arith.constant 1 : i32
    %mul3A_2 = arith.muli %add3A, %mul3A_1 : i32
    "tpu.region"() ({
      %run_scoped3A = tpu.sem_alloc : memref<!tpu.dma_semaphore, #tpu.memory_space<semaphore_mem>>
      %dma_start3A_23 = arith.constant 0 : i32
      %dma_start3A_24 = tpu.memref_slice %arg3[%mul3A_2, %dma_start3A_23] : memref<32x128xi32, #tpu.memory_space<hbm>> -> memref<1x128xi32, #tpu.memory_space<hbm>>
      %dma_start3A_25 = arith.constant 0 : i32
      %dma_start3A_26 = tpu.memref_slice %arg3[%mul3A_2, %dma_start3A_25] : memref<32x128xi32, #tpu.memory_space<hbm>> -> memref<1x128xi32, #tpu.memory_space<hbm>>
      tpu.enqueue_dma source(%dma_start3A_26 : memref<1x128xi32, #tpu.memory_space<hbm>>) target(%arg5 : memref<1x128xi32, #tpu.memory_space<vmem>>) target_semaphore(%run_scoped3A : memref<!tpu.dma_semaphore, #tpu.memory_space<semaphore_mem>>)
      %dma_wait3A_27 = arith.constant 0 : i32
      %dma_wait3A_28 = tpu.memref_slice %arg3[%mul3A_2, %dma_wait3A_27] : memref<32x128xi32, #tpu.memory_space<hbm>> -> memref<1x128xi32, #tpu.memory_space<hbm>>
      %dma_wait3A_29 = arith.constant 0 : i32
      %dma_wait3A_30 = tpu.memref_slice %arg3[%mul3A_2, %dma_wait3A_29] : memref<32x128xi32, #tpu.memory_space<hbm>> -> memref<1x128xi32, #tpu.memory_space<hbm>>
      tpu.wait_dma2 semaphore(%run_scoped3A : memref<!tpu.dma_semaphore, #tpu.memory_space<semaphore_mem>>) src(%dma_wait3A_30 : memref<1x128xi32, #tpu.memory_space<hbm>>) dst(%arg5 : memref<1x128xi32, #tpu.memory_space<vmem>>)
      tpu.yield
    }) : () -> ()
    %dma_start3A = arith.constant 0 : i32
    %dma_start3A_3 = arith.constant 0 : i32
    %dma_start3A_4 = arith.constant 0 : i32
    %dma_start3A_5 = tpu.memref_slice %arg6[%dma_start3A_3, %dma_start3A_4] : memref<128x128xf32, #tpu.memory_space<vmem>> -> memref<128x128xf32, #tpu.memory_space<vmem>>
    %dma_start3A_6 = arith.constant 0 : i32
    %dma_start3A_7 = tpu.memref_slice %arg5[%dma_start3A, %dma_start3A_6] : memref<1x128xi32, #tpu.memory_space<vmem>> -> memref<1x128xi32, #tpu.memory_space<vmem>>
    %dma_start3A_8 = tpu.memref_squeeze %dma_start3A_7 : memref<1x128xi32, #tpu.memory_space<vmem>> -> memref<128xi32, #tpu.memory_space<vmem>>
    %dma_start3A_9 = arith.constant 0 : i32
    %dma_start3A_10 = arith.constant 0 : i32
    %dma_start3A_11 = tpu.memref_slice %arg2[%dma_start3A_9, %dma_start3A_10] : memref<5120x128xf32, #tpu.memory_space<hbm>> -> memref<5120x128xf32, #tpu.memory_space<hbm>>
    tpu.enqueue_indirect_dma source(%dma_start3A_11 : memref<5120x128xf32, #tpu.memory_space<hbm>>) target(%dma_start3A_5 : memref<128x128xf32, #tpu.memory_space<vmem>>) offsets(%dma_start3A_8 : memref<128xi32, #tpu.memory_space<vmem>>) semaphore(%arg7 : memref<!tpu.dma_semaphore, #tpu.memory_space<semaphore_mem>>)
    %dma_wait3A = arith.constant 0 : i32
    %dma_wait3A_12 = arith.constant 0 : i32
    %dma_wait3A_13 = arith.constant 0 : i32
    %dma_wait3A_14 = tpu.memref_slice %arg6[%dma_wait3A_12, %dma_wait3A_13] : memref<128x128xf32, #tpu.memory_space<vmem>> -> memref<128x128xf32, #tpu.memory_space<vmem>>
    %dma_wait3A_15 = arith.constant 0 : i32
    %dma_wait3A_16 = tpu.memref_slice %arg5[%dma_wait3A, %dma_wait3A_15] : memref<1x128xi32, #tpu.memory_space<vmem>> -> memref<1x128xi32, #tpu.memory_space<vmem>>
    %dma_wait3A_17 = tpu.memref_squeeze %dma_wait3A_16 : memref<1x128xi32, #tpu.memory_space<vmem>> -> memref<128xi32, #tpu.memory_space<vmem>>
    %dma_wait3A_18 = arith.constant 0 : i32
    %dma_wait3A_19 = arith.constant 0 : i32
    %dma_wait3A_20 = tpu.memref_slice %arg2[%dma_wait3A_18, %dma_wait3A_19] : memref<5120x128xf32, #tpu.memory_space<hbm>> -> memref<5120x128xf32, #tpu.memory_space<hbm>>
    tpu.wait_indirect_dma semaphore(%arg7 : memref<!tpu.dma_semaphore, #tpu.memory_space<semaphore_mem>>) src(%dma_wait3A_20 : memref<5120x128xf32, #tpu.memory_space<hbm>>) dst(%dma_wait3A_14 : memref<128x128xf32, #tpu.memory_space<vmem>>)
    %mul3A_21 = arith.constant 128 : i32
    %mul3A_22 = arith.muli %add3A, %mul3A_21 : i32
    "tpu.region"() ({
      %run_scoped3A = tpu.sem_alloc : memref<!tpu.dma_semaphore, #tpu.memory_space<semaphore_mem>>
      %dma_start3A_23 = arith.constant 0 : i32
      %dma_start3A_24 = tpu.memref_slice %arg4[%mul3A_22, %dma_start3A_23] : memref<4096x128xf32, #tpu.memory_space<hbm>> -> memref<128x128xf32, #tpu.memory_space<hbm>>
      %dma_start3A_25 = arith.constant 0 : i32
      %dma_start3A_26 = tpu.memref_slice %arg4[%mul3A_22, %dma_start3A_25] : memref<4096x128xf32, #tpu.memory_space<hbm>> -> memref<128x128xf32, #tpu.memory_space<hbm>>
      tpu.enqueue_dma source(%arg6 : memref<128x128xf32, #tpu.memory_space<vmem>>) target(%dma_start3A_26 : memref<128x128xf32, #tpu.memory_space<hbm>>) target_semaphore(%run_scoped3A : memref<!tpu.dma_semaphore, #tpu.memory_space<semaphore_mem>>)
      %dma_wait3A_27 = arith.constant 0 : i32
      %dma_wait3A_28 = tpu.memref_slice %arg4[%mul3A_22, %dma_wait3A_27] : memref<4096x128xf32, #tpu.memory_space<hbm>> -> memref<128x128xf32, #tpu.memory_space<hbm>>
      %dma_wait3A_29 = arith.constant 0 : i32
      %dma_wait3A_30 = tpu.memref_slice %arg4[%mul3A_22, %dma_wait3A_29] : memref<4096x128xf32, #tpu.memory_space<hbm>> -> memref<128x128xf32, #tpu.memory_space<hbm>>
      tpu.wait_dma2 semaphore(%run_scoped3A : memref<!tpu.dma_semaphore, #tpu.memory_space<semaphore_mem>>) src(%arg6 : memref<128x128xf32, #tpu.memory_space<vmem>>) dst(%dma_wait3A_30 : memref<128x128xf32, #tpu.memory_space<hbm>>)
      tpu.yield
    }) : () -> ()
    return
  }
}

#map = affine_map<(d0, d1) -> (0, 0)>
module attributes {stable_mosaic.version = 14 : i64} {
  func.func @gather_kernel(%arg0: i32, %arg1: i32, %arg2: memref<5120x128xf32, #tpu.memory_space<hbm>>, %arg3: memref<32x128xi32, #tpu.memory_space<hbm>>, %arg4: memref<4096x128xf32, #tpu.memory_space<hbm>>, %arg5: memref<1x128xi32, #tpu.memory_space<vmem>>, %arg6: memref<128x128xf32, #tpu.memory_space<vmem>>, %arg7: memref<!tpu.dma_semaphore, #tpu.memory_space<semaphore_mem>>) attributes {dimension_semantics = [#tpu.dimension_semantics<core_parallel>, #tpu.dimension_semantics<subcore_parallel>], iteration_bounds = array<i64: 2, 16>, scalar_prefetch = 0 : i64, scratch_operands = 3 : i64, tpu.core_type = #tpu.core_type<sc_vector_subcore>, window_params = [{transform_indices = #map}, {transform_indices = #map}, {transform_indices = #map}]} {
    %mul3A = arith.constant 2 : i32
    %mul3A_0 = arith.muli %arg1, %mul3A : i32
    %add3A = arith.addi %mul3A_0, %arg0 : i32
    %mul3A_1 = arith.constant 1 : i32
    %mul3A_2 = arith.muli %add3A, %mul3A_1 : i32
    "tpu.region"() ({
      %run_scoped3A = tpu.sem_alloc : memref<!tpu.dma_semaphore, #tpu.memory_space<semaphore_mem>>
      %dma_start3A_23 = arith.constant 0 : i32
      %dma_start3A_24 = tpu.memref_slice %arg3[%mul3A_2, %dma_start3A_23] : memref<32x128xi32, #tpu.memory_space<hbm>> -> memref<1x128xi32, #tpu.memory_space<hbm>>
      %dma_start3A_25 = arith.constant 0 : i32
      %dma_start3A_26 = tpu.memref_slice %arg3[%mul3A_2, %dma_start3A_25] : memref<32x128xi32, #tpu.memory_space<hbm>> -> memref<1x128xi32, #tpu.memory_space<hbm>>
      tpu.enqueue_dma source(%dma_start3A_26 : memref<1x128xi32, #tpu.memory_space<hbm>>) target(%arg5 : memref<1x128xi32, #tpu.memory_space<vmem>>) target_semaphore(%run_scoped3A : memref<!tpu.dma_semaphore, #tpu.memory_space<semaphore_mem>>)
      %dma_wait3A_27 = arith.constant 0 : i32
      %dma_wait3A_28 = tpu.memref_slice %arg3[%mul3A_2, %dma_wait3A_27] : memref<32x128xi32, #tpu.memory_space<hbm>> -> memref<1x128xi32, #tpu.memory_space<hbm>>
      %dma_wait3A_29 = arith.constant 0 : i32
      %dma_wait3A_30 = tpu.memref_slice %arg3[%mul3A_2, %dma_wait3A_29] : memref<32x128xi32, #tpu.memory_space<hbm>> -> memref<1x128xi32, #tpu.memory_space<hbm>>
      tpu.wait_dma2 semaphore(%run_scoped3A : memref<!tpu.dma_semaphore, #tpu.memory_space<semaphore_mem>>) src(%dma_wait3A_30 : memref<1x128xi32, #tpu.memory_space<hbm>>) dst(%arg5 : memref<1x128xi32, #tpu.memory_space<vmem>>)
      tpu.yield
    }) : () -> ()
    %dma_start3A = arith.constant 0 : i32
    %dma_start3A_3 = arith.constant 0 : i32
    %dma_start3A_4 = arith.constant 0 : i32
    %dma_start3A_5 = tpu.memref_slice %arg6[%dma_start3A_3, %dma_start3A_4] : memref<128x128xf32, #tpu.memory_space<vmem>> -> memref<128x128xf32, #tpu.memory_space<vmem>>
    %dma_start3A_6 = arith.constant 0 : i32
    %dma_start3A_7 = tpu.memref_slice %arg5[%dma_start3A, %dma_start3A_6] : memref<1x128xi32, #tpu.memory_space<vmem>> -> memref<1x128xi32, #tpu.memory_space<vmem>>
    %dma_start3A_8 = tpu.memref_squeeze %dma_start3A_7 : memref<1x128xi32, #tpu.memory_space<vmem>> -> memref<128xi32, #tpu.memory_space<vmem>>
    %dma_start3A_9 = arith.constant 0 : i32
    %dma_start3A_10 = arith.constant 0 : i32
    %dma_start3A_11 = tpu.memref_slice %arg2[%dma_start3A_9, %dma_start3A_10] : memref<5120x128xf32, #tpu.memory_space<hbm>> -> memref<5120x128xf32, #tpu.memory_space<hbm>>
    tpu.enqueue_indirect_dma source(%dma_start3A_11 : memref<5120x128xf32, #tpu.memory_space<hbm>>) target(%dma_start3A_5 : memref<128x128xf32, #tpu.memory_space<vmem>>) offsets(%dma_start3A_8 : memref<128xi32, #tpu.memory_space<vmem>>) semaphore(%arg7 : memref<!tpu.dma_semaphore, #tpu.memory_space<semaphore_mem>>)
    %dma_wait3A = arith.constant 0 : i32
    %dma_wait3A_12 = arith.constant 0 : i32
    %dma_wait3A_13 = arith.constant 0 : i32
    %dma_wait3A_14 = tpu.memref_slice %arg6[%dma_wait3A_12, %dma_wait3A_13] : memref<128x128xf32, #tpu.memory_space<vmem>> -> memref<128x128xf32, #tpu.memory_space<vmem>>
    %dma_wait3A_15 = arith.constant 0 : i32
    %dma_wait3A_16 = tpu.memref_slice %arg5[%dma_wait3A, %dma_wait3A_15] : memref<1x128xi32, #tpu.memory_space<vmem>> -> memref<1x128xi32, #tpu.memory_space<vmem>>
    %dma_wait3A_17 = tpu.memref_squeeze %dma_wait3A_16 : memref<1x128xi32, #tpu.memory_space<vmem>> -> memref<128xi32, #tpu.memory_space<vmem>>
    %dma_wait3A_18 = arith.constant 0 : i32
    %dma_wait3A_19 = arith.constant 0 : i32
    %dma_wait3A_20 = tpu.memref_slice %arg2[%dma_wait3A_18, %dma_wait3A_19] : memref<5120x128xf32, #tpu.memory_space<hbm>> -> memref<5120x128xf32, #tpu.memory_space<hbm>>
    tpu.wait_indirect_dma semaphore(%arg7 : memref<!tpu.dma_semaphore, #tpu.memory_space<semaphore_mem>>) src(%dma_wait3A_20 : memref<5120x128xf32, #tpu.memory_space<hbm>>) dst(%dma_wait3A_14 : memref<128x128xf32, #tpu.memory_space<vmem>>)
    %mul3A_21 = arith.constant 128 : i32
    %mul3A_22 = arith.muli %add3A, %mul3A_21 : i32
    "tpu.region"() ({
      %run_scoped3A = tpu.sem_alloc : memref<!tpu.dma_semaphore, #tpu.memory_space<semaphore_mem>>
      %dma_start3A_23 = arith.constant 0 : i32
      %dma_start3A_24 = tpu.memref_slice %arg4[%mul3A_22, %dma_start3A_23] : memref<4096x128xf32, #tpu.memory_space<hbm>> -> memref<128x128xf32, #tpu.memory_space<hbm>>
      %dma_start3A_25 = arith.constant 0 : i32
      %dma_start3A_26 = tpu.memref_slice %arg4[%mul3A_22, %dma_start3A_25] : memref<4096x128xf32, #tpu.memory_space<hbm>> -> memref<128x128xf32, #tpu.memory_space<hbm>>
      tpu.enqueue_dma source(%arg6 : memref<128x128xf32, #tpu.memory_space<vmem>>) target(%dma_start3A_26 : memref<128x128xf32, #tpu.memory_space<hbm>>) target_semaphore(%run_scoped3A : memref<!tpu.dma_semaphore, #tpu.memory_space<semaphore_mem>>)
      %dma_wait3A_27 = arith.constant 0 : i32
      %dma_wait3A_28 = tpu.memref_slice %arg4[%mul3A_22, %dma_wait3A_27] : memref<4096x128xf32, #tpu.memory_space<hbm>> -> memref<128x128xf32, #tpu.memory_space<hbm>>
      %dma_wait3A_29 = arith.constant 0 : i32
      %dma_wait3A_30 = tpu.memref_slice %arg4[%mul3A_22, %dma_wait3A_29] : memref<4096x128xf32, #tpu.memory_space<hbm>> -> memref<128x128xf32, #tpu.memory_space<hbm>>
      tpu.wait_dma2 semaphore(%run_scoped3A : memref<!tpu.dma_semaphore, #tpu.memory_space<semaphore_mem>>) src(%arg6 : memref<128x128xf32, #tpu.memory_space<vmem>>) dst(%dma_wait3A_30 : memref<128x128xf32, #tpu.memory_space<hbm>>)
      tpu.yield
    }) : () -> ()
    return
  }
}

module attributes {stable_mosaic.version = 14 : i64} {
  func.func @body(%arg0: i32, %arg1: memref<64x1024xf32, #tpu.memory_space<vmem>>, %arg2: memref<32x64xf32, #tpu.memory_space<vmem>>, %arg3: memref<1x32xf32, #tpu.memory_space<vmem>>, %arg4: memref<8x32xf32, #tpu.memory_space<vmem>>, %arg5: memref<1x8xf32, #tpu.memory_space<vmem>>, %arg6: memref<8x5120xf32, #tpu.memory_space<vmem>>, %arg7: memref<1x5120xf32, #tpu.memory_space<vmem>>, %arg8: memref<1x5120xf32, #tpu.memory_space<vmem>>, %arg9: memref<1024xi32, #tpu.memory_space<vmem>>) attributes {dimension_semantics = [#tpu.dimension_semantics<arbitrary>], iteration_bounds = array<i64: 4>, scalar_prefetch = 0 : i64, scratch_operands = 0 : i64, tpu.core_type = #tpu.core_type<tc>, window_params = [{transform_indices = @transform_0, window_bounds = array<i64: 64, 1024>}, {pipeline_mode = #tpu.pipeline_mode<synchronous>, transform_indices = @transform_1, window_bounds = array<i64: 32, 64>}, {pipeline_mode = #tpu.pipeline_mode<synchronous>, transform_indices = @transform_2, window_bounds = array<i64: 1, 32>}, {pipeline_mode = #tpu.pipeline_mode<synchronous>, transform_indices = @transform_3, window_bounds = array<i64: 8, 32>}, {pipeline_mode = #tpu.pipeline_mode<synchronous>, transform_indices = @transform_4, window_bounds = array<i64: 1, 8>}, {pipeline_mode = #tpu.pipeline_mode<synchronous>, transform_indices = @transform_5, window_bounds = array<i64: 8, 5120>}, {pipeline_mode = #tpu.pipeline_mode<synchronous>, transform_indices = @transform_6, window_bounds = array<i64: 1, 5120>}, {pipeline_mode = #tpu.pipeline_mode<synchronous>, transform_indices = @transform_7, window_bounds = array<i64: 1, 5120>}, {transform_indices = @transform_8, window_bounds = array<i64: 1024>}]} {
    %get3A = arith.constant 0 : index
    %get3A_0 = arith.constant 0 : index
    %get3A_1 = vector.load %arg1[%get3A, %get3A_0] : memref<64x1024xf32, #tpu.memory_space<vmem>>, vector<64x1024xf32>
    %get3A_2 = arith.constant 0 : index
    %get3A_3 = arith.constant 0 : index
    %get3A_4 = vector.load %arg2[%get3A_2, %get3A_3] : memref<32x64xf32, #tpu.memory_space<vmem>>, vector<32x64xf32>
    %dot_general3A = arith.constant dense<0.000000e+00> : vector<1024x32xf32>
    %dot_general3A_5 = tpu.matmul %get3A_1, %get3A_4, %dot_general3A {dimension_numbers = #tpu.dot_dimension_numbers<[0], [1], [1], [0], [0, 1, 1, 0], [], []>, transpose_lhs_hint = false} : vector<64x1024xf32>, vector<32x64xf32>, vector<1024x32xf32> -> vector<1024x32xf32>
    %get3A_6 = arith.constant 0 : index
    %get3A_7 = arith.constant 0 : index
    %get3A_8 = vector.load %arg3[%get3A_6, %get3A_7] : memref<1x32xf32, #tpu.memory_space<vmem>>, vector<1x32xf32>
    %add3A = vector.broadcast %get3A_8 : vector<1x32xf32> to vector<1024x32xf32>
    %add3A_9 = arith.addf %dot_general3A_5, %add3A : vector<1024x32xf32>
    %get3A_10 = arith.constant 0 : index
    %get3A_11 = arith.constant 0 : index
    %get3A_12 = vector.load %arg4[%get3A_10, %get3A_11] : memref<8x32xf32, #tpu.memory_space<vmem>>, vector<8x32xf32>
    %dot_general3A_13 = arith.constant dense<0.000000e+00> : vector<1024x8xf32>
    %dot_general3A_14 = tpu.matmul %add3A_9, %get3A_12, %dot_general3A_13 {dimension_numbers = #tpu.dot_dimension_numbers<[1], [1], [0], [0], [0, 0, 1, 0], [], []>, transpose_lhs_hint = false} : vector<1024x32xf32>, vector<8x32xf32>, vector<1024x8xf32> -> vector<1024x8xf32>
    %get3A_15 = arith.constant 0 : index
    %get3A_16 = arith.constant 0 : index
    %get3A_17 = vector.load %arg5[%get3A_15, %get3A_16] : memref<1x8xf32, #tpu.memory_space<vmem>>, vector<1x8xf32>
    %add3A_18 = vector.broadcast %get3A_17 : vector<1x8xf32> to vector<1024x8xf32>
    %add3A_19 = arith.addf %dot_general3A_14, %add3A_18 : vector<1024x8xf32>
    %get3A_20 = arith.constant 0 : index
    %get3A_21 = arith.constant 0 : index
    %get3A_22 = vector.load %arg6[%get3A_20, %get3A_21] : memref<8x5120xf32, #tpu.memory_space<vmem>>, vector<8x5120xf32>
    %dot_general3A_23 = arith.constant dense<0.000000e+00> : vector<1024x5120xf32>
    %dot_general3A_24 = tpu.matmul %add3A_19, %get3A_22, %dot_general3A_23 {dimension_numbers = #tpu.dot_dimension_numbers<[1], [0], [0], [1], [0, 0, 1, 1], [], []>, transpose_lhs_hint = false} : vector<1024x8xf32>, vector<8x5120xf32>, vector<1024x5120xf32> -> vector<1024x5120xf32>
    %get3A_25 = arith.constant 0 : index
    %get3A_26 = arith.constant 0 : index
    %get3A_27 = vector.load %arg7[%get3A_25, %get3A_26] : memref<1x5120xf32, #tpu.memory_space<vmem>>, vector<1x5120xf32>
    %add3A_28 = vector.broadcast %get3A_27 : vector<1x5120xf32> to vector<1024x5120xf32>
    %add3A_29 = arith.addf %dot_general3A_24, %add3A_28 : vector<1024x5120xf32>
    %get3A_30 = arith.constant 0 : index
    %get3A_31 = arith.constant 0 : index
    %get3A_32 = vector.load %arg8[%get3A_30, %get3A_31] : memref<1x5120xf32, #tpu.memory_space<vmem>>, vector<1x5120xf32>
    %slice3A = vector.extract_strided_slice %add3A_29 {offsets = [0, 0], sizes = [1024, 128], strides = [1, 1]} : vector<1024x5120xf32> to vector<1024x128xf32>
    %slice3A_33 = vector.extract_strided_slice %get3A_32 {offsets = [0, 0], sizes = [1, 128], strides = [1, 1]} : vector<1x5120xf32> to vector<1x128xf32>
    %broadcast_in_dim3A = vector.shape_cast %slice3A_33 : vector<1x128xf32> to vector<1x128xf32>
    %broadcast_in_dim3A_34 = vector.broadcast %broadcast_in_dim3A : vector<1x128xf32> to vector<1024x128xf32>
    %slice3A_35 = vector.extract_strided_slice %add3A_29 {offsets = [0, 128], sizes = [1024, 128], strides = [1, 1]} : vector<1024x5120xf32> to vector<1024x128xf32>
    %slice3A_36 = vector.extract_strided_slice %get3A_32 {offsets = [0, 128], sizes = [1, 128], strides = [1, 1]} : vector<1x5120xf32> to vector<1x128xf32>
    %broadcast_in_dim3A_37 = vector.shape_cast %slice3A_36 : vector<1x128xf32> to vector<1x128xf32>
    %broadcast_in_dim3A_38 = vector.broadcast %broadcast_in_dim3A_37 : vector<1x128xf32> to vector<1024x128xf32>
    %lt3A = arith.cmpf olt, %slice3A_35, %slice3A : vector<1024x128xf32>
    %select_n3A = arith.select %lt3A, %broadcast_in_dim3A_38, %broadcast_in_dim3A_34 : vector<1024x128xi1>, vector<1024x128xf32>
    %min3A = arith.minimumf %slice3A_35, %slice3A : vector<1024x128xf32>
    %slice3A_39 = vector.extract_strided_slice %add3A_29 {offsets = [0, 256], sizes = [1024, 128], strides = [1, 1]} : vector<1024x5120xf32> to vector<1024x128xf32>
    %slice3A_40 = vector.extract_strided_slice %get3A_32 {offsets = [0, 256], sizes = [1, 128], strides = [1, 1]} : vector<1x5120xf32> to vector<1x128xf32>
    %broadcast_in_dim3A_41 = vector.shape_cast %slice3A_40 : vector<1x128xf32> to vector<1x128xf32>
    %broadcast_in_dim3A_42 = vector.broadcast %broadcast_in_dim3A_41 : vector<1x128xf32> to vector<1024x128xf32>
    %lt3A_43 = arith.cmpf olt, %slice3A_39, %min3A : vector<1024x128xf32>
    %select_n3A_44 = arith.select %lt3A_43, %broadcast_in_dim3A_42, %select_n3A : vector<1024x128xi1>, vector<1024x128xf32>
    %min3A_45 = arith.minimumf %slice3A_39, %min3A : vector<1024x128xf32>
    %slice3A_46 = vector.extract_strided_slice %add3A_29 {offsets = [0, 384], sizes = [1024, 128], strides = [1, 1]} : vector<1024x5120xf32> to vector<1024x128xf32>
    %slice3A_47 = vector.extract_strided_slice %get3A_32 {offsets = [0, 384], sizes = [1, 128], strides = [1, 1]} : vector<1x5120xf32> to vector<1x128xf32>
    %broadcast_in_dim3A_48 = vector.shape_cast %slice3A_47 : vector<1x128xf32> to vector<1x128xf32>
    %broadcast_in_dim3A_49 = vector.broadcast %broadcast_in_dim3A_48 : vector<1x128xf32> to vector<1024x128xf32>
    %lt3A_50 = arith.cmpf olt, %slice3A_46, %min3A_45 : vector<1024x128xf32>
    %select_n3A_51 = arith.select %lt3A_50, %broadcast_in_dim3A_49, %select_n3A_44 : vector<1024x128xi1>, vector<1024x128xf32>
    %min3A_52 = arith.minimumf %slice3A_46, %min3A_45 : vector<1024x128xf32>
    %slice3A_53 = vector.extract_strided_slice %add3A_29 {offsets = [0, 512], sizes = [1024, 128], strides = [1, 1]} : vector<1024x5120xf32> to vector<1024x128xf32>
    %slice3A_54 = vector.extract_strided_slice %get3A_32 {offsets = [0, 512], sizes = [1, 128], strides = [1, 1]} : vector<1x5120xf32> to vector<1x128xf32>
    %broadcast_in_dim3A_55 = vector.shape_cast %slice3A_54 : vector<1x128xf32> to vector<1x128xf32>
    %broadcast_in_dim3A_56 = vector.broadcast %broadcast_in_dim3A_55 : vector<1x128xf32> to vector<1024x128xf32>
    %lt3A_57 = arith.cmpf olt, %slice3A_53, %min3A_52 : vector<1024x128xf32>
    %select_n3A_58 = arith.select %lt3A_57, %broadcast_in_dim3A_56, %select_n3A_51 : vector<1024x128xi1>, vector<1024x128xf32>
    %min3A_59 = arith.minimumf %slice3A_53, %min3A_52 : vector<1024x128xf32>
    %slice3A_60 = vector.extract_strided_slice %add3A_29 {offsets = [0, 640], sizes = [1024, 128], strides = [1, 1]} : vector<1024x5120xf32> to vector<1024x128xf32>
    %slice3A_61 = vector.extract_strided_slice %get3A_32 {offsets = [0, 640], sizes = [1, 128], strides = [1, 1]} : vector<1x5120xf32> to vector<1x128xf32>
    %broadcast_in_dim3A_62 = vector.shape_cast %slice3A_61 : vector<1x128xf32> to vector<1x128xf32>
    %broadcast_in_dim3A_63 = vector.broadcast %broadcast_in_dim3A_62 : vector<1x128xf32> to vector<1024x128xf32>
    %lt3A_64 = arith.cmpf olt, %slice3A_60, %min3A_59 : vector<1024x128xf32>
    %select_n3A_65 = arith.select %lt3A_64, %broadcast_in_dim3A_63, %select_n3A_58 : vector<1024x128xi1>, vector<1024x128xf32>
    %min3A_66 = arith.minimumf %slice3A_60, %min3A_59 : vector<1024x128xf32>
    %slice3A_67 = vector.extract_strided_slice %add3A_29 {offsets = [0, 768], sizes = [1024, 128], strides = [1, 1]} : vector<1024x5120xf32> to vector<1024x128xf32>
    %slice3A_68 = vector.extract_strided_slice %get3A_32 {offsets = [0, 768], sizes = [1, 128], strides = [1, 1]} : vector<1x5120xf32> to vector<1x128xf32>
    %broadcast_in_dim3A_69 = vector.shape_cast %slice3A_68 : vector<1x128xf32> to vector<1x128xf32>
    %broadcast_in_dim3A_70 = vector.broadcast %broadcast_in_dim3A_69 : vector<1x128xf32> to vector<1024x128xf32>
    %lt3A_71 = arith.cmpf olt, %slice3A_67, %min3A_66 : vector<1024x128xf32>
    %select_n3A_72 = arith.select %lt3A_71, %broadcast_in_dim3A_70, %select_n3A_65 : vector<1024x128xi1>, vector<1024x128xf32>
    %min3A_73 = arith.minimumf %slice3A_67, %min3A_66 : vector<1024x128xf32>
    %slice3A_74 = vector.extract_strided_slice %add3A_29 {offsets = [0, 896], sizes = [1024, 128], strides = [1, 1]} : vector<1024x5120xf32> to vector<1024x128xf32>
    %slice3A_75 = vector.extract_strided_slice %get3A_32 {offsets = [0, 896], sizes = [1, 128], strides = [1, 1]} : vector<1x5120xf32> to vector<1x128xf32>
    %broadcast_in_dim3A_76 = vector.shape_cast %slice3A_75 : vector<1x128xf32> to vector<1x128xf32>
    %broadcast_in_dim3A_77 = vector.broadcast %broadcast_in_dim3A_76 : vector<1x128xf32> to vector<1024x128xf32>
    %lt3A_78 = arith.cmpf olt, %slice3A_74, %min3A_73 : vector<1024x128xf32>
    %select_n3A_79 = arith.select %lt3A_78, %broadcast_in_dim3A_77, %select_n3A_72 : vector<1024x128xi1>, vector<1024x128xf32>
    %min3A_80 = arith.minimumf %slice3A_74, %min3A_73 : vector<1024x128xf32>
    %slice3A_81 = vector.extract_strided_slice %add3A_29 {offsets = [0, 1024], sizes = [1024, 128], strides = [1, 1]} : vector<1024x5120xf32> to vector<1024x128xf32>
    %slice3A_82 = vector.extract_strided_slice %get3A_32 {offsets = [0, 1024], sizes = [1, 128], strides = [1, 1]} : vector<1x5120xf32> to vector<1x128xf32>
    %broadcast_in_dim3A_83 = vector.shape_cast %slice3A_82 : vector<1x128xf32> to vector<1x128xf32>
    %broadcast_in_dim3A_84 = vector.broadcast %broadcast_in_dim3A_83 : vector<1x128xf32> to vector<1024x128xf32>
    %lt3A_85 = arith.cmpf olt, %slice3A_81, %min3A_80 : vector<1024x128xf32>
    %select_n3A_86 = arith.select %lt3A_85, %broadcast_in_dim3A_84, %select_n3A_79 : vector<1024x128xi1>, vector<1024x128xf32>
    %min3A_87 = arith.minimumf %slice3A_81, %min3A_80 : vector<1024x128xf32>
    %slice3A_88 = vector.extract_strided_slice %add3A_29 {offsets = [0, 1152], sizes = [1024, 128], strides = [1, 1]} : vector<1024x5120xf32> to vector<1024x128xf32>
    %slice3A_89 = vector.extract_strided_slice %get3A_32 {offsets = [0, 1152], sizes = [1, 128], strides = [1, 1]} : vector<1x5120xf32> to vector<1x128xf32>
    %broadcast_in_dim3A_90 = vector.shape_cast %slice3A_89 : vector<1x128xf32> to vector<1x128xf32>
    %broadcast_in_dim3A_91 = vector.broadcast %broadcast_in_dim3A_90 : vector<1x128xf32> to vector<1024x128xf32>
    %lt3A_92 = arith.cmpf olt, %slice3A_88, %min3A_87 : vector<1024x128xf32>
    %select_n3A_93 = arith.select %lt3A_92, %broadcast_in_dim3A_91, %select_n3A_86 : vector<1024x128xi1>, vector<1024x128xf32>
    %min3A_94 = arith.minimumf %slice3A_88, %min3A_87 : vector<1024x128xf32>
    %slice3A_95 = vector.extract_strided_slice %add3A_29 {offsets = [0, 1280], sizes = [1024, 128], strides = [1, 1]} : vector<1024x5120xf32> to vector<1024x128xf32>
    %slice3A_96 = vector.extract_strided_slice %get3A_32 {offsets = [0, 1280], sizes = [1, 128], strides = [1, 1]} : vector<1x5120xf32> to vector<1x128xf32>
    %broadcast_in_dim3A_97 = vector.shape_cast %slice3A_96 : vector<1x128xf32> to vector<1x128xf32>
    %broadcast_in_dim3A_98 = vector.broadcast %broadcast_in_dim3A_97 : vector<1x128xf32> to vector<1024x128xf32>
    %lt3A_99 = arith.cmpf olt, %slice3A_95, %min3A_94 : vector<1024x128xf32>
    %select_n3A_100 = arith.select %lt3A_99, %broadcast_in_dim3A_98, %select_n3A_93 : vector<1024x128xi1>, vector<1024x128xf32>
    %min3A_101 = arith.minimumf %slice3A_95, %min3A_94 : vector<1024x128xf32>
    %slice3A_102 = vector.extract_strided_slice %add3A_29 {offsets = [0, 1408], sizes = [1024, 128], strides = [1, 1]} : vector<1024x5120xf32> to vector<1024x128xf32>
    %slice3A_103 = vector.extract_strided_slice %get3A_32 {offsets = [0, 1408], sizes = [1, 128], strides = [1, 1]} : vector<1x5120xf32> to vector<1x128xf32>
    %broadcast_in_dim3A_104 = vector.shape_cast %slice3A_103 : vector<1x128xf32> to vector<1x128xf32>
    %broadcast_in_dim3A_105 = vector.broadcast %broadcast_in_dim3A_104 : vector<1x128xf32> to vector<1024x128xf32>
    %lt3A_106 = arith.cmpf olt, %slice3A_102, %min3A_101 : vector<1024x128xf32>
    %select_n3A_107 = arith.select %lt3A_106, %broadcast_in_dim3A_105, %select_n3A_100 : vector<1024x128xi1>, vector<1024x128xf32>
    %min3A_108 = arith.minimumf %slice3A_102, %min3A_101 : vector<1024x128xf32>
    %slice3A_109 = vector.extract_strided_slice %add3A_29 {offsets = [0, 1536], sizes = [1024, 128], strides = [1, 1]} : vector<1024x5120xf32> to vector<1024x128xf32>
    %slice3A_110 = vector.extract_strided_slice %get3A_32 {offsets = [0, 1536], sizes = [1, 128], strides = [1, 1]} : vector<1x5120xf32> to vector<1x128xf32>
    %broadcast_in_dim3A_111 = vector.shape_cast %slice3A_110 : vector<1x128xf32> to vector<1x128xf32>
    %broadcast_in_dim3A_112 = vector.broadcast %broadcast_in_dim3A_111 : vector<1x128xf32> to vector<1024x128xf32>
    %lt3A_113 = arith.cmpf olt, %slice3A_109, %min3A_108 : vector<1024x128xf32>
    %select_n3A_114 = arith.select %lt3A_113, %broadcast_in_dim3A_112, %select_n3A_107 : vector<1024x128xi1>, vector<1024x128xf32>
    %min3A_115 = arith.minimumf %slice3A_109, %min3A_108 : vector<1024x128xf32>
    %slice3A_116 = vector.extract_strided_slice %add3A_29 {offsets = [0, 1664], sizes = [1024, 128], strides = [1, 1]} : vector<1024x5120xf32> to vector<1024x128xf32>
    %slice3A_117 = vector.extract_strided_slice %get3A_32 {offsets = [0, 1664], sizes = [1, 128], strides = [1, 1]} : vector<1x5120xf32> to vector<1x128xf32>
    %broadcast_in_dim3A_118 = vector.shape_cast %slice3A_117 : vector<1x128xf32> to vector<1x128xf32>
    %broadcast_in_dim3A_119 = vector.broadcast %broadcast_in_dim3A_118 : vector<1x128xf32> to vector<1024x128xf32>
    %lt3A_120 = arith.cmpf olt, %slice3A_116, %min3A_115 : vector<1024x128xf32>
    %select_n3A_121 = arith.select %lt3A_120, %broadcast_in_dim3A_119, %select_n3A_114 : vector<1024x128xi1>, vector<1024x128xf32>
    %min3A_122 = arith.minimumf %slice3A_116, %min3A_115 : vector<1024x128xf32>
    %slice3A_123 = vector.extract_strided_slice %add3A_29 {offsets = [0, 1792], sizes = [1024, 128], strides = [1, 1]} : vector<1024x5120xf32> to vector<1024x128xf32>
    %slice3A_124 = vector.extract_strided_slice %get3A_32 {offsets = [0, 1792], sizes = [1, 128], strides = [1, 1]} : vector<1x5120xf32> to vector<1x128xf32>
    %broadcast_in_dim3A_125 = vector.shape_cast %slice3A_124 : vector<1x128xf32> to vector<1x128xf32>
    %broadcast_in_dim3A_126 = vector.broadcast %broadcast_in_dim3A_125 : vector<1x128xf32> to vector<1024x128xf32>
    %lt3A_127 = arith.cmpf olt, %slice3A_123, %min3A_122 : vector<1024x128xf32>
    %select_n3A_128 = arith.select %lt3A_127, %broadcast_in_dim3A_126, %select_n3A_121 : vector<1024x128xi1>, vector<1024x128xf32>
    %min3A_129 = arith.minimumf %slice3A_123, %min3A_122 : vector<1024x128xf32>
    %slice3A_130 = vector.extract_strided_slice %add3A_29 {offsets = [0, 1920], sizes = [1024, 128], strides = [1, 1]} : vector<1024x5120xf32> to vector<1024x128xf32>
    %slice3A_131 = vector.extract_strided_slice %get3A_32 {offsets = [0, 1920], sizes = [1, 128], strides = [1, 1]} : vector<1x5120xf32> to vector<1x128xf32>
    %broadcast_in_dim3A_132 = vector.shape_cast %slice3A_131 : vector<1x128xf32> to vector<1x128xf32>
    %broadcast_in_dim3A_133 = vector.broadcast %broadcast_in_dim3A_132 : vector<1x128xf32> to vector<1024x128xf32>
    %lt3A_134 = arith.cmpf olt, %slice3A_130, %min3A_129 : vector<1024x128xf32>
    %select_n3A_135 = arith.select %lt3A_134, %broadcast_in_dim3A_133, %select_n3A_128 : vector<1024x128xi1>, vector<1024x128xf32>
    %min3A_136 = arith.minimumf %slice3A_130, %min3A_129 : vector<1024x128xf32>
    %slice3A_137 = vector.extract_strided_slice %add3A_29 {offsets = [0, 2048], sizes = [1024, 128], strides = [1, 1]} : vector<1024x5120xf32> to vector<1024x128xf32>
    %slice3A_138 = vector.extract_strided_slice %get3A_32 {offsets = [0, 2048], sizes = [1, 128], strides = [1, 1]} : vector<1x5120xf32> to vector<1x128xf32>
    %broadcast_in_dim3A_139 = vector.shape_cast %slice3A_138 : vector<1x128xf32> to vector<1x128xf32>
    %broadcast_in_dim3A_140 = vector.broadcast %broadcast_in_dim3A_139 : vector<1x128xf32> to vector<1024x128xf32>
    %lt3A_141 = arith.cmpf olt, %slice3A_137, %min3A_136 : vector<1024x128xf32>
    %select_n3A_142 = arith.select %lt3A_141, %broadcast_in_dim3A_140, %select_n3A_135 : vector<1024x128xi1>, vector<1024x128xf32>
    %min3A_143 = arith.minimumf %slice3A_137, %min3A_136 : vector<1024x128xf32>
    %slice3A_144 = vector.extract_strided_slice %add3A_29 {offsets = [0, 2176], sizes = [1024, 128], strides = [1, 1]} : vector<1024x5120xf32> to vector<1024x128xf32>
    %slice3A_145 = vector.extract_strided_slice %get3A_32 {offsets = [0, 2176], sizes = [1, 128], strides = [1, 1]} : vector<1x5120xf32> to vector<1x128xf32>
    %broadcast_in_dim3A_146 = vector.shape_cast %slice3A_145 : vector<1x128xf32> to vector<1x128xf32>
    %broadcast_in_dim3A_147 = vector.broadcast %broadcast_in_dim3A_146 : vector<1x128xf32> to vector<1024x128xf32>
    %lt3A_148 = arith.cmpf olt, %slice3A_144, %min3A_143 : vector<1024x128xf32>
    %select_n3A_149 = arith.select %lt3A_148, %broadcast_in_dim3A_147, %select_n3A_142 : vector<1024x128xi1>, vector<1024x128xf32>
    %min3A_150 = arith.minimumf %slice3A_144, %min3A_143 : vector<1024x128xf32>
    %slice3A_151 = vector.extract_strided_slice %add3A_29 {offsets = [0, 2304], sizes = [1024, 128], strides = [1, 1]} : vector<1024x5120xf32> to vector<1024x128xf32>
    %slice3A_152 = vector.extract_strided_slice %get3A_32 {offsets = [0, 2304], sizes = [1, 128], strides = [1, 1]} : vector<1x5120xf32> to vector<1x128xf32>
    %broadcast_in_dim3A_153 = vector.shape_cast %slice3A_152 : vector<1x128xf32> to vector<1x128xf32>
    %broadcast_in_dim3A_154 = vector.broadcast %broadcast_in_dim3A_153 : vector<1x128xf32> to vector<1024x128xf32>
    %lt3A_155 = arith.cmpf olt, %slice3A_151, %min3A_150 : vector<1024x128xf32>
    %select_n3A_156 = arith.select %lt3A_155, %broadcast_in_dim3A_154, %select_n3A_149 : vector<1024x128xi1>, vector<1024x128xf32>
    %min3A_157 = arith.minimumf %slice3A_151, %min3A_150 : vector<1024x128xf32>
    %slice3A_158 = vector.extract_strided_slice %add3A_29 {offsets = [0, 2432], sizes = [1024, 128], strides = [1, 1]} : vector<1024x5120xf32> to vector<1024x128xf32>
    %slice3A_159 = vector.extract_strided_slice %get3A_32 {offsets = [0, 2432], sizes = [1, 128], strides = [1, 1]} : vector<1x5120xf32> to vector<1x128xf32>
    %broadcast_in_dim3A_160 = vector.shape_cast %slice3A_159 : vector<1x128xf32> to vector<1x128xf32>
    %broadcast_in_dim3A_161 = vector.broadcast %broadcast_in_dim3A_160 : vector<1x128xf32> to vector<1024x128xf32>
    %lt3A_162 = arith.cmpf olt, %slice3A_158, %min3A_157 : vector<1024x128xf32>
    %select_n3A_163 = arith.select %lt3A_162, %broadcast_in_dim3A_161, %select_n3A_156 : vector<1024x128xi1>, vector<1024x128xf32>
    %min3A_164 = arith.minimumf %slice3A_158, %min3A_157 : vector<1024x128xf32>
    %slice3A_165 = vector.extract_strided_slice %add3A_29 {offsets = [0, 2560], sizes = [1024, 128], strides = [1, 1]} : vector<1024x5120xf32> to vector<1024x128xf32>
    %slice3A_166 = vector.extract_strided_slice %get3A_32 {offsets = [0, 2560], sizes = [1, 128], strides = [1, 1]} : vector<1x5120xf32> to vector<1x128xf32>
    %broadcast_in_dim3A_167 = vector.shape_cast %slice3A_166 : vector<1x128xf32> to vector<1x128xf32>
    %broadcast_in_dim3A_168 = vector.broadcast %broadcast_in_dim3A_167 : vector<1x128xf32> to vector<1024x128xf32>
    %lt3A_169 = arith.cmpf olt, %slice3A_165, %min3A_164 : vector<1024x128xf32>
    %select_n3A_170 = arith.select %lt3A_169, %broadcast_in_dim3A_168, %select_n3A_163 : vector<1024x128xi1>, vector<1024x128xf32>
    %min3A_171 = arith.minimumf %slice3A_165, %min3A_164 : vector<1024x128xf32>
    %slice3A_172 = vector.extract_strided_slice %add3A_29 {offsets = [0, 2688], sizes = [1024, 128], strides = [1, 1]} : vector<1024x5120xf32> to vector<1024x128xf32>
    %slice3A_173 = vector.extract_strided_slice %get3A_32 {offsets = [0, 2688], sizes = [1, 128], strides = [1, 1]} : vector<1x5120xf32> to vector<1x128xf32>
    %broadcast_in_dim3A_174 = vector.shape_cast %slice3A_173 : vector<1x128xf32> to vector<1x128xf32>
    %broadcast_in_dim3A_175 = vector.broadcast %broadcast_in_dim3A_174 : vector<1x128xf32> to vector<1024x128xf32>
    %lt3A_176 = arith.cmpf olt, %slice3A_172, %min3A_171 : vector<1024x128xf32>
    %select_n3A_177 = arith.select %lt3A_176, %broadcast_in_dim3A_175, %select_n3A_170 : vector<1024x128xi1>, vector<1024x128xf32>
    %min3A_178 = arith.minimumf %slice3A_172, %min3A_171 : vector<1024x128xf32>
    %slice3A_179 = vector.extract_strided_slice %add3A_29 {offsets = [0, 2816], sizes = [1024, 128], strides = [1, 1]} : vector<1024x5120xf32> to vector<1024x128xf32>
    %slice3A_180 = vector.extract_strided_slice %get3A_32 {offsets = [0, 2816], sizes = [1, 128], strides = [1, 1]} : vector<1x5120xf32> to vector<1x128xf32>
    %broadcast_in_dim3A_181 = vector.shape_cast %slice3A_180 : vector<1x128xf32> to vector<1x128xf32>
    %broadcast_in_dim3A_182 = vector.broadcast %broadcast_in_dim3A_181 : vector<1x128xf32> to vector<1024x128xf32>
    %lt3A_183 = arith.cmpf olt, %slice3A_179, %min3A_178 : vector<1024x128xf32>
    %select_n3A_184 = arith.select %lt3A_183, %broadcast_in_dim3A_182, %select_n3A_177 : vector<1024x128xi1>, vector<1024x128xf32>
    %min3A_185 = arith.minimumf %slice3A_179, %min3A_178 : vector<1024x128xf32>
    %slice3A_186 = vector.extract_strided_slice %add3A_29 {offsets = [0, 2944], sizes = [1024, 128], strides = [1, 1]} : vector<1024x5120xf32> to vector<1024x128xf32>
    %slice3A_187 = vector.extract_strided_slice %get3A_32 {offsets = [0, 2944], sizes = [1, 128], strides = [1, 1]} : vector<1x5120xf32> to vector<1x128xf32>
    %broadcast_in_dim3A_188 = vector.shape_cast %slice3A_187 : vector<1x128xf32> to vector<1x128xf32>
    %broadcast_in_dim3A_189 = vector.broadcast %broadcast_in_dim3A_188 : vector<1x128xf32> to vector<1024x128xf32>
    %lt3A_190 = arith.cmpf olt, %slice3A_186, %min3A_185 : vector<1024x128xf32>
    %select_n3A_191 = arith.select %lt3A_190, %broadcast_in_dim3A_189, %select_n3A_184 : vector<1024x128xi1>, vector<1024x128xf32>
    %min3A_192 = arith.minimumf %slice3A_186, %min3A_185 : vector<1024x128xf32>
    %slice3A_193 = vector.extract_strided_slice %add3A_29 {offsets = [0, 3072], sizes = [1024, 128], strides = [1, 1]} : vector<1024x5120xf32> to vector<1024x128xf32>
    %slice3A_194 = vector.extract_strided_slice %get3A_32 {offsets = [0, 3072], sizes = [1, 128], strides = [1, 1]} : vector<1x5120xf32> to vector<1x128xf32>
    %broadcast_in_dim3A_195 = vector.shape_cast %slice3A_194 : vector<1x128xf32> to vector<1x128xf32>
    %broadcast_in_dim3A_196 = vector.broadcast %broadcast_in_dim3A_195 : vector<1x128xf32> to vector<1024x128xf32>
    %lt3A_197 = arith.cmpf olt, %slice3A_193, %min3A_192 : vector<1024x128xf32>
    %select_n3A_198 = arith.select %lt3A_197, %broadcast_in_dim3A_196, %select_n3A_191 : vector<1024x128xi1>, vector<1024x128xf32>
    %min3A_199 = arith.minimumf %slice3A_193, %min3A_192 : vector<1024x128xf32>
    %slice3A_200 = vector.extract_strided_slice %add3A_29 {offsets = [0, 3200], sizes = [1024, 128], strides = [1, 1]} : vector<1024x5120xf32> to vector<1024x128xf32>
    %slice3A_201 = vector.extract_strided_slice %get3A_32 {offsets = [0, 3200], sizes = [1, 128], strides = [1, 1]} : vector<1x5120xf32> to vector<1x128xf32>
    %broadcast_in_dim3A_202 = vector.shape_cast %slice3A_201 : vector<1x128xf32> to vector<1x128xf32>
    %broadcast_in_dim3A_203 = vector.broadcast %broadcast_in_dim3A_202 : vector<1x128xf32> to vector<1024x128xf32>
    %lt3A_204 = arith.cmpf olt, %slice3A_200, %min3A_199 : vector<1024x128xf32>
    %select_n3A_205 = arith.select %lt3A_204, %broadcast_in_dim3A_203, %select_n3A_198 : vector<1024x128xi1>, vector<1024x128xf32>
    %min3A_206 = arith.minimumf %slice3A_200, %min3A_199 : vector<1024x128xf32>
    %slice3A_207 = vector.extract_strided_slice %add3A_29 {offsets = [0, 3328], sizes = [1024, 128], strides = [1, 1]} : vector<1024x5120xf32> to vector<1024x128xf32>
    %slice3A_208 = vector.extract_strided_slice %get3A_32 {offsets = [0, 3328], sizes = [1, 128], strides = [1, 1]} : vector<1x5120xf32> to vector<1x128xf32>
    %broadcast_in_dim3A_209 = vector.shape_cast %slice3A_208 : vector<1x128xf32> to vector<1x128xf32>
    %broadcast_in_dim3A_210 = vector.broadcast %broadcast_in_dim3A_209 : vector<1x128xf32> to vector<1024x128xf32>
    %lt3A_211 = arith.cmpf olt, %slice3A_207, %min3A_206 : vector<1024x128xf32>
    %select_n3A_212 = arith.select %lt3A_211, %broadcast_in_dim3A_210, %select_n3A_205 : vector<1024x128xi1>, vector<1024x128xf32>
    %min3A_213 = arith.minimumf %slice3A_207, %min3A_206 : vector<1024x128xf32>
    %slice3A_214 = vector.extract_strided_slice %add3A_29 {offsets = [0, 3456], sizes = [1024, 128], strides = [1, 1]} : vector<1024x5120xf32> to vector<1024x128xf32>
    %slice3A_215 = vector.extract_strided_slice %get3A_32 {offsets = [0, 3456], sizes = [1, 128], strides = [1, 1]} : vector<1x5120xf32> to vector<1x128xf32>
    %broadcast_in_dim3A_216 = vector.shape_cast %slice3A_215 : vector<1x128xf32> to vector<1x128xf32>
    %broadcast_in_dim3A_217 = vector.broadcast %broadcast_in_dim3A_216 : vector<1x128xf32> to vector<1024x128xf32>
    %lt3A_218 = arith.cmpf olt, %slice3A_214, %min3A_213 : vector<1024x128xf32>
    %select_n3A_219 = arith.select %lt3A_218, %broadcast_in_dim3A_217, %select_n3A_212 : vector<1024x128xi1>, vector<1024x128xf32>
    %min3A_220 = arith.minimumf %slice3A_214, %min3A_213 : vector<1024x128xf32>
    %slice3A_221 = vector.extract_strided_slice %add3A_29 {offsets = [0, 3584], sizes = [1024, 128], strides = [1, 1]} : vector<1024x5120xf32> to vector<1024x128xf32>
    %slice3A_222 = vector.extract_strided_slice %get3A_32 {offsets = [0, 3584], sizes = [1, 128], strides = [1, 1]} : vector<1x5120xf32> to vector<1x128xf32>
    %broadcast_in_dim3A_223 = vector.shape_cast %slice3A_222 : vector<1x128xf32> to vector<1x128xf32>
    %broadcast_in_dim3A_224 = vector.broadcast %broadcast_in_dim3A_223 : vector<1x128xf32> to vector<1024x128xf32>
    %lt3A_225 = arith.cmpf olt, %slice3A_221, %min3A_220 : vector<1024x128xf32>
    %select_n3A_226 = arith.select %lt3A_225, %broadcast_in_dim3A_224, %select_n3A_219 : vector<1024x128xi1>, vector<1024x128xf32>
    %min3A_227 = arith.minimumf %slice3A_221, %min3A_220 : vector<1024x128xf32>
    %slice3A_228 = vector.extract_strided_slice %add3A_29 {offsets = [0, 3712], sizes = [1024, 128], strides = [1, 1]} : vector<1024x5120xf32> to vector<1024x128xf32>
    %slice3A_229 = vector.extract_strided_slice %get3A_32 {offsets = [0, 3712], sizes = [1, 128], strides = [1, 1]} : vector<1x5120xf32> to vector<1x128xf32>
    %broadcast_in_dim3A_230 = vector.shape_cast %slice3A_229 : vector<1x128xf32> to vector<1x128xf32>
    %broadcast_in_dim3A_231 = vector.broadcast %broadcast_in_dim3A_230 : vector<1x128xf32> to vector<1024x128xf32>
    %lt3A_232 = arith.cmpf olt, %slice3A_228, %min3A_227 : vector<1024x128xf32>
    %select_n3A_233 = arith.select %lt3A_232, %broadcast_in_dim3A_231, %select_n3A_226 : vector<1024x128xi1>, vector<1024x128xf32>
    %min3A_234 = arith.minimumf %slice3A_228, %min3A_227 : vector<1024x128xf32>
    %slice3A_235 = vector.extract_strided_slice %add3A_29 {offsets = [0, 3840], sizes = [1024, 128], strides = [1, 1]} : vector<1024x5120xf32> to vector<1024x128xf32>
    %slice3A_236 = vector.extract_strided_slice %get3A_32 {offsets = [0, 3840], sizes = [1, 128], strides = [1, 1]} : vector<1x5120xf32> to vector<1x128xf32>
    %broadcast_in_dim3A_237 = vector.shape_cast %slice3A_236 : vector<1x128xf32> to vector<1x128xf32>
    %broadcast_in_dim3A_238 = vector.broadcast %broadcast_in_dim3A_237 : vector<1x128xf32> to vector<1024x128xf32>
    %lt3A_239 = arith.cmpf olt, %slice3A_235, %min3A_234 : vector<1024x128xf32>
    %select_n3A_240 = arith.select %lt3A_239, %broadcast_in_dim3A_238, %select_n3A_233 : vector<1024x128xi1>, vector<1024x128xf32>
    %min3A_241 = arith.minimumf %slice3A_235, %min3A_234 : vector<1024x128xf32>
    %slice3A_242 = vector.extract_strided_slice %add3A_29 {offsets = [0, 3968], sizes = [1024, 128], strides = [1, 1]} : vector<1024x5120xf32> to vector<1024x128xf32>
    %slice3A_243 = vector.extract_strided_slice %get3A_32 {offsets = [0, 3968], sizes = [1, 128], strides = [1, 1]} : vector<1x5120xf32> to vector<1x128xf32>
    %broadcast_in_dim3A_244 = vector.shape_cast %slice3A_243 : vector<1x128xf32> to vector<1x128xf32>
    %broadcast_in_dim3A_245 = vector.broadcast %broadcast_in_dim3A_244 : vector<1x128xf32> to vector<1024x128xf32>
    %lt3A_246 = arith.cmpf olt, %slice3A_242, %min3A_241 : vector<1024x128xf32>
    %select_n3A_247 = arith.select %lt3A_246, %broadcast_in_dim3A_245, %select_n3A_240 : vector<1024x128xi1>, vector<1024x128xf32>
    %min3A_248 = arith.minimumf %slice3A_242, %min3A_241 : vector<1024x128xf32>
    %slice3A_249 = vector.extract_strided_slice %add3A_29 {offsets = [0, 4096], sizes = [1024, 128], strides = [1, 1]} : vector<1024x5120xf32> to vector<1024x128xf32>
    %slice3A_250 = vector.extract_strided_slice %get3A_32 {offsets = [0, 4096], sizes = [1, 128], strides = [1, 1]} : vector<1x5120xf32> to vector<1x128xf32>
    %broadcast_in_dim3A_251 = vector.shape_cast %slice3A_250 : vector<1x128xf32> to vector<1x128xf32>
    %broadcast_in_dim3A_252 = vector.broadcast %broadcast_in_dim3A_251 : vector<1x128xf32> to vector<1024x128xf32>
    %lt3A_253 = arith.cmpf olt, %slice3A_249, %min3A_248 : vector<1024x128xf32>
    %select_n3A_254 = arith.select %lt3A_253, %broadcast_in_dim3A_252, %select_n3A_247 : vector<1024x128xi1>, vector<1024x128xf32>
    %min3A_255 = arith.minimumf %slice3A_249, %min3A_248 : vector<1024x128xf32>
    %slice3A_256 = vector.extract_strided_slice %add3A_29 {offsets = [0, 4224], sizes = [1024, 128], strides = [1, 1]} : vector<1024x5120xf32> to vector<1024x128xf32>
    %slice3A_257 = vector.extract_strided_slice %get3A_32 {offsets = [0, 4224], sizes = [1, 128], strides = [1, 1]} : vector<1x5120xf32> to vector<1x128xf32>
    %broadcast_in_dim3A_258 = vector.shape_cast %slice3A_257 : vector<1x128xf32> to vector<1x128xf32>
    %broadcast_in_dim3A_259 = vector.broadcast %broadcast_in_dim3A_258 : vector<1x128xf32> to vector<1024x128xf32>
    %lt3A_260 = arith.cmpf olt, %slice3A_256, %min3A_255 : vector<1024x128xf32>
    %select_n3A_261 = arith.select %lt3A_260, %broadcast_in_dim3A_259, %select_n3A_254 : vector<1024x128xi1>, vector<1024x128xf32>
    %min3A_262 = arith.minimumf %slice3A_256, %min3A_255 : vector<1024x128xf32>
    %slice3A_263 = vector.extract_strided_slice %add3A_29 {offsets = [0, 4352], sizes = [1024, 128], strides = [1, 1]} : vector<1024x5120xf32> to vector<1024x128xf32>
    %slice3A_264 = vector.extract_strided_slice %get3A_32 {offsets = [0, 4352], sizes = [1, 128], strides = [1, 1]} : vector<1x5120xf32> to vector<1x128xf32>
    %broadcast_in_dim3A_265 = vector.shape_cast %slice3A_264 : vector<1x128xf32> to vector<1x128xf32>
    %broadcast_in_dim3A_266 = vector.broadcast %broadcast_in_dim3A_265 : vector<1x128xf32> to vector<1024x128xf32>
    %lt3A_267 = arith.cmpf olt, %slice3A_263, %min3A_262 : vector<1024x128xf32>
    %select_n3A_268 = arith.select %lt3A_267, %broadcast_in_dim3A_266, %select_n3A_261 : vector<1024x128xi1>, vector<1024x128xf32>
    %min3A_269 = arith.minimumf %slice3A_263, %min3A_262 : vector<1024x128xf32>
    %slice3A_270 = vector.extract_strided_slice %add3A_29 {offsets = [0, 4480], sizes = [1024, 128], strides = [1, 1]} : vector<1024x5120xf32> to vector<1024x128xf32>
    %slice3A_271 = vector.extract_strided_slice %get3A_32 {offsets = [0, 4480], sizes = [1, 128], strides = [1, 1]} : vector<1x5120xf32> to vector<1x128xf32>
    %broadcast_in_dim3A_272 = vector.shape_cast %slice3A_271 : vector<1x128xf32> to vector<1x128xf32>
    %broadcast_in_dim3A_273 = vector.broadcast %broadcast_in_dim3A_272 : vector<1x128xf32> to vector<1024x128xf32>
    %lt3A_274 = arith.cmpf olt, %slice3A_270, %min3A_269 : vector<1024x128xf32>
    %select_n3A_275 = arith.select %lt3A_274, %broadcast_in_dim3A_273, %select_n3A_268 : vector<1024x128xi1>, vector<1024x128xf32>
    %min3A_276 = arith.minimumf %slice3A_270, %min3A_269 : vector<1024x128xf32>
    %slice3A_277 = vector.extract_strided_slice %add3A_29 {offsets = [0, 4608], sizes = [1024, 128], strides = [1, 1]} : vector<1024x5120xf32> to vector<1024x128xf32>
    %slice3A_278 = vector.extract_strided_slice %get3A_32 {offsets = [0, 4608], sizes = [1, 128], strides = [1, 1]} : vector<1x5120xf32> to vector<1x128xf32>
    %broadcast_in_dim3A_279 = vector.shape_cast %slice3A_278 : vector<1x128xf32> to vector<1x128xf32>
    %broadcast_in_dim3A_280 = vector.broadcast %broadcast_in_dim3A_279 : vector<1x128xf32> to vector<1024x128xf32>
    %lt3A_281 = arith.cmpf olt, %slice3A_277, %min3A_276 : vector<1024x128xf32>
    %select_n3A_282 = arith.select %lt3A_281, %broadcast_in_dim3A_280, %select_n3A_275 : vector<1024x128xi1>, vector<1024x128xf32>
    %min3A_283 = arith.minimumf %slice3A_277, %min3A_276 : vector<1024x128xf32>
    %slice3A_284 = vector.extract_strided_slice %add3A_29 {offsets = [0, 4736], sizes = [1024, 128], strides = [1, 1]} : vector<1024x5120xf32> to vector<1024x128xf32>
    %slice3A_285 = vector.extract_strided_slice %get3A_32 {offsets = [0, 4736], sizes = [1, 128], strides = [1, 1]} : vector<1x5120xf32> to vector<1x128xf32>
    %broadcast_in_dim3A_286 = vector.shape_cast %slice3A_285 : vector<1x128xf32> to vector<1x128xf32>
    %broadcast_in_dim3A_287 = vector.broadcast %broadcast_in_dim3A_286 : vector<1x128xf32> to vector<1024x128xf32>
    %lt3A_288 = arith.cmpf olt, %slice3A_284, %min3A_283 : vector<1024x128xf32>
    %select_n3A_289 = arith.select %lt3A_288, %broadcast_in_dim3A_287, %select_n3A_282 : vector<1024x128xi1>, vector<1024x128xf32>
    %min3A_290 = arith.minimumf %slice3A_284, %min3A_283 : vector<1024x128xf32>
    %slice3A_291 = vector.extract_strided_slice %add3A_29 {offsets = [0, 4864], sizes = [1024, 128], strides = [1, 1]} : vector<1024x5120xf32> to vector<1024x128xf32>
    %slice3A_292 = vector.extract_strided_slice %get3A_32 {offsets = [0, 4864], sizes = [1, 128], strides = [1, 1]} : vector<1x5120xf32> to vector<1x128xf32>
    %broadcast_in_dim3A_293 = vector.shape_cast %slice3A_292 : vector<1x128xf32> to vector<1x128xf32>
    %broadcast_in_dim3A_294 = vector.broadcast %broadcast_in_dim3A_293 : vector<1x128xf32> to vector<1024x128xf32>
    %lt3A_295 = arith.cmpf olt, %slice3A_291, %min3A_290 : vector<1024x128xf32>
    %select_n3A_296 = arith.select %lt3A_295, %broadcast_in_dim3A_294, %select_n3A_289 : vector<1024x128xi1>, vector<1024x128xf32>
    %min3A_297 = arith.minimumf %slice3A_291, %min3A_290 : vector<1024x128xf32>
    %slice3A_298 = vector.extract_strided_slice %add3A_29 {offsets = [0, 4992], sizes = [1024, 128], strides = [1, 1]} : vector<1024x5120xf32> to vector<1024x128xf32>
    %slice3A_299 = vector.extract_strided_slice %get3A_32 {offsets = [0, 4992], sizes = [1, 128], strides = [1, 1]} : vector<1x5120xf32> to vector<1x128xf32>
    %broadcast_in_dim3A_300 = vector.shape_cast %slice3A_299 : vector<1x128xf32> to vector<1x128xf32>
    %broadcast_in_dim3A_301 = vector.broadcast %broadcast_in_dim3A_300 : vector<1x128xf32> to vector<1024x128xf32>
    %lt3A_302 = arith.cmpf olt, %slice3A_298, %min3A_297 : vector<1024x128xf32>
    %select_n3A_303 = arith.select %lt3A_302, %broadcast_in_dim3A_301, %select_n3A_296 : vector<1024x128xi1>, vector<1024x128xf32>
    %min3A_304 = arith.minimumf %slice3A_298, %min3A_297 : vector<1024x128xf32>
    %reduce_min3A = arith.constant dense<0x7F800000> : vector<1024xf32>
    %reduce_min3A_305 = vector.multi_reduction <minimumf>, %min3A_304, %reduce_min3A [1] : vector<1024x128xf32> to vector<1024xf32>
    %broadcast_in_dim3A_306 = vector.shape_cast %reduce_min3A_305 : vector<1024xf32> to vector<1024x1xf32>
    %eq3A = vector.broadcast %broadcast_in_dim3A_306 : vector<1024x1xf32> to vector<1024x128xf32>
    %eq3A_307 = arith.cmpf oeq, %min3A_304, %eq3A : vector<1024x128xf32>
    %jit3A = arith.constant 6.553600e+04 : f32
    %broadcast_in_dim3A_308 = vector.broadcast %jit3A : f32 to vector<1024x128xf32>
    %select_n3A_309 = arith.select %eq3A_307, %select_n3A_303, %broadcast_in_dim3A_308 : vector<1024x128xi1>, vector<1024x128xf32>
    %reduce_min3A_310 = arith.constant dense<0x7F800000> : vector<1024xf32>
    %reduce_min3A_311 = vector.multi_reduction <minimumf>, %select_n3A_309, %reduce_min3A_310 [1] : vector<1024x128xf32> to vector<1024xf32>
    %convert_element_type3A = arith.fptosi %reduce_min3A_311 : vector<1024xf32> to vector<1024xi32>
    %swap3A = arith.constant 0 : index
    %swap3A_312 = vector.load %arg9[%swap3A] : memref<1024xi32, #tpu.memory_space<vmem>>, vector<1024xi32>
    tpu.vector_store %arg9[%swap3A], %convert_element_type3A {strides = array<i32>} : memref<1024xi32, #tpu.memory_space<vmem>>, vector<1024xi32>,
    return
  }
  func.func @transform_0(%arg0: i32) -> (i32, i32) {
    %add3A = arith.constant 4 : i32
    %add3A_0 = arith.addi %arg0, %add3A : i32
    %c0_i32 = arith.constant 0 : i32
    %c0_i32_1 = arith.constant 0 : i32
    return %c0_i32, %add3A_0 : i32, i32
  }
  func.func @transform_1(%arg0: i32) -> (i32, i32) {
    %c0_i32 = arith.constant 0 : i32
    %c0_i32_0 = arith.constant 0 : i32
    %c0_i32_1 = arith.constant 0 : i32
    return %c0_i32, %c0_i32_0 : i32, i32
  }
  func.func @transform_2(%arg0: i32) -> (i32, i32) {
    %c0_i32 = arith.constant 0 : i32
    %c0_i32_0 = arith.constant 0 : i32
    %c0_i32_1 = arith.constant 0 : i32
    return %c0_i32, %c0_i32_0 : i32, i32
  }
  func.func @transform_3(%arg0: i32) -> (i32, i32) {
    %c0_i32 = arith.constant 0 : i32
    %c0_i32_0 = arith.constant 0 : i32
    %c0_i32_1 = arith.constant 0 : i32
    return %c0_i32, %c0_i32_0 : i32, i32
  }
  func.func @transform_4(%arg0: i32) -> (i32, i32) {
    %c0_i32 = arith.constant 0 : i32
    %c0_i32_0 = arith.constant 0 : i32
    %c0_i32_1 = arith.constant 0 : i32
    return %c0_i32, %c0_i32_0 : i32, i32
  }
  func.func @transform_5(%arg0: i32) -> (i32, i32) {
    %c0_i32 = arith.constant 0 : i32
    %c0_i32_0 = arith.constant 0 : i32
    %c0_i32_1 = arith.constant 0 : i32
    return %c0_i32, %c0_i32_0 : i32, i32
  }
  func.func @transform_6(%arg0: i32) -> (i32, i32) {
    %c0_i32 = arith.constant 0 : i32
    %c0_i32_0 = arith.constant 0 : i32
    %c0_i32_1 = arith.constant 0 : i32
    return %c0_i32, %c0_i32_0 : i32, i32
  }
  func.func @transform_7(%arg0: i32) -> (i32, i32) {
    %c0_i32 = arith.constant 0 : i32
    %c0_i32_0 = arith.constant 0 : i32
    %c0_i32_1 = arith.constant 0 : i32
    return %c0_i32, %c0_i32_0 : i32, i32
  }
  func.func @transform_8(%arg0: i32) -> i32 {
    %c0_i32 = arith.constant 0 : i32
    return %arg0 : i32
  }
}

module attributes {stable_mosaic.version = 14 : i64} {
  func.func @body(%arg0: i32, %arg1: memref<64x1024xf32, #tpu.memory_space<vmem>>, %arg2: memref<32x64xf32, #tpu.memory_space<vmem>>, %arg3: memref<1x32xf32, #tpu.memory_space<vmem>>, %arg4: memref<8x32xf32, #tpu.memory_space<vmem>>, %arg5: memref<1x8xf32, #tpu.memory_space<vmem>>, %arg6: memref<8x5120xf32, #tpu.memory_space<vmem>>, %arg7: memref<1x5120xf32, #tpu.memory_space<vmem>>, %arg8: memref<1x5120xf32, #tpu.memory_space<vmem>>, %arg9: memref<1024xi32, #tpu.memory_space<vmem>>) attributes {dimension_semantics = [#tpu.dimension_semantics<arbitrary>], iteration_bounds = array<i64: 4>, scalar_prefetch = 0 : i64, scratch_operands = 0 : i64, tpu.core_type = #tpu.core_type<tc>, window_params = [{transform_indices = @transform_0, window_bounds = array<i64: 64, 1024>}, {pipeline_mode = #tpu.pipeline_mode<synchronous>, transform_indices = @transform_1, window_bounds = array<i64: 32, 64>}, {pipeline_mode = #tpu.pipeline_mode<synchronous>, transform_indices = @transform_2, window_bounds = array<i64: 1, 32>}, {pipeline_mode = #tpu.pipeline_mode<synchronous>, transform_indices = @transform_3, window_bounds = array<i64: 8, 32>}, {pipeline_mode = #tpu.pipeline_mode<synchronous>, transform_indices = @transform_4, window_bounds = array<i64: 1, 8>}, {pipeline_mode = #tpu.pipeline_mode<synchronous>, transform_indices = @transform_5, window_bounds = array<i64: 8, 5120>}, {pipeline_mode = #tpu.pipeline_mode<synchronous>, transform_indices = @transform_6, window_bounds = array<i64: 1, 5120>}, {pipeline_mode = #tpu.pipeline_mode<synchronous>, transform_indices = @transform_7, window_bounds = array<i64: 1, 5120>}, {transform_indices = @transform_8, window_bounds = array<i64: 1024>}]} {
    %get3A = arith.constant 0 : index
    %get3A_0 = arith.constant 0 : index
    %get3A_1 = vector.load %arg1[%get3A, %get3A_0] : memref<64x1024xf32, #tpu.memory_space<vmem>>, vector<64x1024xf32>
    %get3A_2 = arith.constant 0 : index
    %get3A_3 = arith.constant 0 : index
    %get3A_4 = vector.load %arg2[%get3A_2, %get3A_3] : memref<32x64xf32, #tpu.memory_space<vmem>>, vector<32x64xf32>
    %dot_general3A = arith.constant dense<0.000000e+00> : vector<1024x32xf32>
    %dot_general3A_5 = tpu.matmul %get3A_1, %get3A_4, %dot_general3A {dimension_numbers = #tpu.dot_dimension_numbers<[0], [1], [1], [0], [0, 1, 1, 0], [], []>, transpose_lhs_hint = false} : vector<64x1024xf32>, vector<32x64xf32>, vector<1024x32xf32> -> vector<1024x32xf32>
    %get3A_6 = arith.constant 0 : index
    %get3A_7 = arith.constant 0 : index
    %get3A_8 = vector.load %arg3[%get3A_6, %get3A_7] : memref<1x32xf32, #tpu.memory_space<vmem>>, vector<1x32xf32>
    %add3A = vector.broadcast %get3A_8 : vector<1x32xf32> to vector<1024x32xf32>
    %add3A_9 = arith.addf %dot_general3A_5, %add3A : vector<1024x32xf32>
    %get3A_10 = arith.constant 0 : index
    %get3A_11 = arith.constant 0 : index
    %get3A_12 = vector.load %arg4[%get3A_10, %get3A_11] : memref<8x32xf32, #tpu.memory_space<vmem>>, vector<8x32xf32>
    %dot_general3A_13 = arith.constant dense<0.000000e+00> : vector<1024x8xf32>
    %dot_general3A_14 = tpu.matmul %add3A_9, %get3A_12, %dot_general3A_13 {dimension_numbers = #tpu.dot_dimension_numbers<[1], [1], [0], [0], [0, 0, 1, 0], [], []>, transpose_lhs_hint = false} : vector<1024x32xf32>, vector<8x32xf32>, vector<1024x8xf32> -> vector<1024x8xf32>
    %get3A_15 = arith.constant 0 : index
    %get3A_16 = arith.constant 0 : index
    %get3A_17 = vector.load %arg5[%get3A_15, %get3A_16] : memref<1x8xf32, #tpu.memory_space<vmem>>, vector<1x8xf32>
    %add3A_18 = vector.broadcast %get3A_17 : vector<1x8xf32> to vector<1024x8xf32>
    %add3A_19 = arith.addf %dot_general3A_14, %add3A_18 : vector<1024x8xf32>
    %get3A_20 = arith.constant 0 : index
    %get3A_21 = arith.constant 0 : index
    %get3A_22 = vector.load %arg6[%get3A_20, %get3A_21] : memref<8x5120xf32, #tpu.memory_space<vmem>>, vector<8x5120xf32>
    %dot_general3A_23 = arith.constant dense<0.000000e+00> : vector<1024x5120xf32>
    %dot_general3A_24 = tpu.matmul %add3A_19, %get3A_22, %dot_general3A_23 {dimension_numbers = #tpu.dot_dimension_numbers<[1], [0], [0], [1], [0, 0, 1, 1], [], []>, transpose_lhs_hint = false} : vector<1024x8xf32>, vector<8x5120xf32>, vector<1024x5120xf32> -> vector<1024x5120xf32>
    %get3A_25 = arith.constant 0 : index
    %get3A_26 = arith.constant 0 : index
    %get3A_27 = vector.load %arg7[%get3A_25, %get3A_26] : memref<1x5120xf32, #tpu.memory_space<vmem>>, vector<1x5120xf32>
    %add3A_28 = vector.broadcast %get3A_27 : vector<1x5120xf32> to vector<1024x5120xf32>
    %add3A_29 = arith.addf %dot_general3A_24, %add3A_28 : vector<1024x5120xf32>
    %get3A_30 = arith.constant 0 : index
    %get3A_31 = arith.constant 0 : index
    %get3A_32 = vector.load %arg8[%get3A_30, %get3A_31] : memref<1x5120xf32, #tpu.memory_space<vmem>>, vector<1x5120xf32>
    %slice3A = vector.extract_strided_slice %add3A_29 {offsets = [0, 0], sizes = [1024, 128], strides = [1, 1]} : vector<1024x5120xf32> to vector<1024x128xf32>
    %slice3A_33 = vector.extract_strided_slice %get3A_32 {offsets = [0, 0], sizes = [1, 128], strides = [1, 1]} : vector<1x5120xf32> to vector<1x128xf32>
    %broadcast_in_dim3A = vector.shape_cast %slice3A_33 : vector<1x128xf32> to vector<1x128xf32>
    %broadcast_in_dim3A_34 = vector.broadcast %broadcast_in_dim3A : vector<1x128xf32> to vector<1024x128xf32>
    %slice3A_35 = vector.extract_strided_slice %add3A_29 {offsets = [0, 128], sizes = [1024, 128], strides = [1, 1]} : vector<1024x5120xf32> to vector<1024x128xf32>
    %slice3A_36 = vector.extract_strided_slice %get3A_32 {offsets = [0, 128], sizes = [1, 128], strides = [1, 1]} : vector<1x5120xf32> to vector<1x128xf32>
    %broadcast_in_dim3A_37 = vector.shape_cast %slice3A_36 : vector<1x128xf32> to vector<1x128xf32>
    %broadcast_in_dim3A_38 = vector.broadcast %broadcast_in_dim3A_37 : vector<1x128xf32> to vector<1024x128xf32>
    %lt3A = arith.cmpf olt, %slice3A_35, %slice3A : vector<1024x128xf32>
    %select_n3A = arith.select %lt3A, %broadcast_in_dim3A_38, %broadcast_in_dim3A_34 : vector<1024x128xi1>, vector<1024x128xf32>
    %min3A = arith.minimumf %slice3A_35, %slice3A : vector<1024x128xf32>
    %slice3A_39 = vector.extract_strided_slice %add3A_29 {offsets = [0, 256], sizes = [1024, 128], strides = [1, 1]} : vector<1024x5120xf32> to vector<1024x128xf32>
    %slice3A_40 = vector.extract_strided_slice %get3A_32 {offsets = [0, 256], sizes = [1, 128], strides = [1, 1]} : vector<1x5120xf32> to vector<1x128xf32>
    %broadcast_in_dim3A_41 = vector.shape_cast %slice3A_40 : vector<1x128xf32> to vector<1x128xf32>
    %broadcast_in_dim3A_42 = vector.broadcast %broadcast_in_dim3A_41 : vector<1x128xf32> to vector<1024x128xf32>
    %lt3A_43 = arith.cmpf olt, %slice3A_39, %min3A : vector<1024x128xf32>
    %select_n3A_44 = arith.select %lt3A_43, %broadcast_in_dim3A_42, %select_n3A : vector<1024x128xi1>, vector<1024x128xf32>
    %min3A_45 = arith.minimumf %slice3A_39, %min3A : vector<1024x128xf32>
    %slice3A_46 = vector.extract_strided_slice %add3A_29 {offsets = [0, 384], sizes = [1024, 128], strides = [1, 1]} : vector<1024x5120xf32> to vector<1024x128xf32>
    %slice3A_47 = vector.extract_strided_slice %get3A_32 {offsets = [0, 384], sizes = [1, 128], strides = [1, 1]} : vector<1x5120xf32> to vector<1x128xf32>
    %broadcast_in_dim3A_48 = vector.shape_cast %slice3A_47 : vector<1x128xf32> to vector<1x128xf32>
    %broadcast_in_dim3A_49 = vector.broadcast %broadcast_in_dim3A_48 : vector<1x128xf32> to vector<1024x128xf32>
    %lt3A_50 = arith.cmpf olt, %slice3A_46, %min3A_45 : vector<1024x128xf32>
    %select_n3A_51 = arith.select %lt3A_50, %broadcast_in_dim3A_49, %select_n3A_44 : vector<1024x128xi1>, vector<1024x128xf32>
    %min3A_52 = arith.minimumf %slice3A_46, %min3A_45 : vector<1024x128xf32>
    %slice3A_53 = vector.extract_strided_slice %add3A_29 {offsets = [0, 512], sizes = [1024, 128], strides = [1, 1]} : vector<1024x5120xf32> to vector<1024x128xf32>
    %slice3A_54 = vector.extract_strided_slice %get3A_32 {offsets = [0, 512], sizes = [1, 128], strides = [1, 1]} : vector<1x5120xf32> to vector<1x128xf32>
    %broadcast_in_dim3A_55 = vector.shape_cast %slice3A_54 : vector<1x128xf32> to vector<1x128xf32>
    %broadcast_in_dim3A_56 = vector.broadcast %broadcast_in_dim3A_55 : vector<1x128xf32> to vector<1024x128xf32>
    %lt3A_57 = arith.cmpf olt, %slice3A_53, %min3A_52 : vector<1024x128xf32>
    %select_n3A_58 = arith.select %lt3A_57, %broadcast_in_dim3A_56, %select_n3A_51 : vector<1024x128xi1>, vector<1024x128xf32>
    %min3A_59 = arith.minimumf %slice3A_53, %min3A_52 : vector<1024x128xf32>
    %slice3A_60 = vector.extract_strided_slice %add3A_29 {offsets = [0, 640], sizes = [1024, 128], strides = [1, 1]} : vector<1024x5120xf32> to vector<1024x128xf32>
    %slice3A_61 = vector.extract_strided_slice %get3A_32 {offsets = [0, 640], sizes = [1, 128], strides = [1, 1]} : vector<1x5120xf32> to vector<1x128xf32>
    %broadcast_in_dim3A_62 = vector.shape_cast %slice3A_61 : vector<1x128xf32> to vector<1x128xf32>
    %broadcast_in_dim3A_63 = vector.broadcast %broadcast_in_dim3A_62 : vector<1x128xf32> to vector<1024x128xf32>
    %lt3A_64 = arith.cmpf olt, %slice3A_60, %min3A_59 : vector<1024x128xf32>
    %select_n3A_65 = arith.select %lt3A_64, %broadcast_in_dim3A_63, %select_n3A_58 : vector<1024x128xi1>, vector<1024x128xf32>
    %min3A_66 = arith.minimumf %slice3A_60, %min3A_59 : vector<1024x128xf32>
    %slice3A_67 = vector.extract_strided_slice %add3A_29 {offsets = [0, 768], sizes = [1024, 128], strides = [1, 1]} : vector<1024x5120xf32> to vector<1024x128xf32>
    %slice3A_68 = vector.extract_strided_slice %get3A_32 {offsets = [0, 768], sizes = [1, 128], strides = [1, 1]} : vector<1x5120xf32> to vector<1x128xf32>
    %broadcast_in_dim3A_69 = vector.shape_cast %slice3A_68 : vector<1x128xf32> to vector<1x128xf32>
    %broadcast_in_dim3A_70 = vector.broadcast %broadcast_in_dim3A_69 : vector<1x128xf32> to vector<1024x128xf32>
    %lt3A_71 = arith.cmpf olt, %slice3A_67, %min3A_66 : vector<1024x128xf32>
    %select_n3A_72 = arith.select %lt3A_71, %broadcast_in_dim3A_70, %select_n3A_65 : vector<1024x128xi1>, vector<1024x128xf32>
    %min3A_73 = arith.minimumf %slice3A_67, %min3A_66 : vector<1024x128xf32>
    %slice3A_74 = vector.extract_strided_slice %add3A_29 {offsets = [0, 896], sizes = [1024, 128], strides = [1, 1]} : vector<1024x5120xf32> to vector<1024x128xf32>
    %slice3A_75 = vector.extract_strided_slice %get3A_32 {offsets = [0, 896], sizes = [1, 128], strides = [1, 1]} : vector<1x5120xf32> to vector<1x128xf32>
    %broadcast_in_dim3A_76 = vector.shape_cast %slice3A_75 : vector<1x128xf32> to vector<1x128xf32>
    %broadcast_in_dim3A_77 = vector.broadcast %broadcast_in_dim3A_76 : vector<1x128xf32> to vector<1024x128xf32>
    %lt3A_78 = arith.cmpf olt, %slice3A_74, %min3A_73 : vector<1024x128xf32>
    %select_n3A_79 = arith.select %lt3A_78, %broadcast_in_dim3A_77, %select_n3A_72 : vector<1024x128xi1>, vector<1024x128xf32>
    %min3A_80 = arith.minimumf %slice3A_74, %min3A_73 : vector<1024x128xf32>
    %slice3A_81 = vector.extract_strided_slice %add3A_29 {offsets = [0, 1024], sizes = [1024, 128], strides = [1, 1]} : vector<1024x5120xf32> to vector<1024x128xf32>
    %slice3A_82 = vector.extract_strided_slice %get3A_32 {offsets = [0, 1024], sizes = [1, 128], strides = [1, 1]} : vector<1x5120xf32> to vector<1x128xf32>
    %broadcast_in_dim3A_83 = vector.shape_cast %slice3A_82 : vector<1x128xf32> to vector<1x128xf32>
    %broadcast_in_dim3A_84 = vector.broadcast %broadcast_in_dim3A_83 : vector<1x128xf32> to vector<1024x128xf32>
    %lt3A_85 = arith.cmpf olt, %slice3A_81, %min3A_80 : vector<1024x128xf32>
    %select_n3A_86 = arith.select %lt3A_85, %broadcast_in_dim3A_84, %select_n3A_79 : vector<1024x128xi1>, vector<1024x128xf32>
    %min3A_87 = arith.minimumf %slice3A_81, %min3A_80 : vector<1024x128xf32>
    %slice3A_88 = vector.extract_strided_slice %add3A_29 {offsets = [0, 1152], sizes = [1024, 128], strides = [1, 1]} : vector<1024x5120xf32> to vector<1024x128xf32>
    %slice3A_89 = vector.extract_strided_slice %get3A_32 {offsets = [0, 1152], sizes = [1, 128], strides = [1, 1]} : vector<1x5120xf32> to vector<1x128xf32>
    %broadcast_in_dim3A_90 = vector.shape_cast %slice3A_89 : vector<1x128xf32> to vector<1x128xf32>
    %broadcast_in_dim3A_91 = vector.broadcast %broadcast_in_dim3A_90 : vector<1x128xf32> to vector<1024x128xf32>
    %lt3A_92 = arith.cmpf olt, %slice3A_88, %min3A_87 : vector<1024x128xf32>
    %select_n3A_93 = arith.select %lt3A_92, %broadcast_in_dim3A_91, %select_n3A_86 : vector<1024x128xi1>, vector<1024x128xf32>
    %min3A_94 = arith.minimumf %slice3A_88, %min3A_87 : vector<1024x128xf32>
    %slice3A_95 = vector.extract_strided_slice %add3A_29 {offsets = [0, 1280], sizes = [1024, 128], strides = [1, 1]} : vector<1024x5120xf32> to vector<1024x128xf32>
    %slice3A_96 = vector.extract_strided_slice %get3A_32 {offsets = [0, 1280], sizes = [1, 128], strides = [1, 1]} : vector<1x5120xf32> to vector<1x128xf32>
    %broadcast_in_dim3A_97 = vector.shape_cast %slice3A_96 : vector<1x128xf32> to vector<1x128xf32>
    %broadcast_in_dim3A_98 = vector.broadcast %broadcast_in_dim3A_97 : vector<1x128xf32> to vector<1024x128xf32>
    %lt3A_99 = arith.cmpf olt, %slice3A_95, %min3A_94 : vector<1024x128xf32>
    %select_n3A_100 = arith.select %lt3A_99, %broadcast_in_dim3A_98, %select_n3A_93 : vector<1024x128xi1>, vector<1024x128xf32>
    %min3A_101 = arith.minimumf %slice3A_95, %min3A_94 : vector<1024x128xf32>
    %slice3A_102 = vector.extract_strided_slice %add3A_29 {offsets = [0, 1408], sizes = [1024, 128], strides = [1, 1]} : vector<1024x5120xf32> to vector<1024x128xf32>
    %slice3A_103 = vector.extract_strided_slice %get3A_32 {offsets = [0, 1408], sizes = [1, 128], strides = [1, 1]} : vector<1x5120xf32> to vector<1x128xf32>
    %broadcast_in_dim3A_104 = vector.shape_cast %slice3A_103 : vector<1x128xf32> to vector<1x128xf32>
    %broadcast_in_dim3A_105 = vector.broadcast %broadcast_in_dim3A_104 : vector<1x128xf32> to vector<1024x128xf32>
    %lt3A_106 = arith.cmpf olt, %slice3A_102, %min3A_101 : vector<1024x128xf32>
    %select_n3A_107 = arith.select %lt3A_106, %broadcast_in_dim3A_105, %select_n3A_100 : vector<1024x128xi1>, vector<1024x128xf32>
    %min3A_108 = arith.minimumf %slice3A_102, %min3A_101 : vector<1024x128xf32>
    %slice3A_109 = vector.extract_strided_slice %add3A_29 {offsets = [0, 1536], sizes = [1024, 128], strides = [1, 1]} : vector<1024x5120xf32> to vector<1024x128xf32>
    %slice3A_110 = vector.extract_strided_slice %get3A_32 {offsets = [0, 1536], sizes = [1, 128], strides = [1, 1]} : vector<1x5120xf32> to vector<1x128xf32>
    %broadcast_in_dim3A_111 = vector.shape_cast %slice3A_110 : vector<1x128xf32> to vector<1x128xf32>
    %broadcast_in_dim3A_112 = vector.broadcast %broadcast_in_dim3A_111 : vector<1x128xf32> to vector<1024x128xf32>
    %lt3A_113 = arith.cmpf olt, %slice3A_109, %min3A_108 : vector<1024x128xf32>
    %select_n3A_114 = arith.select %lt3A_113, %broadcast_in_dim3A_112, %select_n3A_107 : vector<1024x128xi1>, vector<1024x128xf32>
    %min3A_115 = arith.minimumf %slice3A_109, %min3A_108 : vector<1024x128xf32>
    %slice3A_116 = vector.extract_strided_slice %add3A_29 {offsets = [0, 1664], sizes = [1024, 128], strides = [1, 1]} : vector<1024x5120xf32> to vector<1024x128xf32>
    %slice3A_117 = vector.extract_strided_slice %get3A_32 {offsets = [0, 1664], sizes = [1, 128], strides = [1, 1]} : vector<1x5120xf32> to vector<1x128xf32>
    %broadcast_in_dim3A_118 = vector.shape_cast %slice3A_117 : vector<1x128xf32> to vector<1x128xf32>
    %broadcast_in_dim3A_119 = vector.broadcast %broadcast_in_dim3A_118 : vector<1x128xf32> to vector<1024x128xf32>
    %lt3A_120 = arith.cmpf olt, %slice3A_116, %min3A_115 : vector<1024x128xf32>
    %select_n3A_121 = arith.select %lt3A_120, %broadcast_in_dim3A_119, %select_n3A_114 : vector<1024x128xi1>, vector<1024x128xf32>
    %min3A_122 = arith.minimumf %slice3A_116, %min3A_115 : vector<1024x128xf32>
    %slice3A_123 = vector.extract_strided_slice %add3A_29 {offsets = [0, 1792], sizes = [1024, 128], strides = [1, 1]} : vector<1024x5120xf32> to vector<1024x128xf32>
    %slice3A_124 = vector.extract_strided_slice %get3A_32 {offsets = [0, 1792], sizes = [1, 128], strides = [1, 1]} : vector<1x5120xf32> to vector<1x128xf32>
    %broadcast_in_dim3A_125 = vector.shape_cast %slice3A_124 : vector<1x128xf32> to vector<1x128xf32>
    %broadcast_in_dim3A_126 = vector.broadcast %broadcast_in_dim3A_125 : vector<1x128xf32> to vector<1024x128xf32>
    %lt3A_127 = arith.cmpf olt, %slice3A_123, %min3A_122 : vector<1024x128xf32>
    %select_n3A_128 = arith.select %lt3A_127, %broadcast_in_dim3A_126, %select_n3A_121 : vector<1024x128xi1>, vector<1024x128xf32>
    %min3A_129 = arith.minimumf %slice3A_123, %min3A_122 : vector<1024x128xf32>
    %slice3A_130 = vector.extract_strided_slice %add3A_29 {offsets = [0, 1920], sizes = [1024, 128], strides = [1, 1]} : vector<1024x5120xf32> to vector<1024x128xf32>
    %slice3A_131 = vector.extract_strided_slice %get3A_32 {offsets = [0, 1920], sizes = [1, 128], strides = [1, 1]} : vector<1x5120xf32> to vector<1x128xf32>
    %broadcast_in_dim3A_132 = vector.shape_cast %slice3A_131 : vector<1x128xf32> to vector<1x128xf32>
    %broadcast_in_dim3A_133 = vector.broadcast %broadcast_in_dim3A_132 : vector<1x128xf32> to vector<1024x128xf32>
    %lt3A_134 = arith.cmpf olt, %slice3A_130, %min3A_129 : vector<1024x128xf32>
    %select_n3A_135 = arith.select %lt3A_134, %broadcast_in_dim3A_133, %select_n3A_128 : vector<1024x128xi1>, vector<1024x128xf32>
    %min3A_136 = arith.minimumf %slice3A_130, %min3A_129 : vector<1024x128xf32>
    %slice3A_137 = vector.extract_strided_slice %add3A_29 {offsets = [0, 2048], sizes = [1024, 128], strides = [1, 1]} : vector<1024x5120xf32> to vector<1024x128xf32>
    %slice3A_138 = vector.extract_strided_slice %get3A_32 {offsets = [0, 2048], sizes = [1, 128], strides = [1, 1]} : vector<1x5120xf32> to vector<1x128xf32>
    %broadcast_in_dim3A_139 = vector.shape_cast %slice3A_138 : vector<1x128xf32> to vector<1x128xf32>
    %broadcast_in_dim3A_140 = vector.broadcast %broadcast_in_dim3A_139 : vector<1x128xf32> to vector<1024x128xf32>
    %lt3A_141 = arith.cmpf olt, %slice3A_137, %min3A_136 : vector<1024x128xf32>
    %select_n3A_142 = arith.select %lt3A_141, %broadcast_in_dim3A_140, %select_n3A_135 : vector<1024x128xi1>, vector<1024x128xf32>
    %min3A_143 = arith.minimumf %slice3A_137, %min3A_136 : vector<1024x128xf32>
    %slice3A_144 = vector.extract_strided_slice %add3A_29 {offsets = [0, 2176], sizes = [1024, 128], strides = [1, 1]} : vector<1024x5120xf32> to vector<1024x128xf32>
    %slice3A_145 = vector.extract_strided_slice %get3A_32 {offsets = [0, 2176], sizes = [1, 128], strides = [1, 1]} : vector<1x5120xf32> to vector<1x128xf32>
    %broadcast_in_dim3A_146 = vector.shape_cast %slice3A_145 : vector<1x128xf32> to vector<1x128xf32>
    %broadcast_in_dim3A_147 = vector.broadcast %broadcast_in_dim3A_146 : vector<1x128xf32> to vector<1024x128xf32>
    %lt3A_148 = arith.cmpf olt, %slice3A_144, %min3A_143 : vector<1024x128xf32>
    %select_n3A_149 = arith.select %lt3A_148, %broadcast_in_dim3A_147, %select_n3A_142 : vector<1024x128xi1>, vector<1024x128xf32>
    %min3A_150 = arith.minimumf %slice3A_144, %min3A_143 : vector<1024x128xf32>
    %slice3A_151 = vector.extract_strided_slice %add3A_29 {offsets = [0, 2304], sizes = [1024, 128], strides = [1, 1]} : vector<1024x5120xf32> to vector<1024x128xf32>
    %slice3A_152 = vector.extract_strided_slice %get3A_32 {offsets = [0, 2304], sizes = [1, 128], strides = [1, 1]} : vector<1x5120xf32> to vector<1x128xf32>
    %broadcast_in_dim3A_153 = vector.shape_cast %slice3A_152 : vector<1x128xf32> to vector<1x128xf32>
    %broadcast_in_dim3A_154 = vector.broadcast %broadcast_in_dim3A_153 : vector<1x128xf32> to vector<1024x128xf32>
    %lt3A_155 = arith.cmpf olt, %slice3A_151, %min3A_150 : vector<1024x128xf32>
    %select_n3A_156 = arith.select %lt3A_155, %broadcast_in_dim3A_154, %select_n3A_149 : vector<1024x128xi1>, vector<1024x128xf32>
    %min3A_157 = arith.minimumf %slice3A_151, %min3A_150 : vector<1024x128xf32>
    %slice3A_158 = vector.extract_strided_slice %add3A_29 {offsets = [0, 2432], sizes = [1024, 128], strides = [1, 1]} : vector<1024x5120xf32> to vector<1024x128xf32>
    %slice3A_159 = vector.extract_strided_slice %get3A_32 {offsets = [0, 2432], sizes = [1, 128], strides = [1, 1]} : vector<1x5120xf32> to vector<1x128xf32>
    %broadcast_in_dim3A_160 = vector.shape_cast %slice3A_159 : vector<1x128xf32> to vector<1x128xf32>
    %broadcast_in_dim3A_161 = vector.broadcast %broadcast_in_dim3A_160 : vector<1x128xf32> to vector<1024x128xf32>
    %lt3A_162 = arith.cmpf olt, %slice3A_158, %min3A_157 : vector<1024x128xf32>
    %select_n3A_163 = arith.select %lt3A_162, %broadcast_in_dim3A_161, %select_n3A_156 : vector<1024x128xi1>, vector<1024x128xf32>
    %min3A_164 = arith.minimumf %slice3A_158, %min3A_157 : vector<1024x128xf32>
    %slice3A_165 = vector.extract_strided_slice %add3A_29 {offsets = [0, 2560], sizes = [1024, 128], strides = [1, 1]} : vector<1024x5120xf32> to vector<1024x128xf32>
    %slice3A_166 = vector.extract_strided_slice %get3A_32 {offsets = [0, 2560], sizes = [1, 128], strides = [1, 1]} : vector<1x5120xf32> to vector<1x128xf32>
    %broadcast_in_dim3A_167 = vector.shape_cast %slice3A_166 : vector<1x128xf32> to vector<1x128xf32>
    %broadcast_in_dim3A_168 = vector.broadcast %broadcast_in_dim3A_167 : vector<1x128xf32> to vector<1024x128xf32>
    %lt3A_169 = arith.cmpf olt, %slice3A_165, %min3A_164 : vector<1024x128xf32>
    %select_n3A_170 = arith.select %lt3A_169, %broadcast_in_dim3A_168, %select_n3A_163 : vector<1024x128xi1>, vector<1024x128xf32>
    %min3A_171 = arith.minimumf %slice3A_165, %min3A_164 : vector<1024x128xf32>
    %slice3A_172 = vector.extract_strided_slice %add3A_29 {offsets = [0, 2688], sizes = [1024, 128], strides = [1, 1]} : vector<1024x5120xf32> to vector<1024x128xf32>
    %slice3A_173 = vector.extract_strided_slice %get3A_32 {offsets = [0, 2688], sizes = [1, 128], strides = [1, 1]} : vector<1x5120xf32> to vector<1x128xf32>
    %broadcast_in_dim3A_174 = vector.shape_cast %slice3A_173 : vector<1x128xf32> to vector<1x128xf32>
    %broadcast_in_dim3A_175 = vector.broadcast %broadcast_in_dim3A_174 : vector<1x128xf32> to vector<1024x128xf32>
    %lt3A_176 = arith.cmpf olt, %slice3A_172, %min3A_171 : vector<1024x128xf32>
    %select_n3A_177 = arith.select %lt3A_176, %broadcast_in_dim3A_175, %select_n3A_170 : vector<1024x128xi1>, vector<1024x128xf32>
    %min3A_178 = arith.minimumf %slice3A_172, %min3A_171 : vector<1024x128xf32>
    %slice3A_179 = vector.extract_strided_slice %add3A_29 {offsets = [0, 2816], sizes = [1024, 128], strides = [1, 1]} : vector<1024x5120xf32> to vector<1024x128xf32>
    %slice3A_180 = vector.extract_strided_slice %get3A_32 {offsets = [0, 2816], sizes = [1, 128], strides = [1, 1]} : vector<1x5120xf32> to vector<1x128xf32>
    %broadcast_in_dim3A_181 = vector.shape_cast %slice3A_180 : vector<1x128xf32> to vector<1x128xf32>
    %broadcast_in_dim3A_182 = vector.broadcast %broadcast_in_dim3A_181 : vector<1x128xf32> to vector<1024x128xf32>
    %lt3A_183 = arith.cmpf olt, %slice3A_179, %min3A_178 : vector<1024x128xf32>
    %select_n3A_184 = arith.select %lt3A_183, %broadcast_in_dim3A_182, %select_n3A_177 : vector<1024x128xi1>, vector<1024x128xf32>
    %min3A_185 = arith.minimumf %slice3A_179, %min3A_178 : vector<1024x128xf32>
    %slice3A_186 = vector.extract_strided_slice %add3A_29 {offsets = [0, 2944], sizes = [1024, 128], strides = [1, 1]} : vector<1024x5120xf32> to vector<1024x128xf32>
    %slice3A_187 = vector.extract_strided_slice %get3A_32 {offsets = [0, 2944], sizes = [1, 128], strides = [1, 1]} : vector<1x5120xf32> to vector<1x128xf32>
    %broadcast_in_dim3A_188 = vector.shape_cast %slice3A_187 : vector<1x128xf32> to vector<1x128xf32>
    %broadcast_in_dim3A_189 = vector.broadcast %broadcast_in_dim3A_188 : vector<1x128xf32> to vector<1024x128xf32>
    %lt3A_190 = arith.cmpf olt, %slice3A_186, %min3A_185 : vector<1024x128xf32>
    %select_n3A_191 = arith.select %lt3A_190, %broadcast_in_dim3A_189, %select_n3A_184 : vector<1024x128xi1>, vector<1024x128xf32>
    %min3A_192 = arith.minimumf %slice3A_186, %min3A_185 : vector<1024x128xf32>
    %slice3A_193 = vector.extract_strided_slice %add3A_29 {offsets = [0, 3072], sizes = [1024, 128], strides = [1, 1]} : vector<1024x5120xf32> to vector<1024x128xf32>
    %slice3A_194 = vector.extract_strided_slice %get3A_32 {offsets = [0, 3072], sizes = [1, 128], strides = [1, 1]} : vector<1x5120xf32> to vector<1x128xf32>
    %broadcast_in_dim3A_195 = vector.shape_cast %slice3A_194 : vector<1x128xf32> to vector<1x128xf32>
    %broadcast_in_dim3A_196 = vector.broadcast %broadcast_in_dim3A_195 : vector<1x128xf32> to vector<1024x128xf32>
    %lt3A_197 = arith.cmpf olt, %slice3A_193, %min3A_192 : vector<1024x128xf32>
    %select_n3A_198 = arith.select %lt3A_197, %broadcast_in_dim3A_196, %select_n3A_191 : vector<1024x128xi1>, vector<1024x128xf32>
    %min3A_199 = arith.minimumf %slice3A_193, %min3A_192 : vector<1024x128xf32>
    %slice3A_200 = vector.extract_strided_slice %add3A_29 {offsets = [0, 3200], sizes = [1024, 128], strides = [1, 1]} : vector<1024x5120xf32> to vector<1024x128xf32>
    %slice3A_201 = vector.extract_strided_slice %get3A_32 {offsets = [0, 3200], sizes = [1, 128], strides = [1, 1]} : vector<1x5120xf32> to vector<1x128xf32>
    %broadcast_in_dim3A_202 = vector.shape_cast %slice3A_201 : vector<1x128xf32> to vector<1x128xf32>
    %broadcast_in_dim3A_203 = vector.broadcast %broadcast_in_dim3A_202 : vector<1x128xf32> to vector<1024x128xf32>
    %lt3A_204 = arith.cmpf olt, %slice3A_200, %min3A_199 : vector<1024x128xf32>
    %select_n3A_205 = arith.select %lt3A_204, %broadcast_in_dim3A_203, %select_n3A_198 : vector<1024x128xi1>, vector<1024x128xf32>
    %min3A_206 = arith.minimumf %slice3A_200, %min3A_199 : vector<1024x128xf32>
    %slice3A_207 = vector.extract_strided_slice %add3A_29 {offsets = [0, 3328], sizes = [1024, 128], strides = [1, 1]} : vector<1024x5120xf32> to vector<1024x128xf32>
    %slice3A_208 = vector.extract_strided_slice %get3A_32 {offsets = [0, 3328], sizes = [1, 128], strides = [1, 1]} : vector<1x5120xf32> to vector<1x128xf32>
    %broadcast_in_dim3A_209 = vector.shape_cast %slice3A_208 : vector<1x128xf32> to vector<1x128xf32>
    %broadcast_in_dim3A_210 = vector.broadcast %broadcast_in_dim3A_209 : vector<1x128xf32> to vector<1024x128xf32>
    %lt3A_211 = arith.cmpf olt, %slice3A_207, %min3A_206 : vector<1024x128xf32>
    %select_n3A_212 = arith.select %lt3A_211, %broadcast_in_dim3A_210, %select_n3A_205 : vector<1024x128xi1>, vector<1024x128xf32>
    %min3A_213 = arith.minimumf %slice3A_207, %min3A_206 : vector<1024x128xf32>
    %slice3A_214 = vector.extract_strided_slice %add3A_29 {offsets = [0, 3456], sizes = [1024, 128], strides = [1, 1]} : vector<1024x5120xf32> to vector<1024x128xf32>
    %slice3A_215 = vector.extract_strided_slice %get3A_32 {offsets = [0, 3456], sizes = [1, 128], strides = [1, 1]} : vector<1x5120xf32> to vector<1x128xf32>
    %broadcast_in_dim3A_216 = vector.shape_cast %slice3A_215 : vector<1x128xf32> to vector<1x128xf32>
    %broadcast_in_dim3A_217 = vector.broadcast %broadcast_in_dim3A_216 : vector<1x128xf32> to vector<1024x128xf32>
    %lt3A_218 = arith.cmpf olt, %slice3A_214, %min3A_213 : vector<1024x128xf32>
    %select_n3A_219 = arith.select %lt3A_218, %broadcast_in_dim3A_217, %select_n3A_212 : vector<1024x128xi1>, vector<1024x128xf32>
    %min3A_220 = arith.minimumf %slice3A_214, %min3A_213 : vector<1024x128xf32>
    %slice3A_221 = vector.extract_strided_slice %add3A_29 {offsets = [0, 3584], sizes = [1024, 128], strides = [1, 1]} : vector<1024x5120xf32> to vector<1024x128xf32>
    %slice3A_222 = vector.extract_strided_slice %get3A_32 {offsets = [0, 3584], sizes = [1, 128], strides = [1, 1]} : vector<1x5120xf32> to vector<1x128xf32>
    %broadcast_in_dim3A_223 = vector.shape_cast %slice3A_222 : vector<1x128xf32> to vector<1x128xf32>
    %broadcast_in_dim3A_224 = vector.broadcast %broadcast_in_dim3A_223 : vector<1x128xf32> to vector<1024x128xf32>
    %lt3A_225 = arith.cmpf olt, %slice3A_221, %min3A_220 : vector<1024x128xf32>
    %select_n3A_226 = arith.select %lt3A_225, %broadcast_in_dim3A_224, %select_n3A_219 : vector<1024x128xi1>, vector<1024x128xf32>
    %min3A_227 = arith.minimumf %slice3A_221, %min3A_220 : vector<1024x128xf32>
    %slice3A_228 = vector.extract_strided_slice %add3A_29 {offsets = [0, 3712], sizes = [1024, 128], strides = [1, 1]} : vector<1024x5120xf32> to vector<1024x128xf32>
    %slice3A_229 = vector.extract_strided_slice %get3A_32 {offsets = [0, 3712], sizes = [1, 128], strides = [1, 1]} : vector<1x5120xf32> to vector<1x128xf32>
    %broadcast_in_dim3A_230 = vector.shape_cast %slice3A_229 : vector<1x128xf32> to vector<1x128xf32>
    %broadcast_in_dim3A_231 = vector.broadcast %broadcast_in_dim3A_230 : vector<1x128xf32> to vector<1024x128xf32>
    %lt3A_232 = arith.cmpf olt, %slice3A_228, %min3A_227 : vector<1024x128xf32>
    %select_n3A_233 = arith.select %lt3A_232, %broadcast_in_dim3A_231, %select_n3A_226 : vector<1024x128xi1>, vector<1024x128xf32>
    %min3A_234 = arith.minimumf %slice3A_228, %min3A_227 : vector<1024x128xf32>
    %slice3A_235 = vector.extract_strided_slice %add3A_29 {offsets = [0, 3840], sizes = [1024, 128], strides = [1, 1]} : vector<1024x5120xf32> to vector<1024x128xf32>
    %slice3A_236 = vector.extract_strided_slice %get3A_32 {offsets = [0, 3840], sizes = [1, 128], strides = [1, 1]} : vector<1x5120xf32> to vector<1x128xf32>
    %broadcast_in_dim3A_237 = vector.shape_cast %slice3A_236 : vector<1x128xf32> to vector<1x128xf32>
    %broadcast_in_dim3A_238 = vector.broadcast %broadcast_in_dim3A_237 : vector<1x128xf32> to vector<1024x128xf32>
    %lt3A_239 = arith.cmpf olt, %slice3A_235, %min3A_234 : vector<1024x128xf32>
    %select_n3A_240 = arith.select %lt3A_239, %broadcast_in_dim3A_238, %select_n3A_233 : vector<1024x128xi1>, vector<1024x128xf32>
    %min3A_241 = arith.minimumf %slice3A_235, %min3A_234 : vector<1024x128xf32>
    %slice3A_242 = vector.extract_strided_slice %add3A_29 {offsets = [0, 3968], sizes = [1024, 128], strides = [1, 1]} : vector<1024x5120xf32> to vector<1024x128xf32>
    %slice3A_243 = vector.extract_strided_slice %get3A_32 {offsets = [0, 3968], sizes = [1, 128], strides = [1, 1]} : vector<1x5120xf32> to vector<1x128xf32>
    %broadcast_in_dim3A_244 = vector.shape_cast %slice3A_243 : vector<1x128xf32> to vector<1x128xf32>
    %broadcast_in_dim3A_245 = vector.broadcast %broadcast_in_dim3A_244 : vector<1x128xf32> to vector<1024x128xf32>
    %lt3A_246 = arith.cmpf olt, %slice3A_242, %min3A_241 : vector<1024x128xf32>
    %select_n3A_247 = arith.select %lt3A_246, %broadcast_in_dim3A_245, %select_n3A_240 : vector<1024x128xi1>, vector<1024x128xf32>
    %min3A_248 = arith.minimumf %slice3A_242, %min3A_241 : vector<1024x128xf32>
    %slice3A_249 = vector.extract_strided_slice %add3A_29 {offsets = [0, 4096], sizes = [1024, 128], strides = [1, 1]} : vector<1024x5120xf32> to vector<1024x128xf32>
    %slice3A_250 = vector.extract_strided_slice %get3A_32 {offsets = [0, 4096], sizes = [1, 128], strides = [1, 1]} : vector<1x5120xf32> to vector<1x128xf32>
    %broadcast_in_dim3A_251 = vector.shape_cast %slice3A_250 : vector<1x128xf32> to vector<1x128xf32>
    %broadcast_in_dim3A_252 = vector.broadcast %broadcast_in_dim3A_251 : vector<1x128xf32> to vector<1024x128xf32>
    %lt3A_253 = arith.cmpf olt, %slice3A_249, %min3A_248 : vector<1024x128xf32>
    %select_n3A_254 = arith.select %lt3A_253, %broadcast_in_dim3A_252, %select_n3A_247 : vector<1024x128xi1>, vector<1024x128xf32>
    %min3A_255 = arith.minimumf %slice3A_249, %min3A_248 : vector<1024x128xf32>
    %slice3A_256 = vector.extract_strided_slice %add3A_29 {offsets = [0, 4224], sizes = [1024, 128], strides = [1, 1]} : vector<1024x5120xf32> to vector<1024x128xf32>
    %slice3A_257 = vector.extract_strided_slice %get3A_32 {offsets = [0, 4224], sizes = [1, 128], strides = [1, 1]} : vector<1x5120xf32> to vector<1x128xf32>
    %broadcast_in_dim3A_258 = vector.shape_cast %slice3A_257 : vector<1x128xf32> to vector<1x128xf32>
    %broadcast_in_dim3A_259 = vector.broadcast %broadcast_in_dim3A_258 : vector<1x128xf32> to vector<1024x128xf32>
    %lt3A_260 = arith.cmpf olt, %slice3A_256, %min3A_255 : vector<1024x128xf32>
    %select_n3A_261 = arith.select %lt3A_260, %broadcast_in_dim3A_259, %select_n3A_254 : vector<1024x128xi1>, vector<1024x128xf32>
    %min3A_262 = arith.minimumf %slice3A_256, %min3A_255 : vector<1024x128xf32>
    %slice3A_263 = vector.extract_strided_slice %add3A_29 {offsets = [0, 4352], sizes = [1024, 128], strides = [1, 1]} : vector<1024x5120xf32> to vector<1024x128xf32>
    %slice3A_264 = vector.extract_strided_slice %get3A_32 {offsets = [0, 4352], sizes = [1, 128], strides = [1, 1]} : vector<1x5120xf32> to vector<1x128xf32>
    %broadcast_in_dim3A_265 = vector.shape_cast %slice3A_264 : vector<1x128xf32> to vector<1x128xf32>
    %broadcast_in_dim3A_266 = vector.broadcast %broadcast_in_dim3A_265 : vector<1x128xf32> to vector<1024x128xf32>
    %lt3A_267 = arith.cmpf olt, %slice3A_263, %min3A_262 : vector<1024x128xf32>
    %select_n3A_268 = arith.select %lt3A_267, %broadcast_in_dim3A_266, %select_n3A_261 : vector<1024x128xi1>, vector<1024x128xf32>
    %min3A_269 = arith.minimumf %slice3A_263, %min3A_262 : vector<1024x128xf32>
    %slice3A_270 = vector.extract_strided_slice %add3A_29 {offsets = [0, 4480], sizes = [1024, 128], strides = [1, 1]} : vector<1024x5120xf32> to vector<1024x128xf32>
    %slice3A_271 = vector.extract_strided_slice %get3A_32 {offsets = [0, 4480], sizes = [1, 128], strides = [1, 1]} : vector<1x5120xf32> to vector<1x128xf32>
    %broadcast_in_dim3A_272 = vector.shape_cast %slice3A_271 : vector<1x128xf32> to vector<1x128xf32>
    %broadcast_in_dim3A_273 = vector.broadcast %broadcast_in_dim3A_272 : vector<1x128xf32> to vector<1024x128xf32>
    %lt3A_274 = arith.cmpf olt, %slice3A_270, %min3A_269 : vector<1024x128xf32>
    %select_n3A_275 = arith.select %lt3A_274, %broadcast_in_dim3A_273, %select_n3A_268 : vector<1024x128xi1>, vector<1024x128xf32>
    %min3A_276 = arith.minimumf %slice3A_270, %min3A_269 : vector<1024x128xf32>
    %slice3A_277 = vector.extract_strided_slice %add3A_29 {offsets = [0, 4608], sizes = [1024, 128], strides = [1, 1]} : vector<1024x5120xf32> to vector<1024x128xf32>
    %slice3A_278 = vector.extract_strided_slice %get3A_32 {offsets = [0, 4608], sizes = [1, 128], strides = [1, 1]} : vector<1x5120xf32> to vector<1x128xf32>
    %broadcast_in_dim3A_279 = vector.shape_cast %slice3A_278 : vector<1x128xf32> to vector<1x128xf32>
    %broadcast_in_dim3A_280 = vector.broadcast %broadcast_in_dim3A_279 : vector<1x128xf32> to vector<1024x128xf32>
    %lt3A_281 = arith.cmpf olt, %slice3A_277, %min3A_276 : vector<1024x128xf32>
    %select_n3A_282 = arith.select %lt3A_281, %broadcast_in_dim3A_280, %select_n3A_275 : vector<1024x128xi1>, vector<1024x128xf32>
    %min3A_283 = arith.minimumf %slice3A_277, %min3A_276 : vector<1024x128xf32>
    %slice3A_284 = vector.extract_strided_slice %add3A_29 {offsets = [0, 4736], sizes = [1024, 128], strides = [1, 1]} : vector<1024x5120xf32> to vector<1024x128xf32>
    %slice3A_285 = vector.extract_strided_slice %get3A_32 {offsets = [0, 4736], sizes = [1, 128], strides = [1, 1]} : vector<1x5120xf32> to vector<1x128xf32>
    %broadcast_in_dim3A_286 = vector.shape_cast %slice3A_285 : vector<1x128xf32> to vector<1x128xf32>
    %broadcast_in_dim3A_287 = vector.broadcast %broadcast_in_dim3A_286 : vector<1x128xf32> to vector<1024x128xf32>
    %lt3A_288 = arith.cmpf olt, %slice3A_284, %min3A_283 : vector<1024x128xf32>
    %select_n3A_289 = arith.select %lt3A_288, %broadcast_in_dim3A_287, %select_n3A_282 : vector<1024x128xi1>, vector<1024x128xf32>
    %min3A_290 = arith.minimumf %slice3A_284, %min3A_283 : vector<1024x128xf32>
    %slice3A_291 = vector.extract_strided_slice %add3A_29 {offsets = [0, 4864], sizes = [1024, 128], strides = [1, 1]} : vector<1024x5120xf32> to vector<1024x128xf32>
    %slice3A_292 = vector.extract_strided_slice %get3A_32 {offsets = [0, 4864], sizes = [1, 128], strides = [1, 1]} : vector<1x5120xf32> to vector<1x128xf32>
    %broadcast_in_dim3A_293 = vector.shape_cast %slice3A_292 : vector<1x128xf32> to vector<1x128xf32>
    %broadcast_in_dim3A_294 = vector.broadcast %broadcast_in_dim3A_293 : vector<1x128xf32> to vector<1024x128xf32>
    %lt3A_295 = arith.cmpf olt, %slice3A_291, %min3A_290 : vector<1024x128xf32>
    %select_n3A_296 = arith.select %lt3A_295, %broadcast_in_dim3A_294, %select_n3A_289 : vector<1024x128xi1>, vector<1024x128xf32>
    %min3A_297 = arith.minimumf %slice3A_291, %min3A_290 : vector<1024x128xf32>
    %slice3A_298 = vector.extract_strided_slice %add3A_29 {offsets = [0, 4992], sizes = [1024, 128], strides = [1, 1]} : vector<1024x5120xf32> to vector<1024x128xf32>
    %slice3A_299 = vector.extract_strided_slice %get3A_32 {offsets = [0, 4992], sizes = [1, 128], strides = [1, 1]} : vector<1x5120xf32> to vector<1x128xf32>
    %broadcast_in_dim3A_300 = vector.shape_cast %slice3A_299 : vector<1x128xf32> to vector<1x128xf32>
    %broadcast_in_dim3A_301 = vector.broadcast %broadcast_in_dim3A_300 : vector<1x128xf32> to vector<1024x128xf32>
    %lt3A_302 = arith.cmpf olt, %slice3A_298, %min3A_297 : vector<1024x128xf32>
    %select_n3A_303 = arith.select %lt3A_302, %broadcast_in_dim3A_301, %select_n3A_296 : vector<1024x128xi1>, vector<1024x128xf32>
    %min3A_304 = arith.minimumf %slice3A_298, %min3A_297 : vector<1024x128xf32>
    %reduce_min3A = arith.constant dense<0x7F800000> : vector<1024xf32>
    %reduce_min3A_305 = vector.multi_reduction <minimumf>, %min3A_304, %reduce_min3A [1] : vector<1024x128xf32> to vector<1024xf32>
    %broadcast_in_dim3A_306 = vector.shape_cast %reduce_min3A_305 : vector<1024xf32> to vector<1024x1xf32>
    %eq3A = vector.broadcast %broadcast_in_dim3A_306 : vector<1024x1xf32> to vector<1024x128xf32>
    %eq3A_307 = arith.cmpf oeq, %min3A_304, %eq3A : vector<1024x128xf32>
    %jit3A = arith.constant 6.553600e+04 : f32
    %broadcast_in_dim3A_308 = vector.broadcast %jit3A : f32 to vector<1024x128xf32>
    %select_n3A_309 = arith.select %eq3A_307, %select_n3A_303, %broadcast_in_dim3A_308 : vector<1024x128xi1>, vector<1024x128xf32>
    %reduce_min3A_310 = arith.constant dense<0x7F800000> : vector<1024xf32>
    %reduce_min3A_311 = vector.multi_reduction <minimumf>, %select_n3A_309, %reduce_min3A_310 [1] : vector<1024x128xf32> to vector<1024xf32>
    %convert_element_type3A = arith.fptosi %reduce_min3A_311 : vector<1024xf32> to vector<1024xi32>
    %swap3A = arith.constant 0 : index
    %swap3A_312 = vector.load %arg9[%swap3A] : memref<1024xi32, #tpu.memory_space<vmem>>, vector<1024xi32>
    tpu.vector_store %arg9[%swap3A], %convert_element_type3A {strides = array<i32>} : memref<1024xi32, #tpu.memory_space<vmem>>, vector<1024xi32>,
    return
  }
  func.func @transform_0(%arg0: i32) -> (i32, i32) {
    %add3A = arith.constant 8 : i32
    %add3A_0 = arith.addi %arg0, %add3A : i32
    %c0_i32 = arith.constant 0 : i32
    %c0_i32_1 = arith.constant 0 : i32
    return %c0_i32, %add3A_0 : i32, i32
  }
  func.func @transform_1(%arg0: i32) -> (i32, i32) {
    %c0_i32 = arith.constant 0 : i32
    %c0_i32_0 = arith.constant 0 : i32
    %c0_i32_1 = arith.constant 0 : i32
    return %c0_i32, %c0_i32_0 : i32, i32
  }
  func.func @transform_2(%arg0: i32) -> (i32, i32) {
    %c0_i32 = arith.constant 0 : i32
    %c0_i32_0 = arith.constant 0 : i32
    %c0_i32_1 = arith.constant 0 : i32
    return %c0_i32, %c0_i32_0 : i32, i32
  }
  func.func @transform_3(%arg0: i32) -> (i32, i32) {
    %c0_i32 = arith.constant 0 : i32
    %c0_i32_0 = arith.constant 0 : i32
    %c0_i32_1 = arith.constant 0 : i32
    return %c0_i32, %c0_i32_0 : i32, i32
  }
  func.func @transform_4(%arg0: i32) -> (i32, i32) {
    %c0_i32 = arith.constant 0 : i32
    %c0_i32_0 = arith.constant 0 : i32
    %c0_i32_1 = arith.constant 0 : i32
    return %c0_i32, %c0_i32_0 : i32, i32
  }
  func.func @transform_5(%arg0: i32) -> (i32, i32) {
    %c0_i32 = arith.constant 0 : i32
    %c0_i32_0 = arith.constant 0 : i32
    %c0_i32_1 = arith.constant 0 : i32
    return %c0_i32, %c0_i32_0 : i32, i32
  }
  func.func @transform_6(%arg0: i32) -> (i32, i32) {
    %c0_i32 = arith.constant 0 : i32
    %c0_i32_0 = arith.constant 0 : i32
    %c0_i32_1 = arith.constant 0 : i32
    return %c0_i32, %c0_i32_0 : i32, i32
  }
  func.func @transform_7(%arg0: i32) -> (i32, i32) {
    %c0_i32 = arith.constant 0 : i32
    %c0_i32_0 = arith.constant 0 : i32
    %c0_i32_1 = arith.constant 0 : i32
    return %c0_i32, %c0_i32_0 : i32, i32
  }
  func.func @transform_8(%arg0: i32) -> i32 {
    %c0_i32 = arith.constant 0 : i32
    return %arg0 : i32
  }
}

module attributes {stable_mosaic.version = 14 : i64} {
  func.func @_prep_body(%arg0: memref<8x5000xf32, #tpu.memory_space<vmem>>, %arg1: memref<8x32xf32, #tpu.memory_space<vmem>>, %arg2: memref<1x32xf32, #tpu.memory_space<vmem>>, %arg3: memref<32x64xf32, #tpu.memory_space<vmem>>, %arg4: memref<1x64xf32, #tpu.memory_space<vmem>>, %arg5: memref<8x5120xf32, #tpu.memory_space<vmem>>, %arg6: memref<1x5120xf32, #tpu.memory_space<vmem>>, %arg7: memref<1x5120xf32, #tpu.memory_space<vmem>>, %arg8: memref<5120x128xf32, #tpu.memory_space<vmem>>) attributes {dimension_semantics = [], scalar_prefetch = 0 : i64, scratch_operands = 0 : i64, tpu.core_type = #tpu.core_type<tc>} {
    %get3A = arith.constant 0 : index
    %get3A_0 = arith.constant 0 : index
    %get3A_1 = vector.load %arg0[%get3A, %get3A_0] : memref<8x5000xf32, #tpu.memory_space<vmem>>, vector<8x5000xf32>
    %broadcast_in_dim3A = arith.constant 0.000000e+00 : f32
    %broadcast_in_dim3A_2 = vector.broadcast %broadcast_in_dim3A : f32 to vector<8x120xf32>
    %concatenate3A = tpu.concatenate %get3A_1, %broadcast_in_dim3A_2 in 1 : vector<8x5000xf32>, vector<8x120xf32> -> vector<8x5120xf32>
    %mul3A = arith.constant -2.000000e+00 : f32
    %mul3A_3 = vector.broadcast %mul3A : f32 to vector<8x5120xf32>
    %mul3A_4 = arith.mulf %mul3A_3, %concatenate3A : vector<8x5120xf32>
    %swap3A = arith.constant 0 : index
    %swap3A_5 = arith.constant 0 : index
    %swap3A_6 = vector.load %arg5[%swap3A, %swap3A_5] : memref<8x5120xf32, #tpu.memory_space<vmem>>, vector<8x5120xf32>
    tpu.vector_store %arg5[%swap3A, %swap3A_5], %mul3A_4 {strides = array<i32>} : memref<8x5120xf32, #tpu.memory_space<vmem>>, vector<8x5120xf32>,
    %mul3A_7 = arith.mulf %concatenate3A, %concatenate3A : vector<8x5120xf32>
    %reduce_sum3A = arith.constant dense<0.000000e+00> : vector<5120xf32>
    %reduce_sum3A_8 = vector.multi_reduction <add>, %mul3A_7, %reduce_sum3A [0] : vector<8x5120xf32> to vector<5120xf32>
    %iota3A = tpu.iota {dimensions = array<i32: 1>} : vector<1x5120xi32>
    %ge3A = arith.constant 5000 : i32
    %ge3A_9 = vector.broadcast %ge3A : i32 to vector<1x5120xi32>
    %ge3A_10 = arith.cmpi sge, %iota3A, %ge3A_9 : vector<1x5120xi32>
    %jit3A = arith.constant 3.000000e+38 : f32
    %jit3A_11 = arith.constant 0.000000e+00 : f32
    %broadcast_in_dim3A_12 = vector.broadcast %jit3A : f32 to vector<1x5120xf32>
    %broadcast_in_dim3A_13 = vector.broadcast %jit3A_11 : f32 to vector<1x5120xf32>
    %select_n3A = arith.select %ge3A_10, %broadcast_in_dim3A_12, %broadcast_in_dim3A_13 : vector<1x5120xi1>, vector<1x5120xf32>
    %broadcast_in_dim3A_14 = vector.shape_cast %reduce_sum3A_8 : vector<5120xf32> to vector<1x5120xf32>
    %add3A = arith.addf %broadcast_in_dim3A_14, %select_n3A : vector<1x5120xf32>
    %swap3A_15 = arith.constant 0 : index
    %swap3A_16 = arith.constant 0 : index
    %swap3A_17 = vector.load %arg6[%swap3A_15, %swap3A_16] : memref<1x5120xf32, #tpu.memory_space<vmem>>, vector<1x5120xf32>
    tpu.vector_store %arg6[%swap3A_15, %swap3A_16], %add3A {strides = array<i32>} : memref<1x5120xf32, #tpu.memory_space<vmem>>, vector<1x5120xf32>,
    %convert_element_type3A = arith.sitofp %iota3A : vector<1x5120xi32> to vector<1x5120xf32>
    %swap3A_18 = arith.constant 0 : index
    %swap3A_19 = arith.constant 0 : index
    %swap3A_20 = vector.load %arg7[%swap3A_18, %swap3A_19] : memref<1x5120xf32, #tpu.memory_space<vmem>>, vector<1x5120xf32>
    tpu.vector_store %arg7[%swap3A_18, %swap3A_19], %convert_element_type3A {strides = array<i32>} : memref<1x5120xf32, #tpu.memory_space<vmem>>, vector<1x5120xf32>,
    %get3A_21 = arith.constant 0 : index
    %get3A_22 = arith.constant 0 : index
    %get3A_23 = vector.load %arg3[%get3A_21, %get3A_22] : memref<32x64xf32, #tpu.memory_space<vmem>>, vector<32x64xf32>
    %broadcast_in_dim3A_24 = arith.constant 0.000000e+00 : f32
    %broadcast_in_dim3A_25 = vector.broadcast %broadcast_in_dim3A_24 : f32 to vector<32x64xf32>
    %concatenate3A_26 = tpu.concatenate %get3A_23, %broadcast_in_dim3A_25 in 1 : vector<32x64xf32>, vector<32x64xf32> -> vector<32x128xf32>
    %get3A_27 = arith.constant 0 : index
    %get3A_28 = arith.constant 0 : index
    %get3A_29 = vector.load %arg4[%get3A_27, %get3A_28] : memref<1x64xf32, #tpu.memory_space<vmem>>, vector<1x64xf32>
    %broadcast_in_dim3A_30 = arith.constant 0.000000e+00 : f32
    %broadcast_in_dim3A_31 = vector.broadcast %broadcast_in_dim3A_30 : f32 to vector<1x64xf32>
    %concatenate3A_32 = tpu.concatenate %get3A_29, %broadcast_in_dim3A_31 in 1 : vector<1x64xf32>, vector<1x64xf32> -> vector<1x128xf32>
    %get3A_33 = arith.constant 0 : index
    %get3A_34 = arith.constant 0 : index
    %get3A_35 = vector.load %arg1[%get3A_33, %get3A_34] : memref<8x32xf32, #tpu.memory_space<vmem>>, vector<8x32xf32>
    %dot_general3A = arith.constant dense<0.000000e+00> : vector<5120x32xf32>
    %dot_general3A_36 = tpu.matmul %concatenate3A, %get3A_35, %dot_general3A {dimension_numbers = #tpu.dot_dimension_numbers<[0], [0], [1], [1], [0, 1, 1, 1], [], []>, transpose_lhs_hint = false} : vector<8x5120xf32>, vector<8x32xf32>, vector<5120x32xf32> -> vector<5120x32xf32>
    %get3A_37 = arith.constant 0 : index
    %get3A_38 = arith.constant 0 : index
    %get3A_39 = vector.load %arg2[%get3A_37, %get3A_38] : memref<1x32xf32, #tpu.memory_space<vmem>>, vector<1x32xf32>
    %add3A_40 = vector.broadcast %get3A_39 : vector<1x32xf32> to vector<5120x32xf32>
    %add3A_41 = arith.addf %dot_general3A_36, %add3A_40 : vector<5120x32xf32>
    %dot_general3A_42 = arith.constant dense<0.000000e+00> : vector<5120x128xf32>
    %dot_general3A_43 = tpu.matmul %add3A_41, %concatenate3A_26, %dot_general3A_42 {dimension_numbers = #tpu.dot_dimension_numbers<[1], [0], [0], [1], [0, 0, 1, 1], [], []>, transpose_lhs_hint = false} : vector<5120x32xf32>, vector<32x128xf32>, vector<5120x128xf32> -> vector<5120x128xf32>
    %add3A_44 = vector.broadcast %concatenate3A_32 : vector<1x128xf32> to vector<5120x128xf32>
    %add3A_45 = arith.addf %dot_general3A_43, %add3A_44 : vector<5120x128xf32>
    %jit3A_46 = arith.constant -1.000000e+00 : f32
    %jit3A_47 = arith.constant 1.000000e+00 : f32
    %max3A = vector.broadcast %jit3A_46 : f32 to vector<5120x128xf32>
    %max3A_48 = arith.maximumf %max3A, %add3A_45 : vector<5120x128xf32>
    %min3A = vector.broadcast %jit3A_47 : f32 to vector<5120x128xf32>
    %min3A_49 = arith.minimumf %min3A, %max3A_48 : vector<5120x128xf32>
    %swap3A_50 = arith.constant 0 : index
    %swap3A_51 = arith.constant 0 : index
    %swap3A_52 = vector.load %arg8[%swap3A_50, %swap3A_51] : memref<5120x128xf32, #tpu.memory_space<vmem>>, vector<5120x128xf32>
    tpu.vector_store %arg8[%swap3A_50, %swap3A_51], %min3A_49 {strides = array<i32>} : memref<5120x128xf32, #tpu.memory_space<vmem>>, vector<5120x128xf32>,
    return
  }
}

module attributes {stable_mosaic.version = 14 : i64} {
  func.func @body(%arg0: i32, %arg1: memref<64x1024xf32, #tpu.memory_space<vmem>>, %arg2: memref<32x64xf32, #tpu.memory_space<vmem>>, %arg3: memref<1x32xf32, #tpu.memory_space<vmem>>, %arg4: memref<8x32xf32, #tpu.memory_space<vmem>>, %arg5: memref<1x8xf32, #tpu.memory_space<vmem>>, %arg6: memref<8x5120xf32, #tpu.memory_space<vmem>>, %arg7: memref<1x5120xf32, #tpu.memory_space<vmem>>, %arg8: memref<1x5120xf32, #tpu.memory_space<vmem>>, %arg9: memref<1024xi32, #tpu.memory_space<vmem>>) attributes {dimension_semantics = [#tpu.dimension_semantics<arbitrary>], iteration_bounds = array<i64: 4>, scalar_prefetch = 0 : i64, scratch_operands = 0 : i64, tpu.core_type = #tpu.core_type<tc>, window_params = [{transform_indices = @transform_0, window_bounds = array<i64: 64, 1024>}, {pipeline_mode = #tpu.pipeline_mode<synchronous>, transform_indices = @transform_1, window_bounds = array<i64: 32, 64>}, {pipeline_mode = #tpu.pipeline_mode<synchronous>, transform_indices = @transform_2, window_bounds = array<i64: 1, 32>}, {pipeline_mode = #tpu.pipeline_mode<synchronous>, transform_indices = @transform_3, window_bounds = array<i64: 8, 32>}, {pipeline_mode = #tpu.pipeline_mode<synchronous>, transform_indices = @transform_4, window_bounds = array<i64: 1, 8>}, {pipeline_mode = #tpu.pipeline_mode<synchronous>, transform_indices = @transform_5, window_bounds = array<i64: 8, 5120>}, {pipeline_mode = #tpu.pipeline_mode<synchronous>, transform_indices = @transform_6, window_bounds = array<i64: 1, 5120>}, {pipeline_mode = #tpu.pipeline_mode<synchronous>, transform_indices = @transform_7, window_bounds = array<i64: 1, 5120>}, {transform_indices = @transform_8, window_bounds = array<i64: 1024>}]} {
    %get3A = arith.constant 0 : index
    %get3A_0 = arith.constant 0 : index
    %get3A_1 = vector.load %arg1[%get3A, %get3A_0] : memref<64x1024xf32, #tpu.memory_space<vmem>>, vector<64x1024xf32>
    %get3A_2 = arith.constant 0 : index
    %get3A_3 = arith.constant 0 : index
    %get3A_4 = vector.load %arg2[%get3A_2, %get3A_3] : memref<32x64xf32, #tpu.memory_space<vmem>>, vector<32x64xf32>
    %dot_general3A = arith.constant dense<0.000000e+00> : vector<1024x32xf32>
    %dot_general3A_5 = tpu.matmul %get3A_1, %get3A_4, %dot_general3A {dimension_numbers = #tpu.dot_dimension_numbers<[0], [1], [1], [0], [0, 1, 1, 0], [], []>, transpose_lhs_hint = false} : vector<64x1024xf32>, vector<32x64xf32>, vector<1024x32xf32> -> vector<1024x32xf32>
    %get3A_6 = arith.constant 0 : index
    %get3A_7 = arith.constant 0 : index
    %get3A_8 = vector.load %arg3[%get3A_6, %get3A_7] : memref<1x32xf32, #tpu.memory_space<vmem>>, vector<1x32xf32>
    %add3A = vector.broadcast %get3A_8 : vector<1x32xf32> to vector<1024x32xf32>
    %add3A_9 = arith.addf %dot_general3A_5, %add3A : vector<1024x32xf32>
    %get3A_10 = arith.constant 0 : index
    %get3A_11 = arith.constant 0 : index
    %get3A_12 = vector.load %arg4[%get3A_10, %get3A_11] : memref<8x32xf32, #tpu.memory_space<vmem>>, vector<8x32xf32>
    %dot_general3A_13 = arith.constant dense<0.000000e+00> : vector<1024x8xf32>
    %dot_general3A_14 = tpu.matmul %add3A_9, %get3A_12, %dot_general3A_13 {dimension_numbers = #tpu.dot_dimension_numbers<[1], [1], [0], [0], [0, 0, 1, 0], [], []>, transpose_lhs_hint = false} : vector<1024x32xf32>, vector<8x32xf32>, vector<1024x8xf32> -> vector<1024x8xf32>
    %get3A_15 = arith.constant 0 : index
    %get3A_16 = arith.constant 0 : index
    %get3A_17 = vector.load %arg5[%get3A_15, %get3A_16] : memref<1x8xf32, #tpu.memory_space<vmem>>, vector<1x8xf32>
    %add3A_18 = vector.broadcast %get3A_17 : vector<1x8xf32> to vector<1024x8xf32>
    %add3A_19 = arith.addf %dot_general3A_14, %add3A_18 : vector<1024x8xf32>
    %get3A_20 = arith.constant 0 : index
    %get3A_21 = arith.constant 0 : index
    %get3A_22 = vector.load %arg6[%get3A_20, %get3A_21] : memref<8x5120xf32, #tpu.memory_space<vmem>>, vector<8x5120xf32>
    %dot_general3A_23 = arith.constant dense<0.000000e+00> : vector<1024x5120xf32>
    %dot_general3A_24 = tpu.matmul %add3A_19, %get3A_22, %dot_general3A_23 {dimension_numbers = #tpu.dot_dimension_numbers<[1], [0], [0], [1], [0, 0, 1, 1], [], []>, transpose_lhs_hint = false} : vector<1024x8xf32>, vector<8x5120xf32>, vector<1024x5120xf32> -> vector<1024x5120xf32>
    %get3A_25 = arith.constant 0 : index
    %get3A_26 = arith.constant 0 : index
    %get3A_27 = vector.load %arg7[%get3A_25, %get3A_26] : memref<1x5120xf32, #tpu.memory_space<vmem>>, vector<1x5120xf32>
    %add3A_28 = vector.broadcast %get3A_27 : vector<1x5120xf32> to vector<1024x5120xf32>
    %add3A_29 = arith.addf %dot_general3A_24, %add3A_28 : vector<1024x5120xf32>
    %get3A_30 = arith.constant 0 : index
    %get3A_31 = arith.constant 0 : index
    %get3A_32 = vector.load %arg8[%get3A_30, %get3A_31] : memref<1x5120xf32, #tpu.memory_space<vmem>>, vector<1x5120xf32>
    %slice3A = vector.extract_strided_slice %add3A_29 {offsets = [0, 0], sizes = [1024, 128], strides = [1, 1]} : vector<1024x5120xf32> to vector<1024x128xf32>
    %slice3A_33 = vector.extract_strided_slice %get3A_32 {offsets = [0, 0], sizes = [1, 128], strides = [1, 1]} : vector<1x5120xf32> to vector<1x128xf32>
    %broadcast_in_dim3A = vector.shape_cast %slice3A_33 : vector<1x128xf32> to vector<1x128xf32>
    %broadcast_in_dim3A_34 = vector.broadcast %broadcast_in_dim3A : vector<1x128xf32> to vector<1024x128xf32>
    %slice3A_35 = vector.extract_strided_slice %add3A_29 {offsets = [0, 128], sizes = [1024, 128], strides = [1, 1]} : vector<1024x5120xf32> to vector<1024x128xf32>
    %slice3A_36 = vector.extract_strided_slice %get3A_32 {offsets = [0, 128], sizes = [1, 128], strides = [1, 1]} : vector<1x5120xf32> to vector<1x128xf32>
    %broadcast_in_dim3A_37 = vector.shape_cast %slice3A_36 : vector<1x128xf32> to vector<1x128xf32>
    %broadcast_in_dim3A_38 = vector.broadcast %broadcast_in_dim3A_37 : vector<1x128xf32> to vector<1024x128xf32>
    %lt3A = arith.cmpf olt, %slice3A_35, %slice3A : vector<1024x128xf32>
    %select_n3A = arith.select %lt3A, %broadcast_in_dim3A_38, %broadcast_in_dim3A_34 : vector<1024x128xi1>, vector<1024x128xf32>
    %min3A = arith.minimumf %slice3A_35, %slice3A : vector<1024x128xf32>
    %slice3A_39 = vector.extract_strided_slice %add3A_29 {offsets = [0, 256], sizes = [1024, 128], strides = [1, 1]} : vector<1024x5120xf32> to vector<1024x128xf32>
    %slice3A_40 = vector.extract_strided_slice %get3A_32 {offsets = [0, 256], sizes = [1, 128], strides = [1, 1]} : vector<1x5120xf32> to vector<1x128xf32>
    %broadcast_in_dim3A_41 = vector.shape_cast %slice3A_40 : vector<1x128xf32> to vector<1x128xf32>
    %broadcast_in_dim3A_42 = vector.broadcast %broadcast_in_dim3A_41 : vector<1x128xf32> to vector<1024x128xf32>
    %lt3A_43 = arith.cmpf olt, %slice3A_39, %min3A : vector<1024x128xf32>
    %select_n3A_44 = arith.select %lt3A_43, %broadcast_in_dim3A_42, %select_n3A : vector<1024x128xi1>, vector<1024x128xf32>
    %min3A_45 = arith.minimumf %slice3A_39, %min3A : vector<1024x128xf32>
    %slice3A_46 = vector.extract_strided_slice %add3A_29 {offsets = [0, 384], sizes = [1024, 128], strides = [1, 1]} : vector<1024x5120xf32> to vector<1024x128xf32>
    %slice3A_47 = vector.extract_strided_slice %get3A_32 {offsets = [0, 384], sizes = [1, 128], strides = [1, 1]} : vector<1x5120xf32> to vector<1x128xf32>
    %broadcast_in_dim3A_48 = vector.shape_cast %slice3A_47 : vector<1x128xf32> to vector<1x128xf32>
    %broadcast_in_dim3A_49 = vector.broadcast %broadcast_in_dim3A_48 : vector<1x128xf32> to vector<1024x128xf32>
    %lt3A_50 = arith.cmpf olt, %slice3A_46, %min3A_45 : vector<1024x128xf32>
    %select_n3A_51 = arith.select %lt3A_50, %broadcast_in_dim3A_49, %select_n3A_44 : vector<1024x128xi1>, vector<1024x128xf32>
    %min3A_52 = arith.minimumf %slice3A_46, %min3A_45 : vector<1024x128xf32>
    %slice3A_53 = vector.extract_strided_slice %add3A_29 {offsets = [0, 512], sizes = [1024, 128], strides = [1, 1]} : vector<1024x5120xf32> to vector<1024x128xf32>
    %slice3A_54 = vector.extract_strided_slice %get3A_32 {offsets = [0, 512], sizes = [1, 128], strides = [1, 1]} : vector<1x5120xf32> to vector<1x128xf32>
    %broadcast_in_dim3A_55 = vector.shape_cast %slice3A_54 : vector<1x128xf32> to vector<1x128xf32>
    %broadcast_in_dim3A_56 = vector.broadcast %broadcast_in_dim3A_55 : vector<1x128xf32> to vector<1024x128xf32>
    %lt3A_57 = arith.cmpf olt, %slice3A_53, %min3A_52 : vector<1024x128xf32>
    %select_n3A_58 = arith.select %lt3A_57, %broadcast_in_dim3A_56, %select_n3A_51 : vector<1024x128xi1>, vector<1024x128xf32>
    %min3A_59 = arith.minimumf %slice3A_53, %min3A_52 : vector<1024x128xf32>
    %slice3A_60 = vector.extract_strided_slice %add3A_29 {offsets = [0, 640], sizes = [1024, 128], strides = [1, 1]} : vector<1024x5120xf32> to vector<1024x128xf32>
    %slice3A_61 = vector.extract_strided_slice %get3A_32 {offsets = [0, 640], sizes = [1, 128], strides = [1, 1]} : vector<1x5120xf32> to vector<1x128xf32>
    %broadcast_in_dim3A_62 = vector.shape_cast %slice3A_61 : vector<1x128xf32> to vector<1x128xf32>
    %broadcast_in_dim3A_63 = vector.broadcast %broadcast_in_dim3A_62 : vector<1x128xf32> to vector<1024x128xf32>
    %lt3A_64 = arith.cmpf olt, %slice3A_60, %min3A_59 : vector<1024x128xf32>
    %select_n3A_65 = arith.select %lt3A_64, %broadcast_in_dim3A_63, %select_n3A_58 : vector<1024x128xi1>, vector<1024x128xf32>
    %min3A_66 = arith.minimumf %slice3A_60, %min3A_59 : vector<1024x128xf32>
    %slice3A_67 = vector.extract_strided_slice %add3A_29 {offsets = [0, 768], sizes = [1024, 128], strides = [1, 1]} : vector<1024x5120xf32> to vector<1024x128xf32>
    %slice3A_68 = vector.extract_strided_slice %get3A_32 {offsets = [0, 768], sizes = [1, 128], strides = [1, 1]} : vector<1x5120xf32> to vector<1x128xf32>
    %broadcast_in_dim3A_69 = vector.shape_cast %slice3A_68 : vector<1x128xf32> to vector<1x128xf32>
    %broadcast_in_dim3A_70 = vector.broadcast %broadcast_in_dim3A_69 : vector<1x128xf32> to vector<1024x128xf32>
    %lt3A_71 = arith.cmpf olt, %slice3A_67, %min3A_66 : vector<1024x128xf32>
    %select_n3A_72 = arith.select %lt3A_71, %broadcast_in_dim3A_70, %select_n3A_65 : vector<1024x128xi1>, vector<1024x128xf32>
    %min3A_73 = arith.minimumf %slice3A_67, %min3A_66 : vector<1024x128xf32>
    %slice3A_74 = vector.extract_strided_slice %add3A_29 {offsets = [0, 896], sizes = [1024, 128], strides = [1, 1]} : vector<1024x5120xf32> to vector<1024x128xf32>
    %slice3A_75 = vector.extract_strided_slice %get3A_32 {offsets = [0, 896], sizes = [1, 128], strides = [1, 1]} : vector<1x5120xf32> to vector<1x128xf32>
    %broadcast_in_dim3A_76 = vector.shape_cast %slice3A_75 : vector<1x128xf32> to vector<1x128xf32>
    %broadcast_in_dim3A_77 = vector.broadcast %broadcast_in_dim3A_76 : vector<1x128xf32> to vector<1024x128xf32>
    %lt3A_78 = arith.cmpf olt, %slice3A_74, %min3A_73 : vector<1024x128xf32>
    %select_n3A_79 = arith.select %lt3A_78, %broadcast_in_dim3A_77, %select_n3A_72 : vector<1024x128xi1>, vector<1024x128xf32>
    %min3A_80 = arith.minimumf %slice3A_74, %min3A_73 : vector<1024x128xf32>
    %slice3A_81 = vector.extract_strided_slice %add3A_29 {offsets = [0, 1024], sizes = [1024, 128], strides = [1, 1]} : vector<1024x5120xf32> to vector<1024x128xf32>
    %slice3A_82 = vector.extract_strided_slice %get3A_32 {offsets = [0, 1024], sizes = [1, 128], strides = [1, 1]} : vector<1x5120xf32> to vector<1x128xf32>
    %broadcast_in_dim3A_83 = vector.shape_cast %slice3A_82 : vector<1x128xf32> to vector<1x128xf32>
    %broadcast_in_dim3A_84 = vector.broadcast %broadcast_in_dim3A_83 : vector<1x128xf32> to vector<1024x128xf32>
    %lt3A_85 = arith.cmpf olt, %slice3A_81, %min3A_80 : vector<1024x128xf32>
    %select_n3A_86 = arith.select %lt3A_85, %broadcast_in_dim3A_84, %select_n3A_79 : vector<1024x128xi1>, vector<1024x128xf32>
    %min3A_87 = arith.minimumf %slice3A_81, %min3A_80 : vector<1024x128xf32>
    %slice3A_88 = vector.extract_strided_slice %add3A_29 {offsets = [0, 1152], sizes = [1024, 128], strides = [1, 1]} : vector<1024x5120xf32> to vector<1024x128xf32>
    %slice3A_89 = vector.extract_strided_slice %get3A_32 {offsets = [0, 1152], sizes = [1, 128], strides = [1, 1]} : vector<1x5120xf32> to vector<1x128xf32>
    %broadcast_in_dim3A_90 = vector.shape_cast %slice3A_89 : vector<1x128xf32> to vector<1x128xf32>
    %broadcast_in_dim3A_91 = vector.broadcast %broadcast_in_dim3A_90 : vector<1x128xf32> to vector<1024x128xf32>
    %lt3A_92 = arith.cmpf olt, %slice3A_88, %min3A_87 : vector<1024x128xf32>
    %select_n3A_93 = arith.select %lt3A_92, %broadcast_in_dim3A_91, %select_n3A_86 : vector<1024x128xi1>, vector<1024x128xf32>
    %min3A_94 = arith.minimumf %slice3A_88, %min3A_87 : vector<1024x128xf32>
    %slice3A_95 = vector.extract_strided_slice %add3A_29 {offsets = [0, 1280], sizes = [1024, 128], strides = [1, 1]} : vector<1024x5120xf32> to vector<1024x128xf32>
    %slice3A_96 = vector.extract_strided_slice %get3A_32 {offsets = [0, 1280], sizes = [1, 128], strides = [1, 1]} : vector<1x5120xf32> to vector<1x128xf32>
    %broadcast_in_dim3A_97 = vector.shape_cast %slice3A_96 : vector<1x128xf32> to vector<1x128xf32>
    %broadcast_in_dim3A_98 = vector.broadcast %broadcast_in_dim3A_97 : vector<1x128xf32> to vector<1024x128xf32>
    %lt3A_99 = arith.cmpf olt, %slice3A_95, %min3A_94 : vector<1024x128xf32>
    %select_n3A_100 = arith.select %lt3A_99, %broadcast_in_dim3A_98, %select_n3A_93 : vector<1024x128xi1>, vector<1024x128xf32>
    %min3A_101 = arith.minimumf %slice3A_95, %min3A_94 : vector<1024x128xf32>
    %slice3A_102 = vector.extract_strided_slice %add3A_29 {offsets = [0, 1408], sizes = [1024, 128], strides = [1, 1]} : vector<1024x5120xf32> to vector<1024x128xf32>
    %slice3A_103 = vector.extract_strided_slice %get3A_32 {offsets = [0, 1408], sizes = [1, 128], strides = [1, 1]} : vector<1x5120xf32> to vector<1x128xf32>
    %broadcast_in_dim3A_104 = vector.shape_cast %slice3A_103 : vector<1x128xf32> to vector<1x128xf32>
    %broadcast_in_dim3A_105 = vector.broadcast %broadcast_in_dim3A_104 : vector<1x128xf32> to vector<1024x128xf32>
    %lt3A_106 = arith.cmpf olt, %slice3A_102, %min3A_101 : vector<1024x128xf32>
    %select_n3A_107 = arith.select %lt3A_106, %broadcast_in_dim3A_105, %select_n3A_100 : vector<1024x128xi1>, vector<1024x128xf32>
    %min3A_108 = arith.minimumf %slice3A_102, %min3A_101 : vector<1024x128xf32>
    %slice3A_109 = vector.extract_strided_slice %add3A_29 {offsets = [0, 1536], sizes = [1024, 128], strides = [1, 1]} : vector<1024x5120xf32> to vector<1024x128xf32>
    %slice3A_110 = vector.extract_strided_slice %get3A_32 {offsets = [0, 1536], sizes = [1, 128], strides = [1, 1]} : vector<1x5120xf32> to vector<1x128xf32>
    %broadcast_in_dim3A_111 = vector.shape_cast %slice3A_110 : vector<1x128xf32> to vector<1x128xf32>
    %broadcast_in_dim3A_112 = vector.broadcast %broadcast_in_dim3A_111 : vector<1x128xf32> to vector<1024x128xf32>
    %lt3A_113 = arith.cmpf olt, %slice3A_109, %min3A_108 : vector<1024x128xf32>
    %select_n3A_114 = arith.select %lt3A_113, %broadcast_in_dim3A_112, %select_n3A_107 : vector<1024x128xi1>, vector<1024x128xf32>
    %min3A_115 = arith.minimumf %slice3A_109, %min3A_108 : vector<1024x128xf32>
    %slice3A_116 = vector.extract_strided_slice %add3A_29 {offsets = [0, 1664], sizes = [1024, 128], strides = [1, 1]} : vector<1024x5120xf32> to vector<1024x128xf32>
    %slice3A_117 = vector.extract_strided_slice %get3A_32 {offsets = [0, 1664], sizes = [1, 128], strides = [1, 1]} : vector<1x5120xf32> to vector<1x128xf32>
    %broadcast_in_dim3A_118 = vector.shape_cast %slice3A_117 : vector<1x128xf32> to vector<1x128xf32>
    %broadcast_in_dim3A_119 = vector.broadcast %broadcast_in_dim3A_118 : vector<1x128xf32> to vector<1024x128xf32>
    %lt3A_120 = arith.cmpf olt, %slice3A_116, %min3A_115 : vector<1024x128xf32>
    %select_n3A_121 = arith.select %lt3A_120, %broadcast_in_dim3A_119, %select_n3A_114 : vector<1024x128xi1>, vector<1024x128xf32>
    %min3A_122 = arith.minimumf %slice3A_116, %min3A_115 : vector<1024x128xf32>
    %slice3A_123 = vector.extract_strided_slice %add3A_29 {offsets = [0, 1792], sizes = [1024, 128], strides = [1, 1]} : vector<1024x5120xf32> to vector<1024x128xf32>
    %slice3A_124 = vector.extract_strided_slice %get3A_32 {offsets = [0, 1792], sizes = [1, 128], strides = [1, 1]} : vector<1x5120xf32> to vector<1x128xf32>
    %broadcast_in_dim3A_125 = vector.shape_cast %slice3A_124 : vector<1x128xf32> to vector<1x128xf32>
    %broadcast_in_dim3A_126 = vector.broadcast %broadcast_in_dim3A_125 : vector<1x128xf32> to vector<1024x128xf32>
    %lt3A_127 = arith.cmpf olt, %slice3A_123, %min3A_122 : vector<1024x128xf32>
    %select_n3A_128 = arith.select %lt3A_127, %broadcast_in_dim3A_126, %select_n3A_121 : vector<1024x128xi1>, vector<1024x128xf32>
    %min3A_129 = arith.minimumf %slice3A_123, %min3A_122 : vector<1024x128xf32>
    %slice3A_130 = vector.extract_strided_slice %add3A_29 {offsets = [0, 1920], sizes = [1024, 128], strides = [1, 1]} : vector<1024x5120xf32> to vector<1024x128xf32>
    %slice3A_131 = vector.extract_strided_slice %get3A_32 {offsets = [0, 1920], sizes = [1, 128], strides = [1, 1]} : vector<1x5120xf32> to vector<1x128xf32>
    %broadcast_in_dim3A_132 = vector.shape_cast %slice3A_131 : vector<1x128xf32> to vector<1x128xf32>
    %broadcast_in_dim3A_133 = vector.broadcast %broadcast_in_dim3A_132 : vector<1x128xf32> to vector<1024x128xf32>
    %lt3A_134 = arith.cmpf olt, %slice3A_130, %min3A_129 : vector<1024x128xf32>
    %select_n3A_135 = arith.select %lt3A_134, %broadcast_in_dim3A_133, %select_n3A_128 : vector<1024x128xi1>, vector<1024x128xf32>
    %min3A_136 = arith.minimumf %slice3A_130, %min3A_129 : vector<1024x128xf32>
    %slice3A_137 = vector.extract_strided_slice %add3A_29 {offsets = [0, 2048], sizes = [1024, 128], strides = [1, 1]} : vector<1024x5120xf32> to vector<1024x128xf32>
    %slice3A_138 = vector.extract_strided_slice %get3A_32 {offsets = [0, 2048], sizes = [1, 128], strides = [1, 1]} : vector<1x5120xf32> to vector<1x128xf32>
    %broadcast_in_dim3A_139 = vector.shape_cast %slice3A_138 : vector<1x128xf32> to vector<1x128xf32>
    %broadcast_in_dim3A_140 = vector.broadcast %broadcast_in_dim3A_139 : vector<1x128xf32> to vector<1024x128xf32>
    %lt3A_141 = arith.cmpf olt, %slice3A_137, %min3A_136 : vector<1024x128xf32>
    %select_n3A_142 = arith.select %lt3A_141, %broadcast_in_dim3A_140, %select_n3A_135 : vector<1024x128xi1>, vector<1024x128xf32>
    %min3A_143 = arith.minimumf %slice3A_137, %min3A_136 : vector<1024x128xf32>
    %slice3A_144 = vector.extract_strided_slice %add3A_29 {offsets = [0, 2176], sizes = [1024, 128], strides = [1, 1]} : vector<1024x5120xf32> to vector<1024x128xf32>
    %slice3A_145 = vector.extract_strided_slice %get3A_32 {offsets = [0, 2176], sizes = [1, 128], strides = [1, 1]} : vector<1x5120xf32> to vector<1x128xf32>
    %broadcast_in_dim3A_146 = vector.shape_cast %slice3A_145 : vector<1x128xf32> to vector<1x128xf32>
    %broadcast_in_dim3A_147 = vector.broadcast %broadcast_in_dim3A_146 : vector<1x128xf32> to vector<1024x128xf32>
    %lt3A_148 = arith.cmpf olt, %slice3A_144, %min3A_143 : vector<1024x128xf32>
    %select_n3A_149 = arith.select %lt3A_148, %broadcast_in_dim3A_147, %select_n3A_142 : vector<1024x128xi1>, vector<1024x128xf32>
    %min3A_150 = arith.minimumf %slice3A_144, %min3A_143 : vector<1024x128xf32>
    %slice3A_151 = vector.extract_strided_slice %add3A_29 {offsets = [0, 2304], sizes = [1024, 128], strides = [1, 1]} : vector<1024x5120xf32> to vector<1024x128xf32>
    %slice3A_152 = vector.extract_strided_slice %get3A_32 {offsets = [0, 2304], sizes = [1, 128], strides = [1, 1]} : vector<1x5120xf32> to vector<1x128xf32>
    %broadcast_in_dim3A_153 = vector.shape_cast %slice3A_152 : vector<1x128xf32> to vector<1x128xf32>
    %broadcast_in_dim3A_154 = vector.broadcast %broadcast_in_dim3A_153 : vector<1x128xf32> to vector<1024x128xf32>
    %lt3A_155 = arith.cmpf olt, %slice3A_151, %min3A_150 : vector<1024x128xf32>
    %select_n3A_156 = arith.select %lt3A_155, %broadcast_in_dim3A_154, %select_n3A_149 : vector<1024x128xi1>, vector<1024x128xf32>
    %min3A_157 = arith.minimumf %slice3A_151, %min3A_150 : vector<1024x128xf32>
    %slice3A_158 = vector.extract_strided_slice %add3A_29 {offsets = [0, 2432], sizes = [1024, 128], strides = [1, 1]} : vector<1024x5120xf32> to vector<1024x128xf32>
    %slice3A_159 = vector.extract_strided_slice %get3A_32 {offsets = [0, 2432], sizes = [1, 128], strides = [1, 1]} : vector<1x5120xf32> to vector<1x128xf32>
    %broadcast_in_dim3A_160 = vector.shape_cast %slice3A_159 : vector<1x128xf32> to vector<1x128xf32>
    %broadcast_in_dim3A_161 = vector.broadcast %broadcast_in_dim3A_160 : vector<1x128xf32> to vector<1024x128xf32>
    %lt3A_162 = arith.cmpf olt, %slice3A_158, %min3A_157 : vector<1024x128xf32>
    %select_n3A_163 = arith.select %lt3A_162, %broadcast_in_dim3A_161, %select_n3A_156 : vector<1024x128xi1>, vector<1024x128xf32>
    %min3A_164 = arith.minimumf %slice3A_158, %min3A_157 : vector<1024x128xf32>
    %slice3A_165 = vector.extract_strided_slice %add3A_29 {offsets = [0, 2560], sizes = [1024, 128], strides = [1, 1]} : vector<1024x5120xf32> to vector<1024x128xf32>
    %slice3A_166 = vector.extract_strided_slice %get3A_32 {offsets = [0, 2560], sizes = [1, 128], strides = [1, 1]} : vector<1x5120xf32> to vector<1x128xf32>
    %broadcast_in_dim3A_167 = vector.shape_cast %slice3A_166 : vector<1x128xf32> to vector<1x128xf32>
    %broadcast_in_dim3A_168 = vector.broadcast %broadcast_in_dim3A_167 : vector<1x128xf32> to vector<1024x128xf32>
    %lt3A_169 = arith.cmpf olt, %slice3A_165, %min3A_164 : vector<1024x128xf32>
    %select_n3A_170 = arith.select %lt3A_169, %broadcast_in_dim3A_168, %select_n3A_163 : vector<1024x128xi1>, vector<1024x128xf32>
    %min3A_171 = arith.minimumf %slice3A_165, %min3A_164 : vector<1024x128xf32>
    %slice3A_172 = vector.extract_strided_slice %add3A_29 {offsets = [0, 2688], sizes = [1024, 128], strides = [1, 1]} : vector<1024x5120xf32> to vector<1024x128xf32>
    %slice3A_173 = vector.extract_strided_slice %get3A_32 {offsets = [0, 2688], sizes = [1, 128], strides = [1, 1]} : vector<1x5120xf32> to vector<1x128xf32>
    %broadcast_in_dim3A_174 = vector.shape_cast %slice3A_173 : vector<1x128xf32> to vector<1x128xf32>
    %broadcast_in_dim3A_175 = vector.broadcast %broadcast_in_dim3A_174 : vector<1x128xf32> to vector<1024x128xf32>
    %lt3A_176 = arith.cmpf olt, %slice3A_172, %min3A_171 : vector<1024x128xf32>
    %select_n3A_177 = arith.select %lt3A_176, %broadcast_in_dim3A_175, %select_n3A_170 : vector<1024x128xi1>, vector<1024x128xf32>
    %min3A_178 = arith.minimumf %slice3A_172, %min3A_171 : vector<1024x128xf32>
    %slice3A_179 = vector.extract_strided_slice %add3A_29 {offsets = [0, 2816], sizes = [1024, 128], strides = [1, 1]} : vector<1024x5120xf32> to vector<1024x128xf32>
    %slice3A_180 = vector.extract_strided_slice %get3A_32 {offsets = [0, 2816], sizes = [1, 128], strides = [1, 1]} : vector<1x5120xf32> to vector<1x128xf32>
    %broadcast_in_dim3A_181 = vector.shape_cast %slice3A_180 : vector<1x128xf32> to vector<1x128xf32>
    %broadcast_in_dim3A_182 = vector.broadcast %broadcast_in_dim3A_181 : vector<1x128xf32> to vector<1024x128xf32>
    %lt3A_183 = arith.cmpf olt, %slice3A_179, %min3A_178 : vector<1024x128xf32>
    %select_n3A_184 = arith.select %lt3A_183, %broadcast_in_dim3A_182, %select_n3A_177 : vector<1024x128xi1>, vector<1024x128xf32>
    %min3A_185 = arith.minimumf %slice3A_179, %min3A_178 : vector<1024x128xf32>
    %slice3A_186 = vector.extract_strided_slice %add3A_29 {offsets = [0, 2944], sizes = [1024, 128], strides = [1, 1]} : vector<1024x5120xf32> to vector<1024x128xf32>
    %slice3A_187 = vector.extract_strided_slice %get3A_32 {offsets = [0, 2944], sizes = [1, 128], strides = [1, 1]} : vector<1x5120xf32> to vector<1x128xf32>
    %broadcast_in_dim3A_188 = vector.shape_cast %slice3A_187 : vector<1x128xf32> to vector<1x128xf32>
    %broadcast_in_dim3A_189 = vector.broadcast %broadcast_in_dim3A_188 : vector<1x128xf32> to vector<1024x128xf32>
    %lt3A_190 = arith.cmpf olt, %slice3A_186, %min3A_185 : vector<1024x128xf32>
    %select_n3A_191 = arith.select %lt3A_190, %broadcast_in_dim3A_189, %select_n3A_184 : vector<1024x128xi1>, vector<1024x128xf32>
    %min3A_192 = arith.minimumf %slice3A_186, %min3A_185 : vector<1024x128xf32>
    %slice3A_193 = vector.extract_strided_slice %add3A_29 {offsets = [0, 3072], sizes = [1024, 128], strides = [1, 1]} : vector<1024x5120xf32> to vector<1024x128xf32>
    %slice3A_194 = vector.extract_strided_slice %get3A_32 {offsets = [0, 3072], sizes = [1, 128], strides = [1, 1]} : vector<1x5120xf32> to vector<1x128xf32>
    %broadcast_in_dim3A_195 = vector.shape_cast %slice3A_194 : vector<1x128xf32> to vector<1x128xf32>
    %broadcast_in_dim3A_196 = vector.broadcast %broadcast_in_dim3A_195 : vector<1x128xf32> to vector<1024x128xf32>
    %lt3A_197 = arith.cmpf olt, %slice3A_193, %min3A_192 : vector<1024x128xf32>
    %select_n3A_198 = arith.select %lt3A_197, %broadcast_in_dim3A_196, %select_n3A_191 : vector<1024x128xi1>, vector<1024x128xf32>
    %min3A_199 = arith.minimumf %slice3A_193, %min3A_192 : vector<1024x128xf32>
    %slice3A_200 = vector.extract_strided_slice %add3A_29 {offsets = [0, 3200], sizes = [1024, 128], strides = [1, 1]} : vector<1024x5120xf32> to vector<1024x128xf32>
    %slice3A_201 = vector.extract_strided_slice %get3A_32 {offsets = [0, 3200], sizes = [1, 128], strides = [1, 1]} : vector<1x5120xf32> to vector<1x128xf32>
    %broadcast_in_dim3A_202 = vector.shape_cast %slice3A_201 : vector<1x128xf32> to vector<1x128xf32>
    %broadcast_in_dim3A_203 = vector.broadcast %broadcast_in_dim3A_202 : vector<1x128xf32> to vector<1024x128xf32>
    %lt3A_204 = arith.cmpf olt, %slice3A_200, %min3A_199 : vector<1024x128xf32>
    %select_n3A_205 = arith.select %lt3A_204, %broadcast_in_dim3A_203, %select_n3A_198 : vector<1024x128xi1>, vector<1024x128xf32>
    %min3A_206 = arith.minimumf %slice3A_200, %min3A_199 : vector<1024x128xf32>
    %slice3A_207 = vector.extract_strided_slice %add3A_29 {offsets = [0, 3328], sizes = [1024, 128], strides = [1, 1]} : vector<1024x5120xf32> to vector<1024x128xf32>
    %slice3A_208 = vector.extract_strided_slice %get3A_32 {offsets = [0, 3328], sizes = [1, 128], strides = [1, 1]} : vector<1x5120xf32> to vector<1x128xf32>
    %broadcast_in_dim3A_209 = vector.shape_cast %slice3A_208 : vector<1x128xf32> to vector<1x128xf32>
    %broadcast_in_dim3A_210 = vector.broadcast %broadcast_in_dim3A_209 : vector<1x128xf32> to vector<1024x128xf32>
    %lt3A_211 = arith.cmpf olt, %slice3A_207, %min3A_206 : vector<1024x128xf32>
    %select_n3A_212 = arith.select %lt3A_211, %broadcast_in_dim3A_210, %select_n3A_205 : vector<1024x128xi1>, vector<1024x128xf32>
    %min3A_213 = arith.minimumf %slice3A_207, %min3A_206 : vector<1024x128xf32>
    %slice3A_214 = vector.extract_strided_slice %add3A_29 {offsets = [0, 3456], sizes = [1024, 128], strides = [1, 1]} : vector<1024x5120xf32> to vector<1024x128xf32>
    %slice3A_215 = vector.extract_strided_slice %get3A_32 {offsets = [0, 3456], sizes = [1, 128], strides = [1, 1]} : vector<1x5120xf32> to vector<1x128xf32>
    %broadcast_in_dim3A_216 = vector.shape_cast %slice3A_215 : vector<1x128xf32> to vector<1x128xf32>
    %broadcast_in_dim3A_217 = vector.broadcast %broadcast_in_dim3A_216 : vector<1x128xf32> to vector<1024x128xf32>
    %lt3A_218 = arith.cmpf olt, %slice3A_214, %min3A_213 : vector<1024x128xf32>
    %select_n3A_219 = arith.select %lt3A_218, %broadcast_in_dim3A_217, %select_n3A_212 : vector<1024x128xi1>, vector<1024x128xf32>
    %min3A_220 = arith.minimumf %slice3A_214, %min3A_213 : vector<1024x128xf32>
    %slice3A_221 = vector.extract_strided_slice %add3A_29 {offsets = [0, 3584], sizes = [1024, 128], strides = [1, 1]} : vector<1024x5120xf32> to vector<1024x128xf32>
    %slice3A_222 = vector.extract_strided_slice %get3A_32 {offsets = [0, 3584], sizes = [1, 128], strides = [1, 1]} : vector<1x5120xf32> to vector<1x128xf32>
    %broadcast_in_dim3A_223 = vector.shape_cast %slice3A_222 : vector<1x128xf32> to vector<1x128xf32>
    %broadcast_in_dim3A_224 = vector.broadcast %broadcast_in_dim3A_223 : vector<1x128xf32> to vector<1024x128xf32>
    %lt3A_225 = arith.cmpf olt, %slice3A_221, %min3A_220 : vector<1024x128xf32>
    %select_n3A_226 = arith.select %lt3A_225, %broadcast_in_dim3A_224, %select_n3A_219 : vector<1024x128xi1>, vector<1024x128xf32>
    %min3A_227 = arith.minimumf %slice3A_221, %min3A_220 : vector<1024x128xf32>
    %slice3A_228 = vector.extract_strided_slice %add3A_29 {offsets = [0, 3712], sizes = [1024, 128], strides = [1, 1]} : vector<1024x5120xf32> to vector<1024x128xf32>
    %slice3A_229 = vector.extract_strided_slice %get3A_32 {offsets = [0, 3712], sizes = [1, 128], strides = [1, 1]} : vector<1x5120xf32> to vector<1x128xf32>
    %broadcast_in_dim3A_230 = vector.shape_cast %slice3A_229 : vector<1x128xf32> to vector<1x128xf32>
    %broadcast_in_dim3A_231 = vector.broadcast %broadcast_in_dim3A_230 : vector<1x128xf32> to vector<1024x128xf32>
    %lt3A_232 = arith.cmpf olt, %slice3A_228, %min3A_227 : vector<1024x128xf32>
    %select_n3A_233 = arith.select %lt3A_232, %broadcast_in_dim3A_231, %select_n3A_226 : vector<1024x128xi1>, vector<1024x128xf32>
    %min3A_234 = arith.minimumf %slice3A_228, %min3A_227 : vector<1024x128xf32>
    %slice3A_235 = vector.extract_strided_slice %add3A_29 {offsets = [0, 3840], sizes = [1024, 128], strides = [1, 1]} : vector<1024x5120xf32> to vector<1024x128xf32>
    %slice3A_236 = vector.extract_strided_slice %get3A_32 {offsets = [0, 3840], sizes = [1, 128], strides = [1, 1]} : vector<1x5120xf32> to vector<1x128xf32>
    %broadcast_in_dim3A_237 = vector.shape_cast %slice3A_236 : vector<1x128xf32> to vector<1x128xf32>
    %broadcast_in_dim3A_238 = vector.broadcast %broadcast_in_dim3A_237 : vector<1x128xf32> to vector<1024x128xf32>
    %lt3A_239 = arith.cmpf olt, %slice3A_235, %min3A_234 : vector<1024x128xf32>
    %select_n3A_240 = arith.select %lt3A_239, %broadcast_in_dim3A_238, %select_n3A_233 : vector<1024x128xi1>, vector<1024x128xf32>
    %min3A_241 = arith.minimumf %slice3A_235, %min3A_234 : vector<1024x128xf32>
    %slice3A_242 = vector.extract_strided_slice %add3A_29 {offsets = [0, 3968], sizes = [1024, 128], strides = [1, 1]} : vector<1024x5120xf32> to vector<1024x128xf32>
    %slice3A_243 = vector.extract_strided_slice %get3A_32 {offsets = [0, 3968], sizes = [1, 128], strides = [1, 1]} : vector<1x5120xf32> to vector<1x128xf32>
    %broadcast_in_dim3A_244 = vector.shape_cast %slice3A_243 : vector<1x128xf32> to vector<1x128xf32>
    %broadcast_in_dim3A_245 = vector.broadcast %broadcast_in_dim3A_244 : vector<1x128xf32> to vector<1024x128xf32>
    %lt3A_246 = arith.cmpf olt, %slice3A_242, %min3A_241 : vector<1024x128xf32>
    %select_n3A_247 = arith.select %lt3A_246, %broadcast_in_dim3A_245, %select_n3A_240 : vector<1024x128xi1>, vector<1024x128xf32>
    %min3A_248 = arith.minimumf %slice3A_242, %min3A_241 : vector<1024x128xf32>
    %slice3A_249 = vector.extract_strided_slice %add3A_29 {offsets = [0, 4096], sizes = [1024, 128], strides = [1, 1]} : vector<1024x5120xf32> to vector<1024x128xf32>
    %slice3A_250 = vector.extract_strided_slice %get3A_32 {offsets = [0, 4096], sizes = [1, 128], strides = [1, 1]} : vector<1x5120xf32> to vector<1x128xf32>
    %broadcast_in_dim3A_251 = vector.shape_cast %slice3A_250 : vector<1x128xf32> to vector<1x128xf32>
    %broadcast_in_dim3A_252 = vector.broadcast %broadcast_in_dim3A_251 : vector<1x128xf32> to vector<1024x128xf32>
    %lt3A_253 = arith.cmpf olt, %slice3A_249, %min3A_248 : vector<1024x128xf32>
    %select_n3A_254 = arith.select %lt3A_253, %broadcast_in_dim3A_252, %select_n3A_247 : vector<1024x128xi1>, vector<1024x128xf32>
    %min3A_255 = arith.minimumf %slice3A_249, %min3A_248 : vector<1024x128xf32>
    %slice3A_256 = vector.extract_strided_slice %add3A_29 {offsets = [0, 4224], sizes = [1024, 128], strides = [1, 1]} : vector<1024x5120xf32> to vector<1024x128xf32>
    %slice3A_257 = vector.extract_strided_slice %get3A_32 {offsets = [0, 4224], sizes = [1, 128], strides = [1, 1]} : vector<1x5120xf32> to vector<1x128xf32>
    %broadcast_in_dim3A_258 = vector.shape_cast %slice3A_257 : vector<1x128xf32> to vector<1x128xf32>
    %broadcast_in_dim3A_259 = vector.broadcast %broadcast_in_dim3A_258 : vector<1x128xf32> to vector<1024x128xf32>
    %lt3A_260 = arith.cmpf olt, %slice3A_256, %min3A_255 : vector<1024x128xf32>
    %select_n3A_261 = arith.select %lt3A_260, %broadcast_in_dim3A_259, %select_n3A_254 : vector<1024x128xi1>, vector<1024x128xf32>
    %min3A_262 = arith.minimumf %slice3A_256, %min3A_255 : vector<1024x128xf32>
    %slice3A_263 = vector.extract_strided_slice %add3A_29 {offsets = [0, 4352], sizes = [1024, 128], strides = [1, 1]} : vector<1024x5120xf32> to vector<1024x128xf32>
    %slice3A_264 = vector.extract_strided_slice %get3A_32 {offsets = [0, 4352], sizes = [1, 128], strides = [1, 1]} : vector<1x5120xf32> to vector<1x128xf32>
    %broadcast_in_dim3A_265 = vector.shape_cast %slice3A_264 : vector<1x128xf32> to vector<1x128xf32>
    %broadcast_in_dim3A_266 = vector.broadcast %broadcast_in_dim3A_265 : vector<1x128xf32> to vector<1024x128xf32>
    %lt3A_267 = arith.cmpf olt, %slice3A_263, %min3A_262 : vector<1024x128xf32>
    %select_n3A_268 = arith.select %lt3A_267, %broadcast_in_dim3A_266, %select_n3A_261 : vector<1024x128xi1>, vector<1024x128xf32>
    %min3A_269 = arith.minimumf %slice3A_263, %min3A_262 : vector<1024x128xf32>
    %slice3A_270 = vector.extract_strided_slice %add3A_29 {offsets = [0, 4480], sizes = [1024, 128], strides = [1, 1]} : vector<1024x5120xf32> to vector<1024x128xf32>
    %slice3A_271 = vector.extract_strided_slice %get3A_32 {offsets = [0, 4480], sizes = [1, 128], strides = [1, 1]} : vector<1x5120xf32> to vector<1x128xf32>
    %broadcast_in_dim3A_272 = vector.shape_cast %slice3A_271 : vector<1x128xf32> to vector<1x128xf32>
    %broadcast_in_dim3A_273 = vector.broadcast %broadcast_in_dim3A_272 : vector<1x128xf32> to vector<1024x128xf32>
    %lt3A_274 = arith.cmpf olt, %slice3A_270, %min3A_269 : vector<1024x128xf32>
    %select_n3A_275 = arith.select %lt3A_274, %broadcast_in_dim3A_273, %select_n3A_268 : vector<1024x128xi1>, vector<1024x128xf32>
    %min3A_276 = arith.minimumf %slice3A_270, %min3A_269 : vector<1024x128xf32>
    %slice3A_277 = vector.extract_strided_slice %add3A_29 {offsets = [0, 4608], sizes = [1024, 128], strides = [1, 1]} : vector<1024x5120xf32> to vector<1024x128xf32>
    %slice3A_278 = vector.extract_strided_slice %get3A_32 {offsets = [0, 4608], sizes = [1, 128], strides = [1, 1]} : vector<1x5120xf32> to vector<1x128xf32>
    %broadcast_in_dim3A_279 = vector.shape_cast %slice3A_278 : vector<1x128xf32> to vector<1x128xf32>
    %broadcast_in_dim3A_280 = vector.broadcast %broadcast_in_dim3A_279 : vector<1x128xf32> to vector<1024x128xf32>
    %lt3A_281 = arith.cmpf olt, %slice3A_277, %min3A_276 : vector<1024x128xf32>
    %select_n3A_282 = arith.select %lt3A_281, %broadcast_in_dim3A_280, %select_n3A_275 : vector<1024x128xi1>, vector<1024x128xf32>
    %min3A_283 = arith.minimumf %slice3A_277, %min3A_276 : vector<1024x128xf32>
    %slice3A_284 = vector.extract_strided_slice %add3A_29 {offsets = [0, 4736], sizes = [1024, 128], strides = [1, 1]} : vector<1024x5120xf32> to vector<1024x128xf32>
    %slice3A_285 = vector.extract_strided_slice %get3A_32 {offsets = [0, 4736], sizes = [1, 128], strides = [1, 1]} : vector<1x5120xf32> to vector<1x128xf32>
    %broadcast_in_dim3A_286 = vector.shape_cast %slice3A_285 : vector<1x128xf32> to vector<1x128xf32>
    %broadcast_in_dim3A_287 = vector.broadcast %broadcast_in_dim3A_286 : vector<1x128xf32> to vector<1024x128xf32>
    %lt3A_288 = arith.cmpf olt, %slice3A_284, %min3A_283 : vector<1024x128xf32>
    %select_n3A_289 = arith.select %lt3A_288, %broadcast_in_dim3A_287, %select_n3A_282 : vector<1024x128xi1>, vector<1024x128xf32>
    %min3A_290 = arith.minimumf %slice3A_284, %min3A_283 : vector<1024x128xf32>
    %slice3A_291 = vector.extract_strided_slice %add3A_29 {offsets = [0, 4864], sizes = [1024, 128], strides = [1, 1]} : vector<1024x5120xf32> to vector<1024x128xf32>
    %slice3A_292 = vector.extract_strided_slice %get3A_32 {offsets = [0, 4864], sizes = [1, 128], strides = [1, 1]} : vector<1x5120xf32> to vector<1x128xf32>
    %broadcast_in_dim3A_293 = vector.shape_cast %slice3A_292 : vector<1x128xf32> to vector<1x128xf32>
    %broadcast_in_dim3A_294 = vector.broadcast %broadcast_in_dim3A_293 : vector<1x128xf32> to vector<1024x128xf32>
    %lt3A_295 = arith.cmpf olt, %slice3A_291, %min3A_290 : vector<1024x128xf32>
    %select_n3A_296 = arith.select %lt3A_295, %broadcast_in_dim3A_294, %select_n3A_289 : vector<1024x128xi1>, vector<1024x128xf32>
    %min3A_297 = arith.minimumf %slice3A_291, %min3A_290 : vector<1024x128xf32>
    %slice3A_298 = vector.extract_strided_slice %add3A_29 {offsets = [0, 4992], sizes = [1024, 128], strides = [1, 1]} : vector<1024x5120xf32> to vector<1024x128xf32>
    %slice3A_299 = vector.extract_strided_slice %get3A_32 {offsets = [0, 4992], sizes = [1, 128], strides = [1, 1]} : vector<1x5120xf32> to vector<1x128xf32>
    %broadcast_in_dim3A_300 = vector.shape_cast %slice3A_299 : vector<1x128xf32> to vector<1x128xf32>
    %broadcast_in_dim3A_301 = vector.broadcast %broadcast_in_dim3A_300 : vector<1x128xf32> to vector<1024x128xf32>
    %lt3A_302 = arith.cmpf olt, %slice3A_298, %min3A_297 : vector<1024x128xf32>
    %select_n3A_303 = arith.select %lt3A_302, %broadcast_in_dim3A_301, %select_n3A_296 : vector<1024x128xi1>, vector<1024x128xf32>
    %min3A_304 = arith.minimumf %slice3A_298, %min3A_297 : vector<1024x128xf32>
    %reduce_min3A = arith.constant dense<0x7F800000> : vector<1024xf32>
    %reduce_min3A_305 = vector.multi_reduction <minimumf>, %min3A_304, %reduce_min3A [1] : vector<1024x128xf32> to vector<1024xf32>
    %broadcast_in_dim3A_306 = vector.shape_cast %reduce_min3A_305 : vector<1024xf32> to vector<1024x1xf32>
    %eq3A = vector.broadcast %broadcast_in_dim3A_306 : vector<1024x1xf32> to vector<1024x128xf32>
    %eq3A_307 = arith.cmpf oeq, %min3A_304, %eq3A : vector<1024x128xf32>
    %jit3A = arith.constant 6.553600e+04 : f32
    %broadcast_in_dim3A_308 = vector.broadcast %jit3A : f32 to vector<1024x128xf32>
    %select_n3A_309 = arith.select %eq3A_307, %select_n3A_303, %broadcast_in_dim3A_308 : vector<1024x128xi1>, vector<1024x128xf32>
    %reduce_min3A_310 = arith.constant dense<0x7F800000> : vector<1024xf32>
    %reduce_min3A_311 = vector.multi_reduction <minimumf>, %select_n3A_309, %reduce_min3A_310 [1] : vector<1024x128xf32> to vector<1024xf32>
    %convert_element_type3A = arith.fptosi %reduce_min3A_311 : vector<1024xf32> to vector<1024xi32>
    %swap3A = arith.constant 0 : index
    %swap3A_312 = vector.load %arg9[%swap3A] : memref<1024xi32, #tpu.memory_space<vmem>>, vector<1024xi32>
    tpu.vector_store %arg9[%swap3A], %convert_element_type3A {strides = array<i32>} : memref<1024xi32, #tpu.memory_space<vmem>>, vector<1024xi32>,
    return
  }
  func.func @transform_0(%arg0: i32) -> (i32, i32) {
    %add3A = arith.constant 12 : i32
    %add3A_0 = arith.addi %arg0, %add3A : i32
    %c0_i32 = arith.constant 0 : i32
    %c0_i32_1 = arith.constant 0 : i32
    return %c0_i32, %add3A_0 : i32, i32
  }
  func.func @transform_1(%arg0: i32) -> (i32, i32) {
    %c0_i32 = arith.constant 0 : i32
    %c0_i32_0 = arith.constant 0 : i32
    %c0_i32_1 = arith.constant 0 : i32
    return %c0_i32, %c0_i32_0 : i32, i32
  }
  func.func @transform_2(%arg0: i32) -> (i32, i32) {
    %c0_i32 = arith.constant 0 : i32
    %c0_i32_0 = arith.constant 0 : i32
    %c0_i32_1 = arith.constant 0 : i32
    return %c0_i32, %c0_i32_0 : i32, i32
  }
  func.func @transform_3(%arg0: i32) -> (i32, i32) {
    %c0_i32 = arith.constant 0 : i32
    %c0_i32_0 = arith.constant 0 : i32
    %c0_i32_1 = arith.constant 0 : i32
    return %c0_i32, %c0_i32_0 : i32, i32
  }
  func.func @transform_4(%arg0: i32) -> (i32, i32) {
    %c0_i32 = arith.constant 0 : i32
    %c0_i32_0 = arith.constant 0 : i32
    %c0_i32_1 = arith.constant 0 : i32
    return %c0_i32, %c0_i32_0 : i32, i32
  }
  func.func @transform_5(%arg0: i32) -> (i32, i32) {
    %c0_i32 = arith.constant 0 : i32
    %c0_i32_0 = arith.constant 0 : i32
    %c0_i32_1 = arith.constant 0 : i32
    return %c0_i32, %c0_i32_0 : i32, i32
  }
  func.func @transform_6(%arg0: i32) -> (i32, i32) {
    %c0_i32 = arith.constant 0 : i32
    %c0_i32_0 = arith.constant 0 : i32
    %c0_i32_1 = arith.constant 0 : i32
    return %c0_i32, %c0_i32_0 : i32, i32
  }
  func.func @transform_7(%arg0: i32) -> (i32, i32) {
    %c0_i32 = arith.constant 0 : i32
    %c0_i32_0 = arith.constant 0 : i32
    %c0_i32_1 = arith.constant 0 : i32
    return %c0_i32, %c0_i32_0 : i32, i32
  }
  func.func @transform_8(%arg0: i32) -> i32 {
    %c0_i32 = arith.constant 0 : i32
    return %arg0 : i32
  }
}

module attributes {stable_mosaic.version = 14 : i64} {
  func.func @body(%arg0: i32, %arg1: memref<64x1024xf32, #tpu.memory_space<vmem>>, %arg2: memref<32x64xf32, #tpu.memory_space<vmem>>, %arg3: memref<1x32xf32, #tpu.memory_space<vmem>>, %arg4: memref<8x32xf32, #tpu.memory_space<vmem>>, %arg5: memref<1x8xf32, #tpu.memory_space<vmem>>, %arg6: memref<8x5120xf32, #tpu.memory_space<vmem>>, %arg7: memref<1x5120xf32, #tpu.memory_space<vmem>>, %arg8: memref<1x5120xf32, #tpu.memory_space<vmem>>, %arg9: memref<1024xi32, #tpu.memory_space<vmem>>) attributes {dimension_semantics = [#tpu.dimension_semantics<arbitrary>], iteration_bounds = array<i64: 4>, scalar_prefetch = 0 : i64, scratch_operands = 0 : i64, tpu.core_type = #tpu.core_type<tc>, window_params = [{transform_indices = @transform_0, window_bounds = array<i64: 64, 1024>}, {pipeline_mode = #tpu.pipeline_mode<synchronous>, transform_indices = @transform_1, window_bounds = array<i64: 32, 64>}, {pipeline_mode = #tpu.pipeline_mode<synchronous>, transform_indices = @transform_2, window_bounds = array<i64: 1, 32>}, {pipeline_mode = #tpu.pipeline_mode<synchronous>, transform_indices = @transform_3, window_bounds = array<i64: 8, 32>}, {pipeline_mode = #tpu.pipeline_mode<synchronous>, transform_indices = @transform_4, window_bounds = array<i64: 1, 8>}, {pipeline_mode = #tpu.pipeline_mode<synchronous>, transform_indices = @transform_5, window_bounds = array<i64: 8, 5120>}, {pipeline_mode = #tpu.pipeline_mode<synchronous>, transform_indices = @transform_6, window_bounds = array<i64: 1, 5120>}, {pipeline_mode = #tpu.pipeline_mode<synchronous>, transform_indices = @transform_7, window_bounds = array<i64: 1, 5120>}, {transform_indices = @transform_8, window_bounds = array<i64: 1024>}]} {
    %get3A = arith.constant 0 : index
    %get3A_0 = arith.constant 0 : index
    %get3A_1 = vector.load %arg1[%get3A, %get3A_0] : memref<64x1024xf32, #tpu.memory_space<vmem>>, vector<64x1024xf32>
    %get3A_2 = arith.constant 0 : index
    %get3A_3 = arith.constant 0 : index
    %get3A_4 = vector.load %arg2[%get3A_2, %get3A_3] : memref<32x64xf32, #tpu.memory_space<vmem>>, vector<32x64xf32>
    %dot_general3A = arith.constant dense<0.000000e+00> : vector<1024x32xf32>
    %dot_general3A_5 = tpu.matmul %get3A_1, %get3A_4, %dot_general3A {dimension_numbers = #tpu.dot_dimension_numbers<[0], [1], [1], [0], [0, 1, 1, 0], [], []>, transpose_lhs_hint = false} : vector<64x1024xf32>, vector<32x64xf32>, vector<1024x32xf32> -> vector<1024x32xf32>
    %get3A_6 = arith.constant 0 : index
    %get3A_7 = arith.constant 0 : index
    %get3A_8 = vector.load %arg3[%get3A_6, %get3A_7] : memref<1x32xf32, #tpu.memory_space<vmem>>, vector<1x32xf32>
    %add3A = vector.broadcast %get3A_8 : vector<1x32xf32> to vector<1024x32xf32>
    %add3A_9 = arith.addf %dot_general3A_5, %add3A : vector<1024x32xf32>
    %get3A_10 = arith.constant 0 : index
    %get3A_11 = arith.constant 0 : index
    %get3A_12 = vector.load %arg4[%get3A_10, %get3A_11] : memref<8x32xf32, #tpu.memory_space<vmem>>, vector<8x32xf32>
    %dot_general3A_13 = arith.constant dense<0.000000e+00> : vector<1024x8xf32>
    %dot_general3A_14 = tpu.matmul %add3A_9, %get3A_12, %dot_general3A_13 {dimension_numbers = #tpu.dot_dimension_numbers<[1], [1], [0], [0], [0, 0, 1, 0], [], []>, transpose_lhs_hint = false} : vector<1024x32xf32>, vector<8x32xf32>, vector<1024x8xf32> -> vector<1024x8xf32>
    %get3A_15 = arith.constant 0 : index
    %get3A_16 = arith.constant 0 : index
    %get3A_17 = vector.load %arg5[%get3A_15, %get3A_16] : memref<1x8xf32, #tpu.memory_space<vmem>>, vector<1x8xf32>
    %add3A_18 = vector.broadcast %get3A_17 : vector<1x8xf32> to vector<1024x8xf32>
    %add3A_19 = arith.addf %dot_general3A_14, %add3A_18 : vector<1024x8xf32>
    %get3A_20 = arith.constant 0 : index
    %get3A_21 = arith.constant 0 : index
    %get3A_22 = vector.load %arg6[%get3A_20, %get3A_21] : memref<8x5120xf32, #tpu.memory_space<vmem>>, vector<8x5120xf32>
    %dot_general3A_23 = arith.constant dense<0.000000e+00> : vector<1024x5120xf32>
    %dot_general3A_24 = tpu.matmul %add3A_19, %get3A_22, %dot_general3A_23 {dimension_numbers = #tpu.dot_dimension_numbers<[1], [0], [0], [1], [0, 0, 1, 1], [], []>, transpose_lhs_hint = false} : vector<1024x8xf32>, vector<8x5120xf32>, vector<1024x5120xf32> -> vector<1024x5120xf32>
    %get3A_25 = arith.constant 0 : index
    %get3A_26 = arith.constant 0 : index
    %get3A_27 = vector.load %arg7[%get3A_25, %get3A_26] : memref<1x5120xf32, #tpu.memory_space<vmem>>, vector<1x5120xf32>
    %add3A_28 = vector.broadcast %get3A_27 : vector<1x5120xf32> to vector<1024x5120xf32>
    %add3A_29 = arith.addf %dot_general3A_24, %add3A_28 : vector<1024x5120xf32>
    %get3A_30 = arith.constant 0 : index
    %get3A_31 = arith.constant 0 : index
    %get3A_32 = vector.load %arg8[%get3A_30, %get3A_31] : memref<1x5120xf32, #tpu.memory_space<vmem>>, vector<1x5120xf32>
    %slice3A = vector.extract_strided_slice %add3A_29 {offsets = [0, 0], sizes = [1024, 128], strides = [1, 1]} : vector<1024x5120xf32> to vector<1024x128xf32>
    %slice3A_33 = vector.extract_strided_slice %get3A_32 {offsets = [0, 0], sizes = [1, 128], strides = [1, 1]} : vector<1x5120xf32> to vector<1x128xf32>
    %broadcast_in_dim3A = vector.shape_cast %slice3A_33 : vector<1x128xf32> to vector<1x128xf32>
    %broadcast_in_dim3A_34 = vector.broadcast %broadcast_in_dim3A : vector<1x128xf32> to vector<1024x128xf32>
    %slice3A_35 = vector.extract_strided_slice %add3A_29 {offsets = [0, 128], sizes = [1024, 128], strides = [1, 1]} : vector<1024x5120xf32> to vector<1024x128xf32>
    %slice3A_36 = vector.extract_strided_slice %get3A_32 {offsets = [0, 128], sizes = [1, 128], strides = [1, 1]} : vector<1x5120xf32> to vector<1x128xf32>
    %broadcast_in_dim3A_37 = vector.shape_cast %slice3A_36 : vector<1x128xf32> to vector<1x128xf32>
    %broadcast_in_dim3A_38 = vector.broadcast %broadcast_in_dim3A_37 : vector<1x128xf32> to vector<1024x128xf32>
    %lt3A = arith.cmpf olt, %slice3A_35, %slice3A : vector<1024x128xf32>
    %select_n3A = arith.select %lt3A, %broadcast_in_dim3A_38, %broadcast_in_dim3A_34 : vector<1024x128xi1>, vector<1024x128xf32>
    %min3A = arith.minimumf %slice3A_35, %slice3A : vector<1024x128xf32>
    %slice3A_39 = vector.extract_strided_slice %add3A_29 {offsets = [0, 256], sizes = [1024, 128], strides = [1, 1]} : vector<1024x5120xf32> to vector<1024x128xf32>
    %slice3A_40 = vector.extract_strided_slice %get3A_32 {offsets = [0, 256], sizes = [1, 128], strides = [1, 1]} : vector<1x5120xf32> to vector<1x128xf32>
    %broadcast_in_dim3A_41 = vector.shape_cast %slice3A_40 : vector<1x128xf32> to vector<1x128xf32>
    %broadcast_in_dim3A_42 = vector.broadcast %broadcast_in_dim3A_41 : vector<1x128xf32> to vector<1024x128xf32>
    %lt3A_43 = arith.cmpf olt, %slice3A_39, %min3A : vector<1024x128xf32>
    %select_n3A_44 = arith.select %lt3A_43, %broadcast_in_dim3A_42, %select_n3A : vector<1024x128xi1>, vector<1024x128xf32>
    %min3A_45 = arith.minimumf %slice3A_39, %min3A : vector<1024x128xf32>
    %slice3A_46 = vector.extract_strided_slice %add3A_29 {offsets = [0, 384], sizes = [1024, 128], strides = [1, 1]} : vector<1024x5120xf32> to vector<1024x128xf32>
    %slice3A_47 = vector.extract_strided_slice %get3A_32 {offsets = [0, 384], sizes = [1, 128], strides = [1, 1]} : vector<1x5120xf32> to vector<1x128xf32>
    %broadcast_in_dim3A_48 = vector.shape_cast %slice3A_47 : vector<1x128xf32> to vector<1x128xf32>
    %broadcast_in_dim3A_49 = vector.broadcast %broadcast_in_dim3A_48 : vector<1x128xf32> to vector<1024x128xf32>
    %lt3A_50 = arith.cmpf olt, %slice3A_46, %min3A_45 : vector<1024x128xf32>
    %select_n3A_51 = arith.select %lt3A_50, %broadcast_in_dim3A_49, %select_n3A_44 : vector<1024x128xi1>, vector<1024x128xf32>
    %min3A_52 = arith.minimumf %slice3A_46, %min3A_45 : vector<1024x128xf32>
    %slice3A_53 = vector.extract_strided_slice %add3A_29 {offsets = [0, 512], sizes = [1024, 128], strides = [1, 1]} : vector<1024x5120xf32> to vector<1024x128xf32>
    %slice3A_54 = vector.extract_strided_slice %get3A_32 {offsets = [0, 512], sizes = [1, 128], strides = [1, 1]} : vector<1x5120xf32> to vector<1x128xf32>
    %broadcast_in_dim3A_55 = vector.shape_cast %slice3A_54 : vector<1x128xf32> to vector<1x128xf32>
    %broadcast_in_dim3A_56 = vector.broadcast %broadcast_in_dim3A_55 : vector<1x128xf32> to vector<1024x128xf32>
    %lt3A_57 = arith.cmpf olt, %slice3A_53, %min3A_52 : vector<1024x128xf32>
    %select_n3A_58 = arith.select %lt3A_57, %broadcast_in_dim3A_56, %select_n3A_51 : vector<1024x128xi1>, vector<1024x128xf32>
    %min3A_59 = arith.minimumf %slice3A_53, %min3A_52 : vector<1024x128xf32>
    %slice3A_60 = vector.extract_strided_slice %add3A_29 {offsets = [0, 640], sizes = [1024, 128], strides = [1, 1]} : vector<1024x5120xf32> to vector<1024x128xf32>
    %slice3A_61 = vector.extract_strided_slice %get3A_32 {offsets = [0, 640], sizes = [1, 128], strides = [1, 1]} : vector<1x5120xf32> to vector<1x128xf32>
    %broadcast_in_dim3A_62 = vector.shape_cast %slice3A_61 : vector<1x128xf32> to vector<1x128xf32>
    %broadcast_in_dim3A_63 = vector.broadcast %broadcast_in_dim3A_62 : vector<1x128xf32> to vector<1024x128xf32>
    %lt3A_64 = arith.cmpf olt, %slice3A_60, %min3A_59 : vector<1024x128xf32>
    %select_n3A_65 = arith.select %lt3A_64, %broadcast_in_dim3A_63, %select_n3A_58 : vector<1024x128xi1>, vector<1024x128xf32>
    %min3A_66 = arith.minimumf %slice3A_60, %min3A_59 : vector<1024x128xf32>
    %slice3A_67 = vector.extract_strided_slice %add3A_29 {offsets = [0, 768], sizes = [1024, 128], strides = [1, 1]} : vector<1024x5120xf32> to vector<1024x128xf32>
    %slice3A_68 = vector.extract_strided_slice %get3A_32 {offsets = [0, 768], sizes = [1, 128], strides = [1, 1]} : vector<1x5120xf32> to vector<1x128xf32>
    %broadcast_in_dim3A_69 = vector.shape_cast %slice3A_68 : vector<1x128xf32> to vector<1x128xf32>
    %broadcast_in_dim3A_70 = vector.broadcast %broadcast_in_dim3A_69 : vector<1x128xf32> to vector<1024x128xf32>
    %lt3A_71 = arith.cmpf olt, %slice3A_67, %min3A_66 : vector<1024x128xf32>
    %select_n3A_72 = arith.select %lt3A_71, %broadcast_in_dim3A_70, %select_n3A_65 : vector<1024x128xi1>, vector<1024x128xf32>
    %min3A_73 = arith.minimumf %slice3A_67, %min3A_66 : vector<1024x128xf32>
    %slice3A_74 = vector.extract_strided_slice %add3A_29 {offsets = [0, 896], sizes = [1024, 128], strides = [1, 1]} : vector<1024x5120xf32> to vector<1024x128xf32>
    %slice3A_75 = vector.extract_strided_slice %get3A_32 {offsets = [0, 896], sizes = [1, 128], strides = [1, 1]} : vector<1x5120xf32> to vector<1x128xf32>
    %broadcast_in_dim3A_76 = vector.shape_cast %slice3A_75 : vector<1x128xf32> to vector<1x128xf32>
    %broadcast_in_dim3A_77 = vector.broadcast %broadcast_in_dim3A_76 : vector<1x128xf32> to vector<1024x128xf32>
    %lt3A_78 = arith.cmpf olt, %slice3A_74, %min3A_73 : vector<1024x128xf32>
    %select_n3A_79 = arith.select %lt3A_78, %broadcast_in_dim3A_77, %select_n3A_72 : vector<1024x128xi1>, vector<1024x128xf32>
    %min3A_80 = arith.minimumf %slice3A_74, %min3A_73 : vector<1024x128xf32>
    %slice3A_81 = vector.extract_strided_slice %add3A_29 {offsets = [0, 1024], sizes = [1024, 128], strides = [1, 1]} : vector<1024x5120xf32> to vector<1024x128xf32>
    %slice3A_82 = vector.extract_strided_slice %get3A_32 {offsets = [0, 1024], sizes = [1, 128], strides = [1, 1]} : vector<1x5120xf32> to vector<1x128xf32>
    %broadcast_in_dim3A_83 = vector.shape_cast %slice3A_82 : vector<1x128xf32> to vector<1x128xf32>
    %broadcast_in_dim3A_84 = vector.broadcast %broadcast_in_dim3A_83 : vector<1x128xf32> to vector<1024x128xf32>
    %lt3A_85 = arith.cmpf olt, %slice3A_81, %min3A_80 : vector<1024x128xf32>
    %select_n3A_86 = arith.select %lt3A_85, %broadcast_in_dim3A_84, %select_n3A_79 : vector<1024x128xi1>, vector<1024x128xf32>
    %min3A_87 = arith.minimumf %slice3A_81, %min3A_80 : vector<1024x128xf32>
    %slice3A_88 = vector.extract_strided_slice %add3A_29 {offsets = [0, 1152], sizes = [1024, 128], strides = [1, 1]} : vector<1024x5120xf32> to vector<1024x128xf32>
    %slice3A_89 = vector.extract_strided_slice %get3A_32 {offsets = [0, 1152], sizes = [1, 128], strides = [1, 1]} : vector<1x5120xf32> to vector<1x128xf32>
    %broadcast_in_dim3A_90 = vector.shape_cast %slice3A_89 : vector<1x128xf32> to vector<1x128xf32>
    %broadcast_in_dim3A_91 = vector.broadcast %broadcast_in_dim3A_90 : vector<1x128xf32> to vector<1024x128xf32>
    %lt3A_92 = arith.cmpf olt, %slice3A_88, %min3A_87 : vector<1024x128xf32>
    %select_n3A_93 = arith.select %lt3A_92, %broadcast_in_dim3A_91, %select_n3A_86 : vector<1024x128xi1>, vector<1024x128xf32>
    %min3A_94 = arith.minimumf %slice3A_88, %min3A_87 : vector<1024x128xf32>
    %slice3A_95 = vector.extract_strided_slice %add3A_29 {offsets = [0, 1280], sizes = [1024, 128], strides = [1, 1]} : vector<1024x5120xf32> to vector<1024x128xf32>
    %slice3A_96 = vector.extract_strided_slice %get3A_32 {offsets = [0, 1280], sizes = [1, 128], strides = [1, 1]} : vector<1x5120xf32> to vector<1x128xf32>
    %broadcast_in_dim3A_97 = vector.shape_cast %slice3A_96 : vector<1x128xf32> to vector<1x128xf32>
    %broadcast_in_dim3A_98 = vector.broadcast %broadcast_in_dim3A_97 : vector<1x128xf32> to vector<1024x128xf32>
    %lt3A_99 = arith.cmpf olt, %slice3A_95, %min3A_94 : vector<1024x128xf32>
    %select_n3A_100 = arith.select %lt3A_99, %broadcast_in_dim3A_98, %select_n3A_93 : vector<1024x128xi1>, vector<1024x128xf32>
    %min3A_101 = arith.minimumf %slice3A_95, %min3A_94 : vector<1024x128xf32>
    %slice3A_102 = vector.extract_strided_slice %add3A_29 {offsets = [0, 1408], sizes = [1024, 128], strides = [1, 1]} : vector<1024x5120xf32> to vector<1024x128xf32>
    %slice3A_103 = vector.extract_strided_slice %get3A_32 {offsets = [0, 1408], sizes = [1, 128], strides = [1, 1]} : vector<1x5120xf32> to vector<1x128xf32>
    %broadcast_in_dim3A_104 = vector.shape_cast %slice3A_103 : vector<1x128xf32> to vector<1x128xf32>
    %broadcast_in_dim3A_105 = vector.broadcast %broadcast_in_dim3A_104 : vector<1x128xf32> to vector<1024x128xf32>
    %lt3A_106 = arith.cmpf olt, %slice3A_102, %min3A_101 : vector<1024x128xf32>
    %select_n3A_107 = arith.select %lt3A_106, %broadcast_in_dim3A_105, %select_n3A_100 : vector<1024x128xi1>, vector<1024x128xf32>
    %min3A_108 = arith.minimumf %slice3A_102, %min3A_101 : vector<1024x128xf32>
    %slice3A_109 = vector.extract_strided_slice %add3A_29 {offsets = [0, 1536], sizes = [1024, 128], strides = [1, 1]} : vector<1024x5120xf32> to vector<1024x128xf32>
    %slice3A_110 = vector.extract_strided_slice %get3A_32 {offsets = [0, 1536], sizes = [1, 128], strides = [1, 1]} : vector<1x5120xf32> to vector<1x128xf32>
    %broadcast_in_dim3A_111 = vector.shape_cast %slice3A_110 : vector<1x128xf32> to vector<1x128xf32>
    %broadcast_in_dim3A_112 = vector.broadcast %broadcast_in_dim3A_111 : vector<1x128xf32> to vector<1024x128xf32>
    %lt3A_113 = arith.cmpf olt, %slice3A_109, %min3A_108 : vector<1024x128xf32>
    %select_n3A_114 = arith.select %lt3A_113, %broadcast_in_dim3A_112, %select_n3A_107 : vector<1024x128xi1>, vector<1024x128xf32>
    %min3A_115 = arith.minimumf %slice3A_109, %min3A_108 : vector<1024x128xf32>
    %slice3A_116 = vector.extract_strided_slice %add3A_29 {offsets = [0, 1664], sizes = [1024, 128], strides = [1, 1]} : vector<1024x5120xf32> to vector<1024x128xf32>
    %slice3A_117 = vector.extract_strided_slice %get3A_32 {offsets = [0, 1664], sizes = [1, 128], strides = [1, 1]} : vector<1x5120xf32> to vector<1x128xf32>
    %broadcast_in_dim3A_118 = vector.shape_cast %slice3A_117 : vector<1x128xf32> to vector<1x128xf32>
    %broadcast_in_dim3A_119 = vector.broadcast %broadcast_in_dim3A_118 : vector<1x128xf32> to vector<1024x128xf32>
    %lt3A_120 = arith.cmpf olt, %slice3A_116, %min3A_115 : vector<1024x128xf32>
    %select_n3A_121 = arith.select %lt3A_120, %broadcast_in_dim3A_119, %select_n3A_114 : vector<1024x128xi1>, vector<1024x128xf32>
    %min3A_122 = arith.minimumf %slice3A_116, %min3A_115 : vector<1024x128xf32>
    %slice3A_123 = vector.extract_strided_slice %add3A_29 {offsets = [0, 1792], sizes = [1024, 128], strides = [1, 1]} : vector<1024x5120xf32> to vector<1024x128xf32>
    %slice3A_124 = vector.extract_strided_slice %get3A_32 {offsets = [0, 1792], sizes = [1, 128], strides = [1, 1]} : vector<1x5120xf32> to vector<1x128xf32>
    %broadcast_in_dim3A_125 = vector.shape_cast %slice3A_124 : vector<1x128xf32> to vector<1x128xf32>
    %broadcast_in_dim3A_126 = vector.broadcast %broadcast_in_dim3A_125 : vector<1x128xf32> to vector<1024x128xf32>
    %lt3A_127 = arith.cmpf olt, %slice3A_123, %min3A_122 : vector<1024x128xf32>
    %select_n3A_128 = arith.select %lt3A_127, %broadcast_in_dim3A_126, %select_n3A_121 : vector<1024x128xi1>, vector<1024x128xf32>
    %min3A_129 = arith.minimumf %slice3A_123, %min3A_122 : vector<1024x128xf32>
    %slice3A_130 = vector.extract_strided_slice %add3A_29 {offsets = [0, 1920], sizes = [1024, 128], strides = [1, 1]} : vector<1024x5120xf32> to vector<1024x128xf32>
    %slice3A_131 = vector.extract_strided_slice %get3A_32 {offsets = [0, 1920], sizes = [1, 128], strides = [1, 1]} : vector<1x5120xf32> to vector<1x128xf32>
    %broadcast_in_dim3A_132 = vector.shape_cast %slice3A_131 : vector<1x128xf32> to vector<1x128xf32>
    %broadcast_in_dim3A_133 = vector.broadcast %broadcast_in_dim3A_132 : vector<1x128xf32> to vector<1024x128xf32>
    %lt3A_134 = arith.cmpf olt, %slice3A_130, %min3A_129 : vector<1024x128xf32>
    %select_n3A_135 = arith.select %lt3A_134, %broadcast_in_dim3A_133, %select_n3A_128 : vector<1024x128xi1>, vector<1024x128xf32>
    %min3A_136 = arith.minimumf %slice3A_130, %min3A_129 : vector<1024x128xf32>
    %slice3A_137 = vector.extract_strided_slice %add3A_29 {offsets = [0, 2048], sizes = [1024, 128], strides = [1, 1]} : vector<1024x5120xf32> to vector<1024x128xf32>
    %slice3A_138 = vector.extract_strided_slice %get3A_32 {offsets = [0, 2048], sizes = [1, 128], strides = [1, 1]} : vector<1x5120xf32> to vector<1x128xf32>
    %broadcast_in_dim3A_139 = vector.shape_cast %slice3A_138 : vector<1x128xf32> to vector<1x128xf32>
    %broadcast_in_dim3A_140 = vector.broadcast %broadcast_in_dim3A_139 : vector<1x128xf32> to vector<1024x128xf32>
    %lt3A_141 = arith.cmpf olt, %slice3A_137, %min3A_136 : vector<1024x128xf32>
    %select_n3A_142 = arith.select %lt3A_141, %broadcast_in_dim3A_140, %select_n3A_135 : vector<1024x128xi1>, vector<1024x128xf32>
    %min3A_143 = arith.minimumf %slice3A_137, %min3A_136 : vector<1024x128xf32>
    %slice3A_144 = vector.extract_strided_slice %add3A_29 {offsets = [0, 2176], sizes = [1024, 128], strides = [1, 1]} : vector<1024x5120xf32> to vector<1024x128xf32>
    %slice3A_145 = vector.extract_strided_slice %get3A_32 {offsets = [0, 2176], sizes = [1, 128], strides = [1, 1]} : vector<1x5120xf32> to vector<1x128xf32>
    %broadcast_in_dim3A_146 = vector.shape_cast %slice3A_145 : vector<1x128xf32> to vector<1x128xf32>
    %broadcast_in_dim3A_147 = vector.broadcast %broadcast_in_dim3A_146 : vector<1x128xf32> to vector<1024x128xf32>
    %lt3A_148 = arith.cmpf olt, %slice3A_144, %min3A_143 : vector<1024x128xf32>
    %select_n3A_149 = arith.select %lt3A_148, %broadcast_in_dim3A_147, %select_n3A_142 : vector<1024x128xi1>, vector<1024x128xf32>
    %min3A_150 = arith.minimumf %slice3A_144, %min3A_143 : vector<1024x128xf32>
    %slice3A_151 = vector.extract_strided_slice %add3A_29 {offsets = [0, 2304], sizes = [1024, 128], strides = [1, 1]} : vector<1024x5120xf32> to vector<1024x128xf32>
    %slice3A_152 = vector.extract_strided_slice %get3A_32 {offsets = [0, 2304], sizes = [1, 128], strides = [1, 1]} : vector<1x5120xf32> to vector<1x128xf32>
    %broadcast_in_dim3A_153 = vector.shape_cast %slice3A_152 : vector<1x128xf32> to vector<1x128xf32>
    %broadcast_in_dim3A_154 = vector.broadcast %broadcast_in_dim3A_153 : vector<1x128xf32> to vector<1024x128xf32>
    %lt3A_155 = arith.cmpf olt, %slice3A_151, %min3A_150 : vector<1024x128xf32>
    %select_n3A_156 = arith.select %lt3A_155, %broadcast_in_dim3A_154, %select_n3A_149 : vector<1024x128xi1>, vector<1024x128xf32>
    %min3A_157 = arith.minimumf %slice3A_151, %min3A_150 : vector<1024x128xf32>
    %slice3A_158 = vector.extract_strided_slice %add3A_29 {offsets = [0, 2432], sizes = [1024, 128], strides = [1, 1]} : vector<1024x5120xf32> to vector<1024x128xf32>
    %slice3A_159 = vector.extract_strided_slice %get3A_32 {offsets = [0, 2432], sizes = [1, 128], strides = [1, 1]} : vector<1x5120xf32> to vector<1x128xf32>
    %broadcast_in_dim3A_160 = vector.shape_cast %slice3A_159 : vector<1x128xf32> to vector<1x128xf32>
    %broadcast_in_dim3A_161 = vector.broadcast %broadcast_in_dim3A_160 : vector<1x128xf32> to vector<1024x128xf32>
    %lt3A_162 = arith.cmpf olt, %slice3A_158, %min3A_157 : vector<1024x128xf32>
    %select_n3A_163 = arith.select %lt3A_162, %broadcast_in_dim3A_161, %select_n3A_156 : vector<1024x128xi1>, vector<1024x128xf32>
    %min3A_164 = arith.minimumf %slice3A_158, %min3A_157 : vector<1024x128xf32>
    %slice3A_165 = vector.extract_strided_slice %add3A_29 {offsets = [0, 2560], sizes = [1024, 128], strides = [1, 1]} : vector<1024x5120xf32> to vector<1024x128xf32>
    %slice3A_166 = vector.extract_strided_slice %get3A_32 {offsets = [0, 2560], sizes = [1, 128], strides = [1, 1]} : vector<1x5120xf32> to vector<1x128xf32>
    %broadcast_in_dim3A_167 = vector.shape_cast %slice3A_166 : vector<1x128xf32> to vector<1x128xf32>
    %broadcast_in_dim3A_168 = vector.broadcast %broadcast_in_dim3A_167 : vector<1x128xf32> to vector<1024x128xf32>
    %lt3A_169 = arith.cmpf olt, %slice3A_165, %min3A_164 : vector<1024x128xf32>
    %select_n3A_170 = arith.select %lt3A_169, %broadcast_in_dim3A_168, %select_n3A_163 : vector<1024x128xi1>, vector<1024x128xf32>
    %min3A_171 = arith.minimumf %slice3A_165, %min3A_164 : vector<1024x128xf32>
    %slice3A_172 = vector.extract_strided_slice %add3A_29 {offsets = [0, 2688], sizes = [1024, 128], strides = [1, 1]} : vector<1024x5120xf32> to vector<1024x128xf32>
    %slice3A_173 = vector.extract_strided_slice %get3A_32 {offsets = [0, 2688], sizes = [1, 128], strides = [1, 1]} : vector<1x5120xf32> to vector<1x128xf32>
    %broadcast_in_dim3A_174 = vector.shape_cast %slice3A_173 : vector<1x128xf32> to vector<1x128xf32>
    %broadcast_in_dim3A_175 = vector.broadcast %broadcast_in_dim3A_174 : vector<1x128xf32> to vector<1024x128xf32>
    %lt3A_176 = arith.cmpf olt, %slice3A_172, %min3A_171 : vector<1024x128xf32>
    %select_n3A_177 = arith.select %lt3A_176, %broadcast_in_dim3A_175, %select_n3A_170 : vector<1024x128xi1>, vector<1024x128xf32>
    %min3A_178 = arith.minimumf %slice3A_172, %min3A_171 : vector<1024x128xf32>
    %slice3A_179 = vector.extract_strided_slice %add3A_29 {offsets = [0, 2816], sizes = [1024, 128], strides = [1, 1]} : vector<1024x5120xf32> to vector<1024x128xf32>
    %slice3A_180 = vector.extract_strided_slice %get3A_32 {offsets = [0, 2816], sizes = [1, 128], strides = [1, 1]} : vector<1x5120xf32> to vector<1x128xf32>
    %broadcast_in_dim3A_181 = vector.shape_cast %slice3A_180 : vector<1x128xf32> to vector<1x128xf32>
    %broadcast_in_dim3A_182 = vector.broadcast %broadcast_in_dim3A_181 : vector<1x128xf32> to vector<1024x128xf32>
    %lt3A_183 = arith.cmpf olt, %slice3A_179, %min3A_178 : vector<1024x128xf32>
    %select_n3A_184 = arith.select %lt3A_183, %broadcast_in_dim3A_182, %select_n3A_177 : vector<1024x128xi1>, vector<1024x128xf32>
    %min3A_185 = arith.minimumf %slice3A_179, %min3A_178 : vector<1024x128xf32>
    %slice3A_186 = vector.extract_strided_slice %add3A_29 {offsets = [0, 2944], sizes = [1024, 128], strides = [1, 1]} : vector<1024x5120xf32> to vector<1024x128xf32>
    %slice3A_187 = vector.extract_strided_slice %get3A_32 {offsets = [0, 2944], sizes = [1, 128], strides = [1, 1]} : vector<1x5120xf32> to vector<1x128xf32>
    %broadcast_in_dim3A_188 = vector.shape_cast %slice3A_187 : vector<1x128xf32> to vector<1x128xf32>
    %broadcast_in_dim3A_189 = vector.broadcast %broadcast_in_dim3A_188 : vector<1x128xf32> to vector<1024x128xf32>
    %lt3A_190 = arith.cmpf olt, %slice3A_186, %min3A_185 : vector<1024x128xf32>
    %select_n3A_191 = arith.select %lt3A_190, %broadcast_in_dim3A_189, %select_n3A_184 : vector<1024x128xi1>, vector<1024x128xf32>
    %min3A_192 = arith.minimumf %slice3A_186, %min3A_185 : vector<1024x128xf32>
    %slice3A_193 = vector.extract_strided_slice %add3A_29 {offsets = [0, 3072], sizes = [1024, 128], strides = [1, 1]} : vector<1024x5120xf32> to vector<1024x128xf32>
    %slice3A_194 = vector.extract_strided_slice %get3A_32 {offsets = [0, 3072], sizes = [1, 128], strides = [1, 1]} : vector<1x5120xf32> to vector<1x128xf32>
    %broadcast_in_dim3A_195 = vector.shape_cast %slice3A_194 : vector<1x128xf32> to vector<1x128xf32>
    %broadcast_in_dim3A_196 = vector.broadcast %broadcast_in_dim3A_195 : vector<1x128xf32> to vector<1024x128xf32>
    %lt3A_197 = arith.cmpf olt, %slice3A_193, %min3A_192 : vector<1024x128xf32>
    %select_n3A_198 = arith.select %lt3A_197, %broadcast_in_dim3A_196, %select_n3A_191 : vector<1024x128xi1>, vector<1024x128xf32>
    %min3A_199 = arith.minimumf %slice3A_193, %min3A_192 : vector<1024x128xf32>
    %slice3A_200 = vector.extract_strided_slice %add3A_29 {offsets = [0, 3200], sizes = [1024, 128], strides = [1, 1]} : vector<1024x5120xf32> to vector<1024x128xf32>
    %slice3A_201 = vector.extract_strided_slice %get3A_32 {offsets = [0, 3200], sizes = [1, 128], strides = [1, 1]} : vector<1x5120xf32> to vector<1x128xf32>
    %broadcast_in_dim3A_202 = vector.shape_cast %slice3A_201 : vector<1x128xf32> to vector<1x128xf32>
    %broadcast_in_dim3A_203 = vector.broadcast %broadcast_in_dim3A_202 : vector<1x128xf32> to vector<1024x128xf32>
    %lt3A_204 = arith.cmpf olt, %slice3A_200, %min3A_199 : vector<1024x128xf32>
    %select_n3A_205 = arith.select %lt3A_204, %broadcast_in_dim3A_203, %select_n3A_198 : vector<1024x128xi1>, vector<1024x128xf32>
    %min3A_206 = arith.minimumf %slice3A_200, %min3A_199 : vector<1024x128xf32>
    %slice3A_207 = vector.extract_strided_slice %add3A_29 {offsets = [0, 3328], sizes = [1024, 128], strides = [1, 1]} : vector<1024x5120xf32> to vector<1024x128xf32>
    %slice3A_208 = vector.extract_strided_slice %get3A_32 {offsets = [0, 3328], sizes = [1, 128], strides = [1, 1]} : vector<1x5120xf32> to vector<1x128xf32>
    %broadcast_in_dim3A_209 = vector.shape_cast %slice3A_208 : vector<1x128xf32> to vector<1x128xf32>
    %broadcast_in_dim3A_210 = vector.broadcast %broadcast_in_dim3A_209 : vector<1x128xf32> to vector<1024x128xf32>
    %lt3A_211 = arith.cmpf olt, %slice3A_207, %min3A_206 : vector<1024x128xf32>
    %select_n3A_212 = arith.select %lt3A_211, %broadcast_in_dim3A_210, %select_n3A_205 : vector<1024x128xi1>, vector<1024x128xf32>
    %min3A_213 = arith.minimumf %slice3A_207, %min3A_206 : vector<1024x128xf32>
    %slice3A_214 = vector.extract_strided_slice %add3A_29 {offsets = [0, 3456], sizes = [1024, 128], strides = [1, 1]} : vector<1024x5120xf32> to vector<1024x128xf32>
    %slice3A_215 = vector.extract_strided_slice %get3A_32 {offsets = [0, 3456], sizes = [1, 128], strides = [1, 1]} : vector<1x5120xf32> to vector<1x128xf32>
    %broadcast_in_dim3A_216 = vector.shape_cast %slice3A_215 : vector<1x128xf32> to vector<1x128xf32>
    %broadcast_in_dim3A_217 = vector.broadcast %broadcast_in_dim3A_216 : vector<1x128xf32> to vector<1024x128xf32>
    %lt3A_218 = arith.cmpf olt, %slice3A_214, %min3A_213 : vector<1024x128xf32>
    %select_n3A_219 = arith.select %lt3A_218, %broadcast_in_dim3A_217, %select_n3A_212 : vector<1024x128xi1>, vector<1024x128xf32>
    %min3A_220 = arith.minimumf %slice3A_214, %min3A_213 : vector<1024x128xf32>
    %slice3A_221 = vector.extract_strided_slice %add3A_29 {offsets = [0, 3584], sizes = [1024, 128], strides = [1, 1]} : vector<1024x5120xf32> to vector<1024x128xf32>
    %slice3A_222 = vector.extract_strided_slice %get3A_32 {offsets = [0, 3584], sizes = [1, 128], strides = [1, 1]} : vector<1x5120xf32> to vector<1x128xf32>
    %broadcast_in_dim3A_223 = vector.shape_cast %slice3A_222 : vector<1x128xf32> to vector<1x128xf32>
    %broadcast_in_dim3A_224 = vector.broadcast %broadcast_in_dim3A_223 : vector<1x128xf32> to vector<1024x128xf32>
    %lt3A_225 = arith.cmpf olt, %slice3A_221, %min3A_220 : vector<1024x128xf32>
    %select_n3A_226 = arith.select %lt3A_225, %broadcast_in_dim3A_224, %select_n3A_219 : vector<1024x128xi1>, vector<1024x128xf32>
    %min3A_227 = arith.minimumf %slice3A_221, %min3A_220 : vector<1024x128xf32>
    %slice3A_228 = vector.extract_strided_slice %add3A_29 {offsets = [0, 3712], sizes = [1024, 128], strides = [1, 1]} : vector<1024x5120xf32> to vector<1024x128xf32>
    %slice3A_229 = vector.extract_strided_slice %get3A_32 {offsets = [0, 3712], sizes = [1, 128], strides = [1, 1]} : vector<1x5120xf32> to vector<1x128xf32>
    %broadcast_in_dim3A_230 = vector.shape_cast %slice3A_229 : vector<1x128xf32> to vector<1x128xf32>
    %broadcast_in_dim3A_231 = vector.broadcast %broadcast_in_dim3A_230 : vector<1x128xf32> to vector<1024x128xf32>
    %lt3A_232 = arith.cmpf olt, %slice3A_228, %min3A_227 : vector<1024x128xf32>
    %select_n3A_233 = arith.select %lt3A_232, %broadcast_in_dim3A_231, %select_n3A_226 : vector<1024x128xi1>, vector<1024x128xf32>
    %min3A_234 = arith.minimumf %slice3A_228, %min3A_227 : vector<1024x128xf32>
    %slice3A_235 = vector.extract_strided_slice %add3A_29 {offsets = [0, 3840], sizes = [1024, 128], strides = [1, 1]} : vector<1024x5120xf32> to vector<1024x128xf32>
    %slice3A_236 = vector.extract_strided_slice %get3A_32 {offsets = [0, 3840], sizes = [1, 128], strides = [1, 1]} : vector<1x5120xf32> to vector<1x128xf32>
    %broadcast_in_dim3A_237 = vector.shape_cast %slice3A_236 : vector<1x128xf32> to vector<1x128xf32>
    %broadcast_in_dim3A_238 = vector.broadcast %broadcast_in_dim3A_237 : vector<1x128xf32> to vector<1024x128xf32>
    %lt3A_239 = arith.cmpf olt, %slice3A_235, %min3A_234 : vector<1024x128xf32>
    %select_n3A_240 = arith.select %lt3A_239, %broadcast_in_dim3A_238, %select_n3A_233 : vector<1024x128xi1>, vector<1024x128xf32>
    %min3A_241 = arith.minimumf %slice3A_235, %min3A_234 : vector<1024x128xf32>
    %slice3A_242 = vector.extract_strided_slice %add3A_29 {offsets = [0, 3968], sizes = [1024, 128], strides = [1, 1]} : vector<1024x5120xf32> to vector<1024x128xf32>
    %slice3A_243 = vector.extract_strided_slice %get3A_32 {offsets = [0, 3968], sizes = [1, 128], strides = [1, 1]} : vector<1x5120xf32> to vector<1x128xf32>
    %broadcast_in_dim3A_244 = vector.shape_cast %slice3A_243 : vector<1x128xf32> to vector<1x128xf32>
    %broadcast_in_dim3A_245 = vector.broadcast %broadcast_in_dim3A_244 : vector<1x128xf32> to vector<1024x128xf32>
    %lt3A_246 = arith.cmpf olt, %slice3A_242, %min3A_241 : vector<1024x128xf32>
    %select_n3A_247 = arith.select %lt3A_246, %broadcast_in_dim3A_245, %select_n3A_240 : vector<1024x128xi1>, vector<1024x128xf32>
    %min3A_248 = arith.minimumf %slice3A_242, %min3A_241 : vector<1024x128xf32>
    %slice3A_249 = vector.extract_strided_slice %add3A_29 {offsets = [0, 4096], sizes = [1024, 128], strides = [1, 1]} : vector<1024x5120xf32> to vector<1024x128xf32>
    %slice3A_250 = vector.extract_strided_slice %get3A_32 {offsets = [0, 4096], sizes = [1, 128], strides = [1, 1]} : vector<1x5120xf32> to vector<1x128xf32>
    %broadcast_in_dim3A_251 = vector.shape_cast %slice3A_250 : vector<1x128xf32> to vector<1x128xf32>
    %broadcast_in_dim3A_252 = vector.broadcast %broadcast_in_dim3A_251 : vector<1x128xf32> to vector<1024x128xf32>
    %lt3A_253 = arith.cmpf olt, %slice3A_249, %min3A_248 : vector<1024x128xf32>
    %select_n3A_254 = arith.select %lt3A_253, %broadcast_in_dim3A_252, %select_n3A_247 : vector<1024x128xi1>, vector<1024x128xf32>
    %min3A_255 = arith.minimumf %slice3A_249, %min3A_248 : vector<1024x128xf32>
    %slice3A_256 = vector.extract_strided_slice %add3A_29 {offsets = [0, 4224], sizes = [1024, 128], strides = [1, 1]} : vector<1024x5120xf32> to vector<1024x128xf32>
    %slice3A_257 = vector.extract_strided_slice %get3A_32 {offsets = [0, 4224], sizes = [1, 128], strides = [1, 1]} : vector<1x5120xf32> to vector<1x128xf32>
    %broadcast_in_dim3A_258 = vector.shape_cast %slice3A_257 : vector<1x128xf32> to vector<1x128xf32>
    %broadcast_in_dim3A_259 = vector.broadcast %broadcast_in_dim3A_258 : vector<1x128xf32> to vector<1024x128xf32>
    %lt3A_260 = arith.cmpf olt, %slice3A_256, %min3A_255 : vector<1024x128xf32>
    %select_n3A_261 = arith.select %lt3A_260, %broadcast_in_dim3A_259, %select_n3A_254 : vector<1024x128xi1>, vector<1024x128xf32>
    %min3A_262 = arith.minimumf %slice3A_256, %min3A_255 : vector<1024x128xf32>
    %slice3A_263 = vector.extract_strided_slice %add3A_29 {offsets = [0, 4352], sizes = [1024, 128], strides = [1, 1]} : vector<1024x5120xf32> to vector<1024x128xf32>
    %slice3A_264 = vector.extract_strided_slice %get3A_32 {offsets = [0, 4352], sizes = [1, 128], strides = [1, 1]} : vector<1x5120xf32> to vector<1x128xf32>
    %broadcast_in_dim3A_265 = vector.shape_cast %slice3A_264 : vector<1x128xf32> to vector<1x128xf32>
    %broadcast_in_dim3A_266 = vector.broadcast %broadcast_in_dim3A_265 : vector<1x128xf32> to vector<1024x128xf32>
    %lt3A_267 = arith.cmpf olt, %slice3A_263, %min3A_262 : vector<1024x128xf32>
    %select_n3A_268 = arith.select %lt3A_267, %broadcast_in_dim3A_266, %select_n3A_261 : vector<1024x128xi1>, vector<1024x128xf32>
    %min3A_269 = arith.minimumf %slice3A_263, %min3A_262 : vector<1024x128xf32>
    %slice3A_270 = vector.extract_strided_slice %add3A_29 {offsets = [0, 4480], sizes = [1024, 128], strides = [1, 1]} : vector<1024x5120xf32> to vector<1024x128xf32>
    %slice3A_271 = vector.extract_strided_slice %get3A_32 {offsets = [0, 4480], sizes = [1, 128], strides = [1, 1]} : vector<1x5120xf32> to vector<1x128xf32>
    %broadcast_in_dim3A_272 = vector.shape_cast %slice3A_271 : vector<1x128xf32> to vector<1x128xf32>
    %broadcast_in_dim3A_273 = vector.broadcast %broadcast_in_dim3A_272 : vector<1x128xf32> to vector<1024x128xf32>
    %lt3A_274 = arith.cmpf olt, %slice3A_270, %min3A_269 : vector<1024x128xf32>
    %select_n3A_275 = arith.select %lt3A_274, %broadcast_in_dim3A_273, %select_n3A_268 : vector<1024x128xi1>, vector<1024x128xf32>
    %min3A_276 = arith.minimumf %slice3A_270, %min3A_269 : vector<1024x128xf32>
    %slice3A_277 = vector.extract_strided_slice %add3A_29 {offsets = [0, 4608], sizes = [1024, 128], strides = [1, 1]} : vector<1024x5120xf32> to vector<1024x128xf32>
    %slice3A_278 = vector.extract_strided_slice %get3A_32 {offsets = [0, 4608], sizes = [1, 128], strides = [1, 1]} : vector<1x5120xf32> to vector<1x128xf32>
    %broadcast_in_dim3A_279 = vector.shape_cast %slice3A_278 : vector<1x128xf32> to vector<1x128xf32>
    %broadcast_in_dim3A_280 = vector.broadcast %broadcast_in_dim3A_279 : vector<1x128xf32> to vector<1024x128xf32>
    %lt3A_281 = arith.cmpf olt, %slice3A_277, %min3A_276 : vector<1024x128xf32>
    %select_n3A_282 = arith.select %lt3A_281, %broadcast_in_dim3A_280, %select_n3A_275 : vector<1024x128xi1>, vector<1024x128xf32>
    %min3A_283 = arith.minimumf %slice3A_277, %min3A_276 : vector<1024x128xf32>
    %slice3A_284 = vector.extract_strided_slice %add3A_29 {offsets = [0, 4736], sizes = [1024, 128], strides = [1, 1]} : vector<1024x5120xf32> to vector<1024x128xf32>
    %slice3A_285 = vector.extract_strided_slice %get3A_32 {offsets = [0, 4736], sizes = [1, 128], strides = [1, 1]} : vector<1x5120xf32> to vector<1x128xf32>
    %broadcast_in_dim3A_286 = vector.shape_cast %slice3A_285 : vector<1x128xf32> to vector<1x128xf32>
    %broadcast_in_dim3A_287 = vector.broadcast %broadcast_in_dim3A_286 : vector<1x128xf32> to vector<1024x128xf32>
    %lt3A_288 = arith.cmpf olt, %slice3A_284, %min3A_283 : vector<1024x128xf32>
    %select_n3A_289 = arith.select %lt3A_288, %broadcast_in_dim3A_287, %select_n3A_282 : vector<1024x128xi1>, vector<1024x128xf32>
    %min3A_290 = arith.minimumf %slice3A_284, %min3A_283 : vector<1024x128xf32>
    %slice3A_291 = vector.extract_strided_slice %add3A_29 {offsets = [0, 4864], sizes = [1024, 128], strides = [1, 1]} : vector<1024x5120xf32> to vector<1024x128xf32>
    %slice3A_292 = vector.extract_strided_slice %get3A_32 {offsets = [0, 4864], sizes = [1, 128], strides = [1, 1]} : vector<1x5120xf32> to vector<1x128xf32>
    %broadcast_in_dim3A_293 = vector.shape_cast %slice3A_292 : vector<1x128xf32> to vector<1x128xf32>
    %broadcast_in_dim3A_294 = vector.broadcast %broadcast_in_dim3A_293 : vector<1x128xf32> to vector<1024x128xf32>
    %lt3A_295 = arith.cmpf olt, %slice3A_291, %min3A_290 : vector<1024x128xf32>
    %select_n3A_296 = arith.select %lt3A_295, %broadcast_in_dim3A_294, %select_n3A_289 : vector<1024x128xi1>, vector<1024x128xf32>
    %min3A_297 = arith.minimumf %slice3A_291, %min3A_290 : vector<1024x128xf32>
    %slice3A_298 = vector.extract_strided_slice %add3A_29 {offsets = [0, 4992], sizes = [1024, 128], strides = [1, 1]} : vector<1024x5120xf32> to vector<1024x128xf32>
    %slice3A_299 = vector.extract_strided_slice %get3A_32 {offsets = [0, 4992], sizes = [1, 128], strides = [1, 1]} : vector<1x5120xf32> to vector<1x128xf32>
    %broadcast_in_dim3A_300 = vector.shape_cast %slice3A_299 : vector<1x128xf32> to vector<1x128xf32>
    %broadcast_in_dim3A_301 = vector.broadcast %broadcast_in_dim3A_300 : vector<1x128xf32> to vector<1024x128xf32>
    %lt3A_302 = arith.cmpf olt, %slice3A_298, %min3A_297 : vector<1024x128xf32>
    %select_n3A_303 = arith.select %lt3A_302, %broadcast_in_dim3A_301, %select_n3A_296 : vector<1024x128xi1>, vector<1024x128xf32>
    %min3A_304 = arith.minimumf %slice3A_298, %min3A_297 : vector<1024x128xf32>
    %reduce_min3A = arith.constant dense<0x7F800000> : vector<1024xf32>
    %reduce_min3A_305 = vector.multi_reduction <minimumf>, %min3A_304, %reduce_min3A [1] : vector<1024x128xf32> to vector<1024xf32>
    %broadcast_in_dim3A_306 = vector.shape_cast %reduce_min3A_305 : vector<1024xf32> to vector<1024x1xf32>
    %eq3A = vector.broadcast %broadcast_in_dim3A_306 : vector<1024x1xf32> to vector<1024x128xf32>
    %eq3A_307 = arith.cmpf oeq, %min3A_304, %eq3A : vector<1024x128xf32>
    %jit3A = arith.constant 6.553600e+04 : f32
    %broadcast_in_dim3A_308 = vector.broadcast %jit3A : f32 to vector<1024x128xf32>
    %select_n3A_309 = arith.select %eq3A_307, %select_n3A_303, %broadcast_in_dim3A_308 : vector<1024x128xi1>, vector<1024x128xf32>
    %reduce_min3A_310 = arith.constant dense<0x7F800000> : vector<1024xf32>
    %reduce_min3A_311 = vector.multi_reduction <minimumf>, %select_n3A_309, %reduce_min3A_310 [1] : vector<1024x128xf32> to vector<1024xf32>
    %convert_element_type3A = arith.fptosi %reduce_min3A_311 : vector<1024xf32> to vector<1024xi32>
    %swap3A = arith.constant 0 : index
    %swap3A_312 = vector.load %arg9[%swap3A] : memref<1024xi32, #tpu.memory_space<vmem>>, vector<1024xi32>
    tpu.vector_store %arg9[%swap3A], %convert_element_type3A {strides = array<i32>} : memref<1024xi32, #tpu.memory_space<vmem>>, vector<1024xi32>,
    return
  }
  func.func @transform_0(%arg0: i32) -> (i32, i32) {
    %add3A = arith.constant 0 : i32
    %add3A_0 = arith.addi %arg0, %add3A : i32
    %c0_i32 = arith.constant 0 : i32
    %c0_i32_1 = arith.constant 0 : i32
    return %c0_i32, %add3A_0 : i32, i32
  }
  func.func @transform_1(%arg0: i32) -> (i32, i32) {
    %c0_i32 = arith.constant 0 : i32
    %c0_i32_0 = arith.constant 0 : i32
    %c0_i32_1 = arith.constant 0 : i32
    return %c0_i32, %c0_i32_0 : i32, i32
  }
  func.func @transform_2(%arg0: i32) -> (i32, i32) {
    %c0_i32 = arith.constant 0 : i32
    %c0_i32_0 = arith.constant 0 : i32
    %c0_i32_1 = arith.constant 0 : i32
    return %c0_i32, %c0_i32_0 : i32, i32
  }
  func.func @transform_3(%arg0: i32) -> (i32, i32) {
    %c0_i32 = arith.constant 0 : i32
    %c0_i32_0 = arith.constant 0 : i32
    %c0_i32_1 = arith.constant 0 : i32
    return %c0_i32, %c0_i32_0 : i32, i32
  }
  func.func @transform_4(%arg0: i32) -> (i32, i32) {
    %c0_i32 = arith.constant 0 : i32
    %c0_i32_0 = arith.constant 0 : i32
    %c0_i32_1 = arith.constant 0 : i32
    return %c0_i32, %c0_i32_0 : i32, i32
  }
  func.func @transform_5(%arg0: i32) -> (i32, i32) {
    %c0_i32 = arith.constant 0 : i32
    %c0_i32_0 = arith.constant 0 : i32
    %c0_i32_1 = arith.constant 0 : i32
    return %c0_i32, %c0_i32_0 : i32, i32
  }
  func.func @transform_6(%arg0: i32) -> (i32, i32) {
    %c0_i32 = arith.constant 0 : i32
    %c0_i32_0 = arith.constant 0 : i32
    %c0_i32_1 = arith.constant 0 : i32
    return %c0_i32, %c0_i32_0 : i32, i32
  }
  func.func @transform_7(%arg0: i32) -> (i32, i32) {
    %c0_i32 = arith.constant 0 : i32
    %c0_i32_0 = arith.constant 0 : i32
    %c0_i32_1 = arith.constant 0 : i32
    return %c0_i32, %c0_i32_0 : i32, i32
  }
  func.func @transform_8(%arg0: i32) -> i32 {
    %c0_i32 = arith.constant 0 : i32
    return %arg0 : i32
  }
}

module attributes {stable_mosaic.version = 14 : i64} {
  func.func @_trans_body(%arg0: memref<4096x128xf32, #tpu.memory_space<vmem>>, %arg1: memref<4096x128xf32, #tpu.memory_space<vmem>>, %arg2: memref<4096x128xf32, #tpu.memory_space<vmem>>, %arg3: memref<4096x128xf32, #tpu.memory_space<vmem>>, %arg4: memref<64x16384xf32, #tpu.memory_space<vmem>>) attributes {dimension_semantics = [], scalar_prefetch = 0 : i64, scratch_operands = 0 : i64, tpu.core_type = #tpu.core_type<tc>} {
    %get3A = arith.constant 0 : index
    %get3A_0 = arith.constant 0 : index
    %get3A_1 = vector.load %arg0[%get3A, %get3A_0] : memref<4096x128xf32, #tpu.memory_space<vmem>>, vector<4096x64xf32>
    %transpose3A = tpu.transpose %get3A_1, [1, 0] : vector<4096x64xf32> -> vector<64x4096xf32>
    %swap3A = arith.constant 0 : index
    %swap3A_2 = arith.constant 0 : index
    %swap3A_3 = vector.load %arg4[%swap3A, %swap3A_2] : memref<64x16384xf32, #tpu.memory_space<vmem>>, vector<64x4096xf32>
    tpu.vector_store %arg4[%swap3A, %swap3A_2], %transpose3A {strides = array<i32>} : memref<64x16384xf32, #tpu.memory_space<vmem>>, vector<64x4096xf32>,
    %get3A_4 = arith.constant 0 : index
    %get3A_5 = arith.constant 0 : index
    %get3A_6 = vector.load %arg1[%get3A_4, %get3A_5] : memref<4096x128xf32, #tpu.memory_space<vmem>>, vector<4096x64xf32>
    %transpose3A_7 = tpu.transpose %get3A_6, [1, 0] : vector<4096x64xf32> -> vector<64x4096xf32>
    %swap3A_8 = arith.constant 0 : index
    %swap3A_9 = arith.constant 4096 : index
    %swap3A_10 = vector.load %arg4[%swap3A_8, %swap3A_9] : memref<64x16384xf32, #tpu.memory_space<vmem>>, vector<64x4096xf32>
    tpu.vector_store %arg4[%swap3A_8, %swap3A_9], %transpose3A_7 {strides = array<i32>} : memref<64x16384xf32, #tpu.memory_space<vmem>>, vector<64x4096xf32>,
    %get3A_11 = arith.constant 0 : index
    %get3A_12 = arith.constant 0 : index
    %get3A_13 = vector.load %arg2[%get3A_11, %get3A_12] : memref<4096x128xf32, #tpu.memory_space<vmem>>, vector<4096x64xf32>
    %transpose3A_14 = tpu.transpose %get3A_13, [1, 0] : vector<4096x64xf32> -> vector<64x4096xf32>
    %swap3A_15 = arith.constant 0 : index
    %swap3A_16 = arith.constant 8192 : index
    %swap3A_17 = vector.load %arg4[%swap3A_15, %swap3A_16] : memref<64x16384xf32, #tpu.memory_space<vmem>>, vector<64x4096xf32>
    tpu.vector_store %arg4[%swap3A_15, %swap3A_16], %transpose3A_14 {strides = array<i32>} : memref<64x16384xf32, #tpu.memory_space<vmem>>, vector<64x4096xf32>,
    %get3A_18 = arith.constant 0 : index
    %get3A_19 = arith.constant 0 : index
    %get3A_20 = vector.load %arg3[%get3A_18, %get3A_19] : memref<4096x128xf32, #tpu.memory_space<vmem>>, vector<4096x64xf32>
    %transpose3A_21 = tpu.transpose %get3A_20, [1, 0] : vector<4096x64xf32> -> vector<64x4096xf32>
    %swap3A_22 = arith.constant 0 : index
    %swap3A_23 = arith.constant 12288 : index
    %swap3A_24 = vector.load %arg4[%swap3A_22, %swap3A_23] : memref<64x16384xf32, #tpu.memory_space<vmem>>, vector<64x4096xf32>
    tpu.vector_store %arg4[%swap3A_22, %swap3A_23], %transpose3A_21 {strides = array<i32>} : memref<64x16384xf32, #tpu.memory_space<vmem>>, vector<64x4096xf32>,
    return
  }
}

</mosaic_0001>

<sc_bundles>
// kernel: kernel.12.cloned.1.call-start
scs
__scs_entry_jumppad:
0x0: {  	(pc) =	sbr.rel $0x88, $3  }
0x1: {  	(tag) =	ssettag $0x0;
	lr =	simm.s32 $0x1  }
0x2: {  	[smem:$0x3F97] =	sst lr;
	_ =	strace $0xD0000000  }
0x3: {  	_ = 	snop  }
0x4: {  	_ = 	snop  }
0x5: {  	_ = 	snop  }
0x6: {  	_ = 	snop  }
0x7: {  	_ = 	snop  }
__scs_overlays_trampoline_lowered:
0x8: {  	[smem:$0x3FA6] =	sst s0  }
0x9: {  	[smem:$0x3FA7] =	sst s1  }
0xa: {  	[smem:$0x3FA8] =	sst s2  }
0xb: {  	[smem:$0x3FA9] =	sst s3  }
0xc: {  	[smem:$0x3FAA] =	sst s4  }
0xd: {  	[smem:$0x3FAB] =	sst s5  }
0xe: {  	[smem:$0x3FAC] =	sst s6  }
0xf: {  	[smem:$0x3FAD] =	sst s7  }
0x10: {  	[smem:$0x3FAE] =	sst s8  }
0x11: {  	[smem:$0x3FAF] =	sst s9;
	s0 =	simm.s32 @!p0 $0x0  }
0x12: {  	s1 =	sld [smem:$0x3F95];
	s0 =	simm.s32 @p0 $0x1  }
0x13: {  	[smem:$0x3FB0] =	sst s0;
	s0 =	simm.s32 @!p1 $0x0  }
0x14: {  	s2 =	sld [smem:$0x3F94];
	s0 =	simm.s32 @p1 $0x1  }
0x15: {  	[smem:$0x3FB1] =	sst s0;
	s0 =	simm.s32 @!p2 $0x0  }
0x16: {  	s3 =	sld [smem:$0x3FDB];
	s0 =	simm.s32 @p2 $0x1  }
0x17: {  	s4 =	simm.s32 $0x1BF5;
	[smem:$0x3FB3] =	sst s0  }
0x18: {  	s0 =	sld [smem:$0x3F96];
	_ =	swait.ge [sflag:s4], $0x0  }
0x19: {  	s7 =	sld [smem:$0x3F97]  }
0x1a: {  	s8 =	sadd.s32 $0xFFFFE003, lr  }
0x1b: {  	s9 =	sadd.s32 $0xFFFFFEF7, lr;
	s5 =	simm.s32 $0xFFFFFFFF;
	p2 =	slt.u32 s8, $0xFFFFF086  }
0x1c: {  	p1 =	slt.u32 s9, $0xF7A;
	s5 =	simm.s32 @!p2 $0x0  }
0x1d: {  	s5 =	simm.s32 @p1 $0x1;
	p0 =	seq.s32 s7, s2  }
0x1e: {  	s7 =	smul.u32 @!p0 $0xF7A, s2;
	p2 =	seq.s32 @!p0 s5, $0x0  }
0x1f: {  	s9 =	smul.u32 $0xF7A, s1;
	s8 =	simm.s32 @!p0 $0x1BF5;
	p2 =	por !p2, p0  }
0x20: {  	[sflag:s8] =	ssyncset.s32 @!p0 $0xFFFFF086;
	s6 =	sadd.s32 @!p0 s3, s7;
	s7 =	simm.s32 @!p0 $0x108  }
0x21: {  	s3 =	sadd.s32 s3, s9;
	s6 =	sadd.s32 @!p0 $0x88, s6;
	s7 =	simm.s32 @p2 $0x1082  }
0x22: {  	[simem:s7], [sflag:s8] =	dma.local @!p0 [hbm:s6], $0xF7A  }
0x23: {  	s9 =	sor.u32 $0xD0000000, s2;
	s6 =	simm.s32 $0x108;
	_ =	swait.ge @!p0 [sflag:s8], $0x0  }
0x24: {  	s3 =	sadd.s32 $0x88, s3;
	s6 =	simm.s32 @!p1 $0x1082;
	[sflag:s4] =	ssyncset.s32 $0xFFFFF086  }
0x25: {  	[simem:s6], [sflag:s4] =	dma.local [hbm:s3], $0xF7A  }
0x26: {  	[smem:$0x3F97] =	sst s1;
	(tag) =	ssettag s2;
	_ =	strace s9  }
0x27: {  	s1 =	sld [smem:$0x3FA7]  }
0x28: {  	s2 =	sld [smem:$0x3FA8]  }
0x29: {  	s4 =	sld [smem:$0x3FAA]  }
0x2a: {  	p0 =	seq.s32 s5, $0x0;
	s5 =	sld [smem:$0x3FAB]  }
0x2b: {  	s6 =	sld [smem:$0x3FAC]  }
0x2c: {  	s7 =	sld [smem:$0x3FAD]  }
0x2d: {  	s3 =	simm.s32 $0x108;
	s8 =	sld [smem:$0x3FAE]  }
0x2e: {  	s3 =	simm.s32 @!p0 $0x1082;
	s9 =	sld [smem:$0x3FAF]  }
0x2f: {  	lr =	sadd.s32 s0, s3;
	s0 =	sld [smem:$0x3FA6]  }
0x30: {  	s3 =	sld [smem:$0x3FA9]  }
0x31: {  	[smem:$0x3FB2] =	sst s10  }
0x32: {  	s10 =	sld [smem:$0x3FB0];
	_ =	sdelay $0x3  }
0x33: {  	p0 =	seq.s32 s10, $0x1;
	s10 =	sld [smem:$0x3FB2];
	_ =	sdelay $0x3  }
0x34: {  	[smem:$0x3FB2] =	sst s10  }
0x35: {  	s10 =	sld [smem:$0x3FB1];
	_ =	sdelay $0x3  }
0x36: {  	p1 =	seq.s32 s10, $0x1;
	s10 =	sld [smem:$0x3FB2];
	_ =	sdelay $0x3  }
0x37: {  	[smem:$0x3FB2] =	sst s10  }
0x38: {  	s10 =	sld [smem:$0x3FB3]  }
0x39: {  	_ = 	snop;
	(pc) =	sbr.ind lr, $3  }
0x3a: {  	_ = 	snop  }
0x3b: {  	_ = 	snop  }
0x3c: {  	p2 =	seq.s32 s10, $0x1;
	s10 =	sld [smem:$0x3FB2]  }
0x3d: {  	_ =	shalt  }
0x3e: {  	_ =	shalt  }
0x3f: {  	_ =	shalt  }
0x40: {  	_ =	shalt  }
0x41: {  	_ =	shalt  }
0x42: {  	_ =	shalt  }
0x43: {  	_ =	shalt  }
0x44: {  	_ =	shalt  }
0x45: {  	_ =	shalt  }
0x46: {  	_ =	shalt  }
0x47: {  	_ =	shalt  }
0x48: {  	_ =	shalt  }
0x49: {  	_ =	shalt  }
0x4a: {  	_ =	shalt  }
0x4b: {  	_ =	shalt  }
0x4c: {  	_ =	shalt  }
0x4d: {  	_ =	shalt  }
0x4e: {  	_ =	shalt  }
0x4f: {  	_ =	shalt  }
0x50: {  	_ =	shalt  }
0x51: {  	_ =	shalt  }
0x52: {  	_ =	shalt  }
0x53: {  	_ =	shalt  }
0x54: {  	_ =	shalt  }
0x55: {  	_ =	shalt  }
0x56: {  	_ =	shalt  }
0x57: {  	_ =	shalt  }
0x58: {  	_ =	shalt  }
0x59: {  	_ =	shalt  }
0x5a: {  	_ =	shalt  }
0x5b: {  	_ =	shalt  }
0x5c: {  	_ =	shalt  }
0x5d: {  	_ =	shalt  }
0x5e: {  	_ =	shalt  }
0x5f: {  	_ =	shalt  }
0x60: {  	_ =	shalt  }
0x61: {  	_ =	shalt  }
0x62: {  	_ =	shalt  }
0x63: {  	_ =	shalt  }
0x64: {  	_ =	shalt  }
0x65: {  	_ =	shalt  }
0x66: {  	_ =	shalt  }
0x67: {  	_ =	shalt  }
0x68: {  	_ =	shalt  }
0x69: {  	_ =	shalt  }
0x6a: {  	_ =	shalt  }
0x6b: {  	_ =	shalt  }
0x6c: {  	_ =	shalt  }
0x6d: {  	_ =	shalt  }
0x6e: {  	_ =	shalt  }
0x6f: {  	_ =	shalt  }
0x70: {  	_ =	shalt  }
0x71: {  	_ =	shalt  }
0x72: {  	_ =	shalt  }
0x73: {  	_ =	shalt  }
0x74: {  	_ =	shalt  }
0x75: {  	_ =	shalt  }
0x76: {  	_ =	shalt  }
0x77: {  	_ =	shalt  }
0x78: {  	_ =	shalt  }
0x79: {  	_ =	shalt  }
0x7a: {  	_ =	shalt  }
0x7b: {  	_ =	shalt  }
0x7c: {  	_ =	shalt  }
0x7d: {  	_ =	shalt  }
0x7e: {  	_ =	shalt  }
0x7f: {  	_ =	shalt  }
0x80: {  	_ =	shalt  }
0x81: {  	_ =	shalt  }
0x82: {  	_ =	shalt  }
0x83: {  	_ =	shalt  }
0x84: {  	_ =	shalt  }
0x85: {  	_ =	shalt  }
0x86: {  	_ =	shalt  }
0x87: {  	_ =	shalt  }
.Lfunc_end0:
.L_simem_size_0:
called_computation_lowered:
.L_overlay_start_0:
0x88: {  	s2 =	sld [smem:$0x3FD9]  }
0x89: {  	s3 =	sld [smem:$0x3FFE];
	_ =	sdelay $0x1  }
0x8a: {  	s1 =	srdreg.scid  }
0x8b: {  	s0 =	sand.u32 $0x1, s1  }
0x8c: {  	s15 =	sshll.u32 s0, $0xA;
	s2 =	sadd.s32 s3, s2  }
0x8d: {  	s2 =	sadd.s32 s2, s15  }
0x8e: {  	[smem:$0x3FBE] =	sst s2  }
0x8f: {  	_ = 	snop  }
0x90: {  	s2 =	sld [smem:$0x3FD0];
	_ =	sdelay $0x2  }
0x91: {  	s16 =	simm.s32 $0xD;
	s4 =	simm.s32 $0x10  }
0x92: {  	[smem:s4], [sflag:s16] =	dma.local [hbm:s2], $0x1  }
0x93: {  	_ =	swait.eq [sflag:s16], $0x1  }
0x94: {  	[sflag:s16] =	ssyncset.done $0x0  }
0x95: {  	[sflag:s16] =	ssyncadd.s32 $0xFFFFFFFF  }
0x96: {  	s17 =	sld [smem:$0x10];
	(tm) =	ssettm $0x1  }
0x97: {  	s18 =	sld [smem:$0x3FFB];
	_ =	sdelay $0x3  }
0x98: {  	_ =	strace s18  }
0x99: {  	s2 =	sld [smem:$0x3FFC];
	_ =	sdelay $0x3  }
0x9a: {  	_ =	strace s2  }
0x9b: {  	s2 =	sld [smem:$0x3FFD];
	_ =	sdelay $0x3  }
0x9c: {  	_ =	strace s2  }
0x9d: {  	_ =	strace $0x8FFFFFFF  }
0x9e: {  	s19 =	sld [smem:$0x3FDB];
	_ =	sdelay $0x1  }
0x9f: {  	s20 =	simm.s32 $_scs_section_size  }
0xa0: {  	s5 =	simm.s32 $_size__tile_overlayer_lowered;
	s6 =	simm.s32 $_tile_overlayer_lowered  }
0xa1: {  	s7 =	simm.s32 $0x1BFF;
	s21 =	sshll.u32 s6, $0x1;
	s4 =	sadd.s32 s20, s19  }
0xa2: {  	s22 =	simm.s32 $0x0;
	s5 =	sshll.u32 s5, $0x1;
	s6 =	sadd.s32 s21, s4  }
0xa3: {  	[timem:s22], [sflag:s7] =	dma.local [hbm:s6], s5  }
0xa4: {  	_ =	swait.ge [sflag:s7], s5  }
0xa5: {  	s5 =	ssub.s32 $0x0, s5;
	[sflag:s7] =	ssyncset.done $0x0  }
0xa6: {  	[sflag:s7] =	ssyncadd.s32 s5;
	_ =	sdelay $0x1  }
0xa7: {  	s23 =	simm.s32 $0x1B8B  }
0xa8: {  	_ =	swait.ge [sflag:s23], $0x1  }
0xa9: {  	[sflag:s23] =	ssyncset.done $0x0  }
0xaa: {  	[sflag:s23] =	ssyncadd.s32 $0xFFFFFFFF  }
0xab: {  	s5 =	sld [smem:$0x0]  }
0xac: {  	s6 =	sand.u32 $0xFFFFFFFE, s1  }
0xad: {  	p0 =	sne.s32 s1, s6  }
0xae: {  	s6 =	sshll.u32 @p0 s6, $0xE  }
0xaf: {  	s6 =	sadd.s32 @p0 $0x11B8D, s6;
	s7 =	sshll.u32 @p0 s5, $0x11  }
0xb0: {  	s6 =	sor.u32 @p0 s7, s6  }
0xb1: {  	[sflag:s6] =	ssyncadd.remote.s32 @p0 $0x1;
	_ =	sdelay $0x1  }
0xb2: {  	s6 =	simm.s32 @p0 $0x1B8D  }
0xb3: {  	_ =	swait.eq @p0 [sflag:s6], $0x1  }
0xb4: {  	[sflag:s6] =	ssyncadd.s32 @p0 $0xFFFFFFFF  }
0xb5: {  	s7 =	sshll.u32 @!p0 s1, $0xE  }
0xb6: {  	s7 =	sor.u32 @!p0 $0x4000, s7;
	s6 =	simm.s32 @!p0 $0x1B8D  }
0xb7: {  	s5 =	sshll.u32 @!p0 s5, $0x11;
	s7 =	sadd.s32 @!p0 $0x11B8D, s7;
	_ =	swait.eq @!p0 [sflag:s6], $0x1  }
0xb8: {  	s5 =	sor.u32 @!p0 s5, s7;
	[sflag:s6] =	ssyncadd.s32 @!p0 $0xFFFFFFFF  }
0xb9: {  	s25 =	simm.s32 $0x1B8E;
	s24 =	sld [smem:$0x3FFE];
	[sflag:s5] =	ssyncadd.remote.s32 @!p0 $0x1  }
0xba: {  	s26 =	simm.s32 $execute0_lowered;
	[smem:$0x3FD2] =	sst s25  }
0xbb: {  	s6 =	sshll.u32 s26, $0x1;
	_ =	strace $0x8000004F;
	[dreg:$0x1] =	wrdreg $0xFFFFFFFF  }
0xbc: {  	s28 =	simm.s32 $_size_execute0_lowered;
	s4 =	sadd.s32 s4, s6;
	[dreg:$0x0] =	wrdreg $0x0  }
0xbd: {  	s6 =	sshll.u32 s28, $0x1;
	[dreg:$0x2] =	wrdreg s4  }
0xbe: {  	[dreg:$0x3] =	wrdreg s6  }
0xbf: {  	[dreg:$0x4] =	wrdreg $0xC0  }
0xc0: {  	_ =	task [dreg:s22], $0x5FFFF  }
0xc1: {  	[dreg:$0x1] =	wrdreg $0xFFFFFFFF  }
0xc2: {  	[dreg:$0x0] =	wrdreg $0x60  }
0xc3: {  	[dreg:$0x2] =	wrdreg s17  }
0xc4: {  	[dreg:$0x3] =	wrdreg s24  }
0xc5: {  	[dreg:$0x4] =	wrdreg $0x9  }
0xc6: {  	_ =	task.clear_ibuf [dreg:s22], $0x5FFFF;
	_ =	strace $0x9000004F  }
0xc7: {  	s29 =	simm.s32 $0x9;
	_ =	strace $0x80000051  }
0xc8: {  	_ =	swait.ge [sflag:s29], $0x1  }
0xc9: {  	[sflag:s29] =	ssyncadd.s32 $0xFFFFFFFF  }
0xca: {  	_ =	strace $0x90000051  }
0xcb: {  	_ =	sfence  }
0xcc: {  	s30 =	sld [smem:$0x0];
	_ =	sdelay $0x2  }
0xcd: {  	s31 =	sshll.u32 s1, $0xD;
	s1 =	sshrl.u32 s1, $0x2  }
0xce: {  	s4 =	sand.u32 $0x4000, s31;
	s1 =	sadd.s32 s1, s30  }
0xcf: {  	s0 =	sor.u32 s4, s0;
	s1 =	sshll.u32 s1, $0x11  }
0xd0: {  	s0 =	sor.u32 s1, s0  }
0xd1: {  	s0 =	sadd.s32 $0x8F2B, s0  }
0xd2: {  	[sflag:s0] =	ssyncadd.remote.s32 $0x1  }
0xd3: {  	_ =	sfence.sel $0xFFFF  }
0xd4: {  	[dreg:$0x0] =	wrdreg $0xFFFFFFFF;
	(pc) =	sbr.abs _section_cstart, $3  }
0xd5: {  	[dreg:$0x1] =	wrdreg $0xFFFFFFFF  }
0xd6: {  	_ =	task.clear_ibuf [dreg:s22], $0x2FFFF;
	_ =	strace $0x9FFFFFFF  }
0xd7: {  	(tm) =	ssettm $0x7FFFFFFF  }
tec
execute0_lowered:
.L_overlay_start_1:
0x0: {  	(tag) =	ssettag $0x1  }
0x1: {  	s1 =	srdreg.scid;
	s0 =	stileid.u32  }
0x2: {  	s2 =	rddreg [dreg:$0x0];
	s6 =	sand.u32 $0x1, s1;
	s30 =	sshll.u32 s0, $0x1  }
0x3: {  	s8 =	rddreg [dreg:$0x1];
	s3 =	simm.s32 $0x0;
	s9 =	sor.u32 s6, s30  }
0x4: {  	s7 =	simm.s32 $0x1;
	[smem:$0x7FF] =	sst s3;
	s4 =	sshll.u32 s9, $0x4  }
0x5: {  	s1 =	rddreg [dreg:$0x2];
	_ =	strace $0x80000050;
	s4 =	sadd.s32 s4, s8  }
0x6: {  	s10 =	ssub.s32 $0x2, s6;
	s5 =	sadd.s32 $0x34600, s4;
	s4 =	simm.s32 $0x2  }
0x7: {  	[tilespmem:s3], [sflag:$0x2] =	stream.linear.gather [hbm4b:s5+s3], $0x80, $0x38;
	[tilespmem:$0x4080] =	vst v63  }
0x8: {  	s6 =	simm.s32 $0x80;
	s11 =	sshrl.u32 s10, $0x1;
	_ =	swait.ge [sflag:s4], $0x80  }
0x9: {  	s9 =	sshll.u32 s9, $0xB;
	s31 =	ssub.s32 s10, s11;
	[sflag:s4] =	ssyncset.done $0x0  }
0xa: {  	s8 =	sadd.s32 s9, s8;
	s9 =	smax.u32 s31, $0x1;
	[sflag:s4] =	ssyncadd.s32 $0xFFFFFF80  }
0xb: {  	[tilespmem:s6], [sflag:$0x1] =	stream.indirect.gather [hbm4b:s2+s6], $0x80, s3, s6, $0xb8;
	[tilespmem:$0x4080] =	vst v63  }
0xc: {  	p0 =	sne.s32 s9, $0x1;
	_ =	swait.ge [sflag:s7], $0x4000  }
.Ltmp0:
0xd: {  	[sflag:s7] =	ssyncset.done $0x0;
	(pc) =	sbr.rel @!p0 .LBB2_2-.Ltmp0, $4  }
0xe: {  	s8 =	sadd.s32 $0x34800, s8;
	[sflag:s7] =	ssyncadd.s32 $0xFFFFC000  }
0xf: {  	[hbm4b:s8+s3] =	stream.linear.scatter [tilespmem:s6], [sflag:$0x2], $0x4000, $0x38;
	[tilespmem:$0x4080] =	vst v63  }
0x10: {  	_ =	swait.ge [sflag:s4], $0x4000  }
0x11: {  	s9 =	sadd.s32 $0xFFFFFFFF, s9;
	[sflag:s4] =	ssyncset.done $0x0  }
.LBB2_1:
0x12: {  	p0 =	sne.s32 s9, $0x1;
	s9 =	sadd.s32 $0xFFFFFFFF, s9;
	[sflag:s4] =	ssyncadd.s32 $0xFFFFC000  }
0x13: {  	[tilespmem:s3], [sflag:$0x2] =	stream.linear.gather [hbm4b:s5+s3], $0x80, $0x38;
	[tilespmem:$0x4080] =	vst v63  }
0x14: {  	_ =	swait.ge [sflag:s4], $0x80  }
0x15: {  	[sflag:s4] =	ssyncset.done $0x0  }
0x16: {  	[sflag:s4] =	ssyncadd.s32 $0xFFFFFF80  }
0x17: {  	[tilespmem:s6], [sflag:$0x1] =	stream.indirect.gather [hbm4b:s2+s6], $0x80, s3, s6, $0xb8;
	[tilespmem:$0x4080] =	vst v63  }
0x18: {  	_ =	swait.ge [sflag:s7], $0x4000  }
.Ltmp1:
0x19: {  	[sflag:s7] =	ssyncset.done $0x0;
	(pc) =	sbr.rel @p0 .LBB2_1-.Ltmp1, $4  }
0x1a: {  	[sflag:s7] =	ssyncadd.s32 $0xFFFFC000  }
0x1b: {  	[hbm4b:s8+s3] =	stream.linear.scatter [tilespmem:s6], [sflag:$0x2], $0x4000, $0x38;
	[tilespmem:$0x4080] =	vst v63  }
0x1c: {  	_ =	swait.ge [sflag:s4], $0x4000  }
0x1d: {  	[sflag:s4] =	ssyncset.done $0x0  }
.LBB2_2:
0x1e: {  	[sflag:s4] =	ssyncadd.s32 $0xFFFFC000  }
0x1f: {  	_ =	sfence.sel $0x180000  }
0x20: {  	[bflag:$0x0] =	sbarrier.arrive $0xFFFF  }
0x21: {  	p0 =	sne.s32 s0, $0x0;
	_ =	strace $0x90000050  }
0x22: {  	s0 =	sadd.s32 @!p0 $0x100000, s1;
	[bflag:$0x2] =	sbarrier.arrive $0xFFFF  }
0x23: {  	[sflag:s0] =	ssyncadd.tile.s32 @!p0 $0x1;
	_ =	shalt  }
.Lfunc_end2:
_tile_overlayer_lowered:
.L_overlay_start_2:
0x24: {  	(tag) =	ssettag $0x2  }
0x25: {  	s0 =	rddreg [dreg:$0x0];
	s2 =	stileid.u32  }
0x26: {  	s1 =	rddreg [dreg:$0x1];
	p0 =	sne.s32 s2, $0x0  }
0x27: {  	s3 =	rddreg [dreg:$0x2];
	[bflag:$0x3] =	sbarrier.arrive $0xFFFF;
	s2 =	simm.s32 @!p0 $0x1C02  }
0x28: {  	[timem:s3], [sflag:s2] =	dma.local @!p0 [hbm:s0], s1  }
0x29: {  	s0 =	simm.s32 @!p0 $0x2  }
0x2a: {  	_ =	swait.ge @!p0 [sflag:s0], s1  }
0x2b: {  	s1 =	ssub.s32 @!p0 $0x0, s1;
	[sflag:s0] =	ssyncset.done @!p0 $0x0  }
0x2c: {  	[sflag:s0] =	ssyncadd.s32 @!p0 s1  }
0x2d: {  	[bflag:$0x3] =	sbarrier.arrive $0xFFFF  }
0x2e: {  	_ =	shalt  }

// kernel: kernel.15.cloned.1.call-start
scs
__scs_entry_jumppad:
0x0: {  	(pc) =	sbr.rel $0x88, $3  }
0x1: {  	(tag) =	ssettag $0x0;
	lr =	simm.s32 $0x1  }
0x2: {  	[smem:$0x3F97] =	sst lr;
	_ =	strace $0xD0000000  }
0x3: {  	_ = 	snop  }
0x4: {  	_ = 	snop  }
0x5: {  	_ = 	snop  }
0x6: {  	_ = 	snop  }
0x7: {  	_ = 	snop  }
__scs_overlays_trampoline_lowered:
0x8: {  	[smem:$0x3FA6] =	sst s0  }
0x9: {  	[smem:$0x3FA7] =	sst s1  }
0xa: {  	[smem:$0x3FA8] =	sst s2  }
0xb: {  	[smem:$0x3FA9] =	sst s3  }
0xc: {  	[smem:$0x3FAA] =	sst s4  }
0xd: {  	[smem:$0x3FAB] =	sst s5  }
0xe: {  	[smem:$0x3FAC] =	sst s6  }
0xf: {  	[smem:$0x3FAD] =	sst s7  }
0x10: {  	[smem:$0x3FAE] =	sst s8  }
0x11: {  	[smem:$0x3FAF] =	sst s9;
	s0 =	simm.s32 @!p0 $0x0  }
0x12: {  	s1 =	sld [smem:$0x3F95];
	s0 =	simm.s32 @p0 $0x1  }
0x13: {  	[smem:$0x3FB0] =	sst s0;
	s0 =	simm.s32 @!p1 $0x0  }
0x14: {  	s2 =	sld [smem:$0x3F94];
	s0 =	simm.s32 @p1 $0x1  }
0x15: {  	[smem:$0x3FB1] =	sst s0;
	s0 =	simm.s32 @!p2 $0x0  }
0x16: {  	s3 =	sld [smem:$0x3FDB];
	s0 =	simm.s32 @p2 $0x1  }
0x17: {  	s4 =	simm.s32 $0x1BF5;
	[smem:$0x3FB3] =	sst s0  }
0x18: {  	s0 =	sld [smem:$0x3F96];
	_ =	swait.ge [sflag:s4], $0x0  }
0x19: {  	s7 =	sld [smem:$0x3F97]  }
0x1a: {  	s8 =	sadd.s32 $0xFFFFE003, lr  }
0x1b: {  	s9 =	sadd.s32 $0xFFFFFEF7, lr;
	s5 =	simm.s32 $0xFFFFFFFF;
	p2 =	slt.u32 s8, $0xFFFFF086  }
0x1c: {  	p1 =	slt.u32 s9, $0xF7A;
	s5 =	simm.s32 @!p2 $0x0  }
0x1d: {  	s5 =	simm.s32 @p1 $0x1;
	p0 =	seq.s32 s7, s2  }
0x1e: {  	s7 =	smul.u32 @!p0 $0xF7A, s2;
	p2 =	seq.s32 @!p0 s5, $0x0  }
0x1f: {  	s9 =	smul.u32 $0xF7A, s1;
	s8 =	simm.s32 @!p0 $0x1BF5;
	p2 =	por !p2, p0  }
0x20: {  	[sflag:s8] =	ssyncset.s32 @!p0 $0xFFFFF086;
	s6 =	sadd.s32 @!p0 s3, s7;
	s7 =	simm.s32 @!p0 $0x108  }
0x21: {  	s3 =	sadd.s32 s3, s9;
	s6 =	sadd.s32 @!p0 $0x88, s6;
	s7 =	simm.s32 @p2 $0x1082  }
0x22: {  	[simem:s7], [sflag:s8] =	dma.local @!p0 [hbm:s6], $0xF7A  }
0x23: {  	s9 =	sor.u32 $0xD0000000, s2;
	s6 =	simm.s32 $0x108;
	_ =	swait.ge @!p0 [sflag:s8], $0x0  }
0x24: {  	s3 =	sadd.s32 $0x88, s3;
	s6 =	simm.s32 @!p1 $0x1082;
	[sflag:s4] =	ssyncset.s32 $0xFFFFF086  }
0x25: {  	[simem:s6], [sflag:s4] =	dma.local [hbm:s3], $0xF7A  }
0x26: {  	[smem:$0x3F97] =	sst s1;
	(tag) =	ssettag s2;
	_ =	strace s9  }
0x27: {  	s1 =	sld [smem:$0x3FA7]  }
0x28: {  	s2 =	sld [smem:$0x3FA8]  }
0x29: {  	s4 =	sld [smem:$0x3FAA]  }
0x2a: {  	p0 =	seq.s32 s5, $0x0;
	s5 =	sld [smem:$0x3FAB]  }
0x2b: {  	s6 =	sld [smem:$0x3FAC]  }
0x2c: {  	s7 =	sld [smem:$0x3FAD]  }
0x2d: {  	s3 =	simm.s32 $0x108;
	s8 =	sld [smem:$0x3FAE]  }
0x2e: {  	s3 =	simm.s32 @!p0 $0x1082;
	s9 =	sld [smem:$0x3FAF]  }
0x2f: {  	lr =	sadd.s32 s0, s3;
	s0 =	sld [smem:$0x3FA6]  }
0x30: {  	s3 =	sld [smem:$0x3FA9]  }
0x31: {  	[smem:$0x3FB2] =	sst s10  }
0x32: {  	s10 =	sld [smem:$0x3FB0];
	_ =	sdelay $0x3  }
0x33: {  	p0 =	seq.s32 s10, $0x1;
	s10 =	sld [smem:$0x3FB2];
	_ =	sdelay $0x3  }
0x34: {  	[smem:$0x3FB2] =	sst s10  }
0x35: {  	s10 =	sld [smem:$0x3FB1];
	_ =	sdelay $0x3  }
0x36: {  	p1 =	seq.s32 s10, $0x1;
	s10 =	sld [smem:$0x3FB2];
	_ =	sdelay $0x3  }
0x37: {  	[smem:$0x3FB2] =	sst s10  }
0x38: {  	s10 =	sld [smem:$0x3FB3]  }
0x39: {  	_ = 	snop;
	(pc) =	sbr.ind lr, $3  }
0x3a: {  	_ = 	snop  }
0x3b: {  	_ = 	snop  }
0x3c: {  	p2 =	seq.s32 s10, $0x1;
	s10 =	sld [smem:$0x3FB2]  }
0x3d: {  	_ =	shalt  }
0x3e: {  	_ =	shalt  }
0x3f: {  	_ =	shalt  }
0x40: {  	_ =	shalt  }
0x41: {  	_ =	shalt  }
0x42: {  	_ =	shalt  }
0x43: {  	_ =	shalt  }
0x44: {  	_ =	shalt  }
0x45: {  	_ =	shalt  }
0x46: {  	_ =	shalt  }
0x47: {  	_ =	shalt  }
0x48: {  	_ =	shalt  }
0x49: {  	_ =	shalt  }
0x4a: {  	_ =	shalt  }
0x4b: {  	_ =	shalt  }
0x4c: {  	_ =	shalt  }
0x4d: {  	_ =	shalt  }
0x4e: {  	_ =	shalt  }
0x4f: {  	_ =	shalt  }
0x50: {  	_ =	shalt  }
0x51: {  	_ =	shalt  }
0x52: {  	_ =	shalt  }
0x53: {  	_ =	shalt  }
0x54: {  	_ =	shalt  }
0x55: {  	_ =	shalt  }
0x56: {  	_ =	shalt  }
0x57: {  	_ =	shalt  }
0x58: {  	_ =	shalt  }
0x59: {  	_ =	shalt  }
0x5a: {  	_ =	shalt  }
0x5b: {  	_ =	shalt  }
0x5c: {  	_ =	shalt  }
0x5d: {  	_ =	shalt  }
0x5e: {  	_ =	shalt  }
0x5f: {  	_ =	shalt  }
0x60: {  	_ =	shalt  }
0x61: {  	_ =	shalt  }
0x62: {  	_ =	shalt  }
0x63: {  	_ =	shalt  }
0x64: {  	_ =	shalt  }
0x65: {  	_ =	shalt  }
0x66: {  	_ =	shalt  }
0x67: {  	_ =	shalt  }
0x68: {  	_ =	shalt  }
0x69: {  	_ =	shalt  }
0x6a: {  	_ =	shalt  }
0x6b: {  	_ =	shalt  }
0x6c: {  	_ =	shalt  }
0x6d: {  	_ =	shalt  }
0x6e: {  	_ =	shalt  }
0x6f: {  	_ =	shalt  }
0x70: {  	_ =	shalt  }
0x71: {  	_ =	shalt  }
0x72: {  	_ =	shalt  }
0x73: {  	_ =	shalt  }
0x74: {  	_ =	shalt  }
0x75: {  	_ =	shalt  }
0x76: {  	_ =	shalt  }
0x77: {  	_ =	shalt  }
0x78: {  	_ =	shalt  }
0x79: {  	_ =	shalt  }
0x7a: {  	_ =	shalt  }
0x7b: {  	_ =	shalt  }
0x7c: {  	_ =	shalt  }
0x7d: {  	_ =	shalt  }
0x7e: {  	_ =	shalt  }
0x7f: {  	_ =	shalt  }
0x80: {  	_ =	shalt  }
0x81: {  	_ =	shalt  }
0x82: {  	_ =	shalt  }
0x83: {  	_ =	shalt  }
0x84: {  	_ =	shalt  }
0x85: {  	_ =	shalt  }
0x86: {  	_ =	shalt  }
0x87: {  	_ =	shalt  }
.Lfunc_end0:
.L_simem_size_0:
called_computation.1_lowered:
.L_overlay_start_0:
0x88: {  	s2 =	sld [smem:$0x3FD9]  }
0x89: {  	s3 =	sld [smem:$0x3FFE];
	_ =	sdelay $0x1  }
0x8a: {  	s1 =	srdreg.scid  }
0x8b: {  	s0 =	sand.u32 $0x1, s1  }
0x8c: {  	s15 =	sshll.u32 s0, $0xA;
	s2 =	sadd.s32 s3, s2  }
0x8d: {  	s2 =	sadd.s32 s2, s15  }
0x8e: {  	[smem:$0x3FBE] =	sst s2  }
0x8f: {  	_ = 	snop  }
0x90: {  	s2 =	sld [smem:$0x3FD0];
	_ =	sdelay $0x2  }
0x91: {  	s16 =	simm.s32 $0xD;
	s4 =	simm.s32 $0x10  }
0x92: {  	[smem:s4], [sflag:s16] =	dma.local [hbm:s2], $0x1  }
0x93: {  	_ =	swait.eq [sflag:s16], $0x1  }
0x94: {  	[sflag:s16] =	ssyncset.done $0x0  }
0x95: {  	[sflag:s16] =	ssyncadd.s32 $0xFFFFFFFF  }
0x96: {  	s17 =	sld [smem:$0x10];
	(tm) =	ssettm $0x1  }
0x97: {  	s18 =	sld [smem:$0x3FFB];
	_ =	sdelay $0x3  }
0x98: {  	_ =	strace s18  }
0x99: {  	s2 =	sld [smem:$0x3FFC];
	_ =	sdelay $0x3  }
0x9a: {  	_ =	strace s2  }
0x9b: {  	s2 =	sld [smem:$0x3FFD];
	_ =	sdelay $0x3  }
0x9c: {  	_ =	strace s2  }
0x9d: {  	_ =	strace $0x8FFFFFFF  }
0x9e: {  	s19 =	sld [smem:$0x3FDB];
	_ =	sdelay $0x1  }
0x9f: {  	s20 =	simm.s32 $_scs_section_size  }
0xa0: {  	s5 =	simm.s32 $_size__tile_overlayer_lowered;
	s6 =	simm.s32 $_tile_overlayer_lowered  }
0xa1: {  	s7 =	simm.s32 $0x1BFF;
	s21 =	sshll.u32 s6, $0x1;
	s4 =	sadd.s32 s20, s19  }
0xa2: {  	s22 =	simm.s32 $0x0;
	s5 =	sshll.u32 s5, $0x1;
	s6 =	sadd.s32 s21, s4  }
0xa3: {  	[timem:s22], [sflag:s7] =	dma.local [hbm:s6], s5  }
0xa4: {  	_ =	swait.ge [sflag:s7], s5  }
0xa5: {  	s5 =	ssub.s32 $0x0, s5;
	[sflag:s7] =	ssyncset.done $0x0  }
0xa6: {  	[sflag:s7] =	ssyncadd.s32 s5;
	_ =	sdelay $0x1  }
0xa7: {  	s23 =	simm.s32 $0x1B8B  }
0xa8: {  	_ =	swait.ge [sflag:s23], $0x1  }
0xa9: {  	[sflag:s23] =	ssyncset.done $0x0  }
0xaa: {  	[sflag:s23] =	ssyncadd.s32 $0xFFFFFFFF  }
0xab: {  	s5 =	sld [smem:$0x0]  }
0xac: {  	s6 =	sand.u32 $0xFFFFFFFE, s1  }
0xad: {  	p0 =	sne.s32 s1, s6  }
0xae: {  	s6 =	sshll.u32 @p0 s6, $0xE  }
0xaf: {  	s6 =	sadd.s32 @p0 $0x11B8D, s6;
	s7 =	sshll.u32 @p0 s5, $0x11  }
0xb0: {  	s6 =	sor.u32 @p0 s7, s6  }
0xb1: {  	[sflag:s6] =	ssyncadd.remote.s32 @p0 $0x1;
	_ =	sdelay $0x1  }
0xb2: {  	s6 =	simm.s32 @p0 $0x1B8D  }
0xb3: {  	_ =	swait.eq @p0 [sflag:s6], $0x1  }
0xb4: {  	[sflag:s6] =	ssyncadd.s32 @p0 $0xFFFFFFFF  }
0xb5: {  	s7 =	sshll.u32 @!p0 s1, $0xE  }
0xb6: {  	s7 =	sor.u32 @!p0 $0x4000, s7;
	s6 =	simm.s32 @!p0 $0x1B8D  }
0xb7: {  	s5 =	sshll.u32 @!p0 s5, $0x11;
	s7 =	sadd.s32 @!p0 $0x11B8D, s7;
	_ =	swait.eq @!p0 [sflag:s6], $0x1  }
0xb8: {  	s5 =	sor.u32 @!p0 s5, s7;
	[sflag:s6] =	ssyncadd.s32 @!p0 $0xFFFFFFFF  }
0xb9: {  	s25 =	simm.s32 $0x1B8E;
	s24 =	sld [smem:$0x3FFE];
	[sflag:s5] =	ssyncadd.remote.s32 @!p0 $0x1  }
0xba: {  	s26 =	simm.s32 $execute0_lowered;
	[smem:$0x3FD2] =	sst s25  }
0xbb: {  	s6 =	sshll.u32 s26, $0x1;
	_ =	strace $0x8000004C;
	[dreg:$0x1] =	wrdreg $0xFFFFFFFF  }
0xbc: {  	s28 =	simm.s32 $_size_execute0_lowered;
	s4 =	sadd.s32 s4, s6;
	[dreg:$0x0] =	wrdreg $0x0  }
0xbd: {  	s6 =	sshll.u32 s28, $0x1;
	[dreg:$0x2] =	wrdreg s4  }
0xbe: {  	[dreg:$0x3] =	wrdreg s6  }
0xbf: {  	[dreg:$0x4] =	wrdreg $0xC0  }
0xc0: {  	_ =	task [dreg:s22], $0x5FFFF  }
0xc1: {  	[dreg:$0x1] =	wrdreg $0xFFFFFFFF  }
0xc2: {  	[dreg:$0x0] =	wrdreg $0x60  }
0xc3: {  	[dreg:$0x2] =	wrdreg s17  }
0xc4: {  	[dreg:$0x3] =	wrdreg s24  }
0xc5: {  	[dreg:$0x4] =	wrdreg $0xA  }
0xc6: {  	_ =	task.clear_ibuf [dreg:s22], $0x5FFFF;
	_ =	strace $0x9000004C  }
0xc7: {  	s29 =	simm.s32 $0xA;
	_ =	strace $0x8000004E  }
0xc8: {  	_ =	swait.ge [sflag:s29], $0x1  }
0xc9: {  	[sflag:s29] =	ssyncadd.s32 $0xFFFFFFFF  }
0xca: {  	_ =	strace $0x9000004E  }
0xcb: {  	_ =	sfence  }
0xcc: {  	s30 =	sld [smem:$0x0];
	_ =	sdelay $0x2  }
0xcd: {  	s31 =	sshll.u32 s1, $0xD;
	s1 =	sshrl.u32 s1, $0x2  }
0xce: {  	s4 =	sand.u32 $0x4000, s31;
	s1 =	sadd.s32 s1, s30  }
0xcf: {  	s0 =	sor.u32 s4, s0;
	s1 =	sshll.u32 s1, $0x11  }
0xd0: {  	s0 =	sor.u32 s1, s0  }
0xd1: {  	s0 =	sadd.s32 $0x8F2B, s0  }
0xd2: {  	[sflag:s0] =	ssyncadd.remote.s32 $0x1  }
0xd3: {  	_ =	sfence.sel $0xFFFF  }
0xd4: {  	[dreg:$0x0] =	wrdreg $0xFFFFFFFF;
	(pc) =	sbr.abs _section_cstart, $3  }
0xd5: {  	[dreg:$0x1] =	wrdreg $0xFFFFFFFF  }
0xd6: {  	_ =	task.clear_ibuf [dreg:s22], $0x2FFFF;
	_ =	strace $0x9FFFFFFF  }
0xd7: {  	(tm) =	ssettm $0x7FFFFFFF  }
tec
execute0_lowered:
.L_overlay_start_1:
0x0: {  	(tag) =	ssettag $0x1  }
0x1: {  	s1 =	srdreg.scid;
	s0 =	stileid.u32  }
0x2: {  	s2 =	rddreg [dreg:$0x0];
	s6 =	sand.u32 $0x1, s1;
	s30 =	sshll.u32 s0, $0x1  }
0x3: {  	s8 =	rddreg [dreg:$0x1];
	s3 =	simm.s32 $0x0;
	s9 =	sor.u32 s6, s30  }
0x4: {  	s7 =	simm.s32 $0x1;
	[smem:$0x7FF] =	sst s3;
	s4 =	sshll.u32 s9, $0x4  }
0x5: {  	s1 =	rddreg [dreg:$0x2];
	_ =	strace $0x8000004D;
	s4 =	sadd.s32 s4, s8  }
0x6: {  	s10 =	ssub.s32 $0x2, s6;
	s5 =	sadd.s32 $0x24400, s4;
	s4 =	simm.s32 $0x2  }
0x7: {  	[tilespmem:s3], [sflag:$0x2] =	stream.linear.gather [hbm4b:s5+s3], $0x80, $0x38;
	[tilespmem:$0x4080] =	vst v63  }
0x8: {  	s6 =	simm.s32 $0x80;
	s11 =	sshrl.u32 s10, $0x1;
	_ =	swait.ge [sflag:s4], $0x80  }
0x9: {  	s9 =	sshll.u32 s9, $0xB;
	s31 =	ssub.s32 s10, s11;
	[sflag:s4] =	ssyncset.done $0x0  }
0xa: {  	s8 =	sadd.s32 s9, s8;
	s9 =	smax.u32 s31, $0x1;
	[sflag:s4] =	ssyncadd.s32 $0xFFFFFF80  }
0xb: {  	[tilespmem:s6], [sflag:$0x1] =	stream.indirect.gather [hbm4b:s2+s6], $0x80, s3, s6, $0xb8;
	[tilespmem:$0x4080] =	vst v63  }
0xc: {  	p0 =	sne.s32 s9, $0x1;
	_ =	swait.ge [sflag:s7], $0x4000  }
.Ltmp0:
0xd: {  	[sflag:s7] =	ssyncset.done $0x0;
	(pc) =	sbr.rel @!p0 .LBB2_2-.Ltmp0, $4  }
0xe: {  	s8 =	sadd.s32 $0x24600, s8;
	[sflag:s7] =	ssyncadd.s32 $0xFFFFC000  }
0xf: {  	[hbm4b:s8+s3] =	stream.linear.scatter [tilespmem:s6], [sflag:$0x2], $0x4000, $0x38;
	[tilespmem:$0x4080] =	vst v63  }
0x10: {  	_ =	swait.ge [sflag:s4], $0x4000  }
0x11: {  	s9 =	sadd.s32 $0xFFFFFFFF, s9;
	[sflag:s4] =	ssyncset.done $0x0  }
.LBB2_1:
0x12: {  	p0 =	sne.s32 s9, $0x1;
	s9 =	sadd.s32 $0xFFFFFFFF, s9;
	[sflag:s4] =	ssyncadd.s32 $0xFFFFC000  }
0x13: {  	[tilespmem:s3], [sflag:$0x2] =	stream.linear.gather [hbm4b:s5+s3], $0x80, $0x38;
	[tilespmem:$0x4080] =	vst v63  }
0x14: {  	_ =	swait.ge [sflag:s4], $0x80  }
0x15: {  	[sflag:s4] =	ssyncset.done $0x0  }
0x16: {  	[sflag:s4] =	ssyncadd.s32 $0xFFFFFF80  }
0x17: {  	[tilespmem:s6], [sflag:$0x1] =	stream.indirect.gather [hbm4b:s2+s6], $0x80, s3, s6, $0xb8;
	[tilespmem:$0x4080] =	vst v63  }
0x18: {  	_ =	swait.ge [sflag:s7], $0x4000  }
.Ltmp1:
0x19: {  	[sflag:s7] =	ssyncset.done $0x0;
	(pc) =	sbr.rel @p0 .LBB2_1-.Ltmp1, $4  }
0x1a: {  	[sflag:s7] =	ssyncadd.s32 $0xFFFFC000  }
0x1b: {  	[hbm4b:s8+s3] =	stream.linear.scatter [tilespmem:s6], [sflag:$0x2], $0x4000, $0x38;
	[tilespmem:$0x4080] =	vst v63  }
0x1c: {  	_ =	swait.ge [sflag:s4], $0x4000  }
0x1d: {  	[sflag:s4] =	ssyncset.done $0x0  }
.LBB2_2:
0x1e: {  	[sflag:s4] =	ssyncadd.s32 $0xFFFFC000  }
0x1f: {  	_ =	sfence.sel $0x180000  }
0x20: {  	[bflag:$0x0] =	sbarrier.arrive $0xFFFF  }
0x21: {  	p0 =	sne.s32 s0, $0x0;
	_ =	strace $0x9000004D  }
0x22: {  	s0 =	sadd.s32 @!p0 $0x100000, s1;
	[bflag:$0x2] =	sbarrier.arrive $0xFFFF  }
0x23: {  	[sflag:s0] =	ssyncadd.tile.s32 @!p0 $0x1;
	_ =	shalt  }
.Lfunc_end2:
_tile_overlayer_lowered:
.L_overlay_start_2:
0x24: {  	(tag) =	ssettag $0x2  }
0x25: {  	s0 =	rddreg [dreg:$0x0];
	s2 =	stileid.u32  }
0x26: {  	s1 =	rddreg [dreg:$0x1];
	p0 =	sne.s32 s2, $0x0  }
0x27: {  	s3 =	rddreg [dreg:$0x2];
	[bflag:$0x3] =	sbarrier.arrive $0xFFFF;
	s2 =	simm.s32 @!p0 $0x1C02  }
0x28: {  	[timem:s3], [sflag:s2] =	dma.local @!p0 [hbm:s0], s1  }
0x29: {  	s0 =	simm.s32 @!p0 $0x2  }
0x2a: {  	_ =	swait.ge @!p0 [sflag:s0], s1  }
0x2b: {  	s1 =	ssub.s32 @!p0 $0x0, s1;
	[sflag:s0] =	ssyncset.done @!p0 $0x0  }
0x2c: {  	[sflag:s0] =	ssyncadd.s32 @!p0 s1  }
0x2d: {  	[bflag:$0x3] =	sbarrier.arrive $0xFFFF  }
0x2e: {  	_ =	shalt  }

// kernel: kernel.18.cloned.1.call-start
scs
__scs_entry_jumppad:
0x0: {  	(pc) =	sbr.rel $0x88, $3  }
0x1: {  	(tag) =	ssettag $0x0;
	lr =	simm.s32 $0x1  }
0x2: {  	[smem:$0x3F97] =	sst lr;
	_ =	strace $0xD0000000  }
0x3: {  	_ = 	snop  }
0x4: {  	_ = 	snop  }
0x5: {  	_ = 	snop  }
0x6: {  	_ = 	snop  }
0x7: {  	_ = 	snop  }
__scs_overlays_trampoline_lowered:
0x8: {  	[smem:$0x3FA6] =	sst s0  }
0x9: {  	[smem:$0x3FA7] =	sst s1  }
0xa: {  	[smem:$0x3FA8] =	sst s2  }
0xb: {  	[smem:$0x3FA9] =	sst s3  }
0xc: {  	[smem:$0x3FAA] =	sst s4  }
0xd: {  	[smem:$0x3FAB] =	sst s5  }
0xe: {  	[smem:$0x3FAC] =	sst s6  }
0xf: {  	[smem:$0x3FAD] =	sst s7  }
0x10: {  	[smem:$0x3FAE] =	sst s8  }
0x11: {  	[smem:$0x3FAF] =	sst s9;
	s0 =	simm.s32 @!p0 $0x0  }
0x12: {  	s1 =	sld [smem:$0x3F95];
	s0 =	simm.s32 @p0 $0x1  }
0x13: {  	[smem:$0x3FB0] =	sst s0;
	s0 =	simm.s32 @!p1 $0x0  }
0x14: {  	s2 =	sld [smem:$0x3F94];
	s0 =	simm.s32 @p1 $0x1  }
0x15: {  	[smem:$0x3FB1] =	sst s0;
	s0 =	simm.s32 @!p2 $0x0  }
0x16: {  	s3 =	sld [smem:$0x3FDB];
	s0 =	simm.s32 @p2 $0x1  }
0x17: {  	s4 =	simm.s32 $0x1BF5;
	[smem:$0x3FB3] =	sst s0  }
0x18: {  	s0 =	sld [smem:$0x3F96];
	_ =	swait.ge [sflag:s4], $0x0  }
0x19: {  	s7 =	sld [smem:$0x3F97]  }
0x1a: {  	s8 =	sadd.s32 $0xFFFFE003, lr  }
0x1b: {  	s9 =	sadd.s32 $0xFFFFFEF7, lr;
	s5 =	simm.s32 $0xFFFFFFFF;
	p2 =	slt.u32 s8, $0xFFFFF086  }
0x1c: {  	p1 =	slt.u32 s9, $0xF7A;
	s5 =	simm.s32 @!p2 $0x0  }
0x1d: {  	s5 =	simm.s32 @p1 $0x1;
	p0 =	seq.s32 s7, s2  }
0x1e: {  	s7 =	smul.u32 @!p0 $0xF7A, s2;
	p2 =	seq.s32 @!p0 s5, $0x0  }
0x1f: {  	s9 =	smul.u32 $0xF7A, s1;
	s8 =	simm.s32 @!p0 $0x1BF5;
	p2 =	por !p2, p0  }
0x20: {  	[sflag:s8] =	ssyncset.s32 @!p0 $0xFFFFF086;
	s6 =	sadd.s32 @!p0 s3, s7;
	s7 =	simm.s32 @!p0 $0x108  }
0x21: {  	s3 =	sadd.s32 s3, s9;
	s6 =	sadd.s32 @!p0 $0x88, s6;
	s7 =	simm.s32 @p2 $0x1082  }
0x22: {  	[simem:s7], [sflag:s8] =	dma.local @!p0 [hbm:s6], $0xF7A  }
0x23: {  	s9 =	sor.u32 $0xD0000000, s2;
	s6 =	simm.s32 $0x108;
	_ =	swait.ge @!p0 [sflag:s8], $0x0  }
0x24: {  	s3 =	sadd.s32 $0x88, s3;
	s6 =	simm.s32 @!p1 $0x1082;
	[sflag:s4] =	ssyncset.s32 $0xFFFFF086  }
0x25: {  	[simem:s6], [sflag:s4] =	dma.local [hbm:s3], $0xF7A  }
0x26: {  	[smem:$0x3F97] =	sst s1;
	(tag) =	ssettag s2;
	_ =	strace s9  }
0x27: {  	s1 =	sld [smem:$0x3FA7]  }
0x28: {  	s2 =	sld [smem:$0x3FA8]  }
0x29: {  	s4 =	sld [smem:$0x3FAA]  }
0x2a: {  	p0 =	seq.s32 s5, $0x0;
	s5 =	sld [smem:$0x3FAB]  }
0x2b: {  	s6 =	sld [smem:$0x3FAC]  }
0x2c: {  	s7 =	sld [smem:$0x3FAD]  }
0x2d: {  	s3 =	simm.s32 $0x108;
	s8 =	sld [smem:$0x3FAE]  }
0x2e: {  	s3 =	simm.s32 @!p0 $0x1082;
	s9 =	sld [smem:$0x3FAF]  }
0x2f: {  	lr =	sadd.s32 s0, s3;
	s0 =	sld [smem:$0x3FA6]  }
0x30: {  	s3 =	sld [smem:$0x3FA9]  }
0x31: {  	[smem:$0x3FB2] =	sst s10  }
0x32: {  	s10 =	sld [smem:$0x3FB0];
	_ =	sdelay $0x3  }
0x33: {  	p0 =	seq.s32 s10, $0x1;
	s10 =	sld [smem:$0x3FB2];
	_ =	sdelay $0x3  }
0x34: {  	[smem:$0x3FB2] =	sst s10  }
0x35: {  	s10 =	sld [smem:$0x3FB1];
	_ =	sdelay $0x3  }
0x36: {  	p1 =	seq.s32 s10, $0x1;
	s10 =	sld [smem:$0x3FB2];
	_ =	sdelay $0x3  }
0x37: {  	[smem:$0x3FB2] =	sst s10  }
0x38: {  	s10 =	sld [smem:$0x3FB3]  }
0x39: {  	_ = 	snop;
	(pc) =	sbr.ind lr, $3  }
0x3a: {  	_ = 	snop  }
0x3b: {  	_ = 	snop  }
0x3c: {  	p2 =	seq.s32 s10, $0x1;
	s10 =	sld [smem:$0x3FB2]  }
0x3d: {  	_ =	shalt  }
0x3e: {  	_ =	shalt  }
0x3f: {  	_ =	shalt  }
0x40: {  	_ =	shalt  }
0x41: {  	_ =	shalt  }
0x42: {  	_ =	shalt  }
0x43: {  	_ =	shalt  }
0x44: {  	_ =	shalt  }
0x45: {  	_ =	shalt  }
0x46: {  	_ =	shalt  }
0x47: {  	_ =	shalt  }
0x48: {  	_ =	shalt  }
0x49: {  	_ =	shalt  }
0x4a: {  	_ =	shalt  }
0x4b: {  	_ =	shalt  }
0x4c: {  	_ =	shalt  }
0x4d: {  	_ =	shalt  }
0x4e: {  	_ =	shalt  }
0x4f: {  	_ =	shalt  }
0x50: {  	_ =	shalt  }
0x51: {  	_ =	shalt  }
0x52: {  	_ =	shalt  }
0x53: {  	_ =	shalt  }
0x54: {  	_ =	shalt  }
0x55: {  	_ =	shalt  }
0x56: {  	_ =	shalt  }
0x57: {  	_ =	shalt  }
0x58: {  	_ =	shalt  }
0x59: {  	_ =	shalt  }
0x5a: {  	_ =	shalt  }
0x5b: {  	_ =	shalt  }
0x5c: {  	_ =	shalt  }
0x5d: {  	_ =	shalt  }
0x5e: {  	_ =	shalt  }
0x5f: {  	_ =	shalt  }
0x60: {  	_ =	shalt  }
0x61: {  	_ =	shalt  }
0x62: {  	_ =	shalt  }
0x63: {  	_ =	shalt  }
0x64: {  	_ =	shalt  }
0x65: {  	_ =	shalt  }
0x66: {  	_ =	shalt  }
0x67: {  	_ =	shalt  }
0x68: {  	_ =	shalt  }
0x69: {  	_ =	shalt  }
0x6a: {  	_ =	shalt  }
0x6b: {  	_ =	shalt  }
0x6c: {  	_ =	shalt  }
0x6d: {  	_ =	shalt  }
0x6e: {  	_ =	shalt  }
0x6f: {  	_ =	shalt  }
0x70: {  	_ =	shalt  }
0x71: {  	_ =	shalt  }
0x72: {  	_ =	shalt  }
0x73: {  	_ =	shalt  }
0x74: {  	_ =	shalt  }
0x75: {  	_ =	shalt  }
0x76: {  	_ =	shalt  }
0x77: {  	_ =	shalt  }
0x78: {  	_ =	shalt  }
0x79: {  	_ =	shalt  }
0x7a: {  	_ =	shalt  }
0x7b: {  	_ =	shalt  }
0x7c: {  	_ =	shalt  }
0x7d: {  	_ =	shalt  }
0x7e: {  	_ =	shalt  }
0x7f: {  	_ =	shalt  }
0x80: {  	_ =	shalt  }
0x81: {  	_ =	shalt  }
0x82: {  	_ =	shalt  }
0x83: {  	_ =	shalt  }
0x84: {  	_ =	shalt  }
0x85: {  	_ =	shalt  }
0x86: {  	_ =	shalt  }
0x87: {  	_ =	shalt  }
.Lfunc_end0:
.L_simem_size_0:
called_computation.2_lowered:
.L_overlay_start_0:
0x88: {  	s2 =	sld [smem:$0x3FD9]  }
0x89: {  	s3 =	sld [smem:$0x3FFE];
	_ =	sdelay $0x1  }
0x8a: {  	s1 =	srdreg.scid  }
0x8b: {  	s0 =	sand.u32 $0x1, s1  }
0x8c: {  	s15 =	sshll.u32 s0, $0xA;
	s2 =	sadd.s32 s3, s2  }
0x8d: {  	s2 =	sadd.s32 s2, s15  }
0x8e: {  	[smem:$0x3FBE] =	sst s2  }
0x8f: {  	_ = 	snop  }
0x90: {  	s2 =	sld [smem:$0x3FD0];
	_ =	sdelay $0x2  }
0x91: {  	s16 =	simm.s32 $0xD;
	s4 =	simm.s32 $0x10  }
0x92: {  	[smem:s4], [sflag:s16] =	dma.local [hbm:s2], $0x1  }
0x93: {  	_ =	swait.eq [sflag:s16], $0x1  }
0x94: {  	[sflag:s16] =	ssyncset.done $0x0  }
0x95: {  	[sflag:s16] =	ssyncadd.s32 $0xFFFFFFFF  }
0x96: {  	s17 =	sld [smem:$0x10];
	(tm) =	ssettm $0x1  }
0x97: {  	s18 =	sld [smem:$0x3FFB];
	_ =	sdelay $0x3  }
0x98: {  	_ =	strace s18  }
0x99: {  	s2 =	sld [smem:$0x3FFC];
	_ =	sdelay $0x3  }
0x9a: {  	_ =	strace s2  }
0x9b: {  	s2 =	sld [smem:$0x3FFD];
	_ =	sdelay $0x3  }
0x9c: {  	_ =	strace s2  }
0x9d: {  	_ =	strace $0x8FFFFFFF  }
0x9e: {  	s19 =	sld [smem:$0x3FDB];
	_ =	sdelay $0x1  }
0x9f: {  	s20 =	simm.s32 $_scs_section_size  }
0xa0: {  	s5 =	simm.s32 $_size__tile_overlayer_lowered;
	s6 =	simm.s32 $_tile_overlayer_lowered  }
0xa1: {  	s7 =	simm.s32 $0x1BFF;
	s21 =	sshll.u32 s6, $0x1;
	s4 =	sadd.s32 s20, s19  }
0xa2: {  	s22 =	simm.s32 $0x0;
	s5 =	sshll.u32 s5, $0x1;
	s6 =	sadd.s32 s21, s4  }
0xa3: {  	[timem:s22], [sflag:s7] =	dma.local [hbm:s6], s5  }
0xa4: {  	_ =	swait.ge [sflag:s7], s5  }
0xa5: {  	s5 =	ssub.s32 $0x0, s5;
	[sflag:s7] =	ssyncset.done $0x0  }
0xa6: {  	[sflag:s7] =	ssyncadd.s32 s5;
	_ =	sdelay $0x1  }
0xa7: {  	s23 =	simm.s32 $0x1B8B  }
0xa8: {  	_ =	swait.ge [sflag:s23], $0x1  }
0xa9: {  	[sflag:s23] =	ssyncset.done $0x0  }
0xaa: {  	[sflag:s23] =	ssyncadd.s32 $0xFFFFFFFF  }
0xab: {  	s5 =	sld [smem:$0x0]  }
0xac: {  	s6 =	sand.u32 $0xFFFFFFFE, s1  }
0xad: {  	p0 =	sne.s32 s1, s6  }
0xae: {  	s6 =	sshll.u32 @p0 s6, $0xE  }
0xaf: {  	s6 =	sadd.s32 @p0 $0x11B8D, s6;
	s7 =	sshll.u32 @p0 s5, $0x11  }
0xb0: {  	s6 =	sor.u32 @p0 s7, s6  }
0xb1: {  	[sflag:s6] =	ssyncadd.remote.s32 @p0 $0x1;
	_ =	sdelay $0x1  }
0xb2: {  	s6 =	simm.s32 @p0 $0x1B8D  }
0xb3: {  	_ =	swait.eq @p0 [sflag:s6], $0x1  }
0xb4: {  	[sflag:s6] =	ssyncadd.s32 @p0 $0xFFFFFFFF  }
0xb5: {  	s7 =	sshll.u32 @!p0 s1, $0xE  }
0xb6: {  	s7 =	sor.u32 @!p0 $0x4000, s7;
	s6 =	simm.s32 @!p0 $0x1B8D  }
0xb7: {  	s5 =	sshll.u32 @!p0 s5, $0x11;
	s7 =	sadd.s32 @!p0 $0x11B8D, s7;
	_ =	swait.eq @!p0 [sflag:s6], $0x1  }
0xb8: {  	s5 =	sor.u32 @!p0 s5, s7;
	[sflag:s6] =	ssyncadd.s32 @!p0 $0xFFFFFFFF  }
0xb9: {  	s25 =	simm.s32 $0x1B8E;
	s24 =	sld [smem:$0x3FFE];
	[sflag:s5] =	ssyncadd.remote.s32 @!p0 $0x1  }
0xba: {  	s26 =	simm.s32 $execute0_lowered;
	[smem:$0x3FD2] =	sst s25  }
0xbb: {  	s6 =	sshll.u32 s26, $0x1;
	_ =	strace $0x80000049;
	[dreg:$0x1] =	wrdreg $0xFFFFFFFF  }
0xbc: {  	s28 =	simm.s32 $_size_execute0_lowered;
	s4 =	sadd.s32 s4, s6;
	[dreg:$0x0] =	wrdreg $0x0  }
0xbd: {  	s6 =	sshll.u32 s28, $0x1;
	[dreg:$0x2] =	wrdreg s4  }
0xbe: {  	[dreg:$0x3] =	wrdreg s6  }
0xbf: {  	[dreg:$0x4] =	wrdreg $0xC0  }
0xc0: {  	_ =	task [dreg:s22], $0x5FFFF  }
0xc1: {  	[dreg:$0x1] =	wrdreg $0xFFFFFFFF  }
0xc2: {  	[dreg:$0x0] =	wrdreg $0x60  }
0xc3: {  	[dreg:$0x2] =	wrdreg s17  }
0xc4: {  	[dreg:$0x3] =	wrdreg s24  }
0xc5: {  	[dreg:$0x4] =	wrdreg $0xB  }
0xc6: {  	_ =	task.clear_ibuf [dreg:s22], $0x5FFFF;
	_ =	strace $0x90000049  }
0xc7: {  	s29 =	simm.s32 $0xB;
	_ =	strace $0x8000004B  }
0xc8: {  	_ =	swait.ge [sflag:s29], $0x1  }
0xc9: {  	[sflag:s29] =	ssyncadd.s32 $0xFFFFFFFF  }
0xca: {  	_ =	strace $0x9000004B  }
0xcb: {  	_ =	sfence  }
0xcc: {  	s30 =	sld [smem:$0x0];
	_ =	sdelay $0x2  }
0xcd: {  	s31 =	sshll.u32 s1, $0xD;
	s1 =	sshrl.u32 s1, $0x2  }
0xce: {  	s4 =	sand.u32 $0x4000, s31;
	s1 =	sadd.s32 s1, s30  }
0xcf: {  	s0 =	sor.u32 s4, s0;
	s1 =	sshll.u32 s1, $0x11  }
0xd0: {  	s0 =	sor.u32 s1, s0  }
0xd1: {  	s0 =	sadd.s32 $0x8F2B, s0  }
0xd2: {  	[sflag:s0] =	ssyncadd.remote.s32 $0x1  }
0xd3: {  	_ =	sfence.sel $0xFFFF  }
0xd4: {  	[dreg:$0x0] =	wrdreg $0xFFFFFFFF;
	(pc) =	sbr.abs _section_cstart, $3  }
0xd5: {  	[dreg:$0x1] =	wrdreg $0xFFFFFFFF  }
0xd6: {  	_ =	task.clear_ibuf [dreg:s22], $0x2FFFF;
	_ =	strace $0x9FFFFFFF  }
0xd7: {  	(tm) =	ssettm $0x7FFFFFFF  }
tec
execute0_lowered:
.L_overlay_start_1:
0x0: {  	(tag) =	ssettag $0x1  }
0x1: {  	s1 =	srdreg.scid;
	s0 =	stileid.u32  }
0x2: {  	s2 =	rddreg [dreg:$0x0];
	s6 =	sand.u32 $0x1, s1;
	s30 =	sshll.u32 s0, $0x1  }
0x3: {  	s8 =	rddreg [dreg:$0x1];
	s3 =	simm.s32 $0x0;
	s9 =	sor.u32 s6, s30  }
0x4: {  	s7 =	simm.s32 $0x1;
	[smem:$0x7FF] =	sst s3;
	s4 =	sshll.u32 s9, $0x4  }
0x5: {  	s1 =	rddreg [dreg:$0x2];
	_ =	strace $0x8000004A;
	s4 =	sadd.s32 s4, s8  }
0x6: {  	s10 =	ssub.s32 $0x2, s6;
	s5 =	sadd.s32 $0x14200, s4;
	s4 =	simm.s32 $0x2  }
0x7: {  	[tilespmem:s3], [sflag:$0x2] =	stream.linear.gather [hbm4b:s5+s3], $0x80, $0x38;
	[tilespmem:$0x4080] =	vst v63  }
0x8: {  	s6 =	simm.s32 $0x80;
	s11 =	sshrl.u32 s10, $0x1;
	_ =	swait.ge [sflag:s4], $0x80  }
0x9: {  	s9 =	sshll.u32 s9, $0xB;
	s31 =	ssub.s32 s10, s11;
	[sflag:s4] =	ssyncset.done $0x0  }
0xa: {  	s8 =	sadd.s32 s9, s8;
	s9 =	smax.u32 s31, $0x1;
	[sflag:s4] =	ssyncadd.s32 $0xFFFFFF80  }
0xb: {  	[tilespmem:s6], [sflag:$0x1] =	stream.indirect.gather [hbm4b:s2+s6], $0x80, s3, s6, $0xb8;
	[tilespmem:$0x4080] =	vst v63  }
0xc: {  	p0 =	sne.s32 s9, $0x1;
	_ =	swait.ge [sflag:s7], $0x4000  }
.Ltmp0:
0xd: {  	[sflag:s7] =	ssyncset.done $0x0;
	(pc) =	sbr.rel @!p0 .LBB2_2-.Ltmp0, $4  }
0xe: {  	s8 =	sadd.s32 $0x14400, s8;
	[sflag:s7] =	ssyncadd.s32 $0xFFFFC000  }
0xf: {  	[hbm4b:s8+s3] =	stream.linear.scatter [tilespmem:s6], [sflag:$0x2], $0x4000, $0x38;
	[tilespmem:$0x4080] =	vst v63  }
0x10: {  	_ =	swait.ge [sflag:s4], $0x4000  }
0x11: {  	s9 =	sadd.s32 $0xFFFFFFFF, s9;
	[sflag:s4] =	ssyncset.done $0x0  }
.LBB2_1:
0x12: {  	p0 =	sne.s32 s9, $0x1;
	s9 =	sadd.s32 $0xFFFFFFFF, s9;
	[sflag:s4] =	ssyncadd.s32 $0xFFFFC000  }
0x13: {  	[tilespmem:s3], [sflag:$0x2] =	stream.linear.gather [hbm4b:s5+s3], $0x80, $0x38;
	[tilespmem:$0x4080] =	vst v63  }
0x14: {  	_ =	swait.ge [sflag:s4], $0x80  }
0x15: {  	[sflag:s4] =	ssyncset.done $0x0  }
0x16: {  	[sflag:s4] =	ssyncadd.s32 $0xFFFFFF80  }
0x17: {  	[tilespmem:s6], [sflag:$0x1] =	stream.indirect.gather [hbm4b:s2+s6], $0x80, s3, s6, $0xb8;
	[tilespmem:$0x4080] =	vst v63  }
0x18: {  	_ =	swait.ge [sflag:s7], $0x4000  }
.Ltmp1:
0x19: {  	[sflag:s7] =	ssyncset.done $0x0;
	(pc) =	sbr.rel @p0 .LBB2_1-.Ltmp1, $4  }
0x1a: {  	[sflag:s7] =	ssyncadd.s32 $0xFFFFC000  }
0x1b: {  	[hbm4b:s8+s3] =	stream.linear.scatter [tilespmem:s6], [sflag:$0x2], $0x4000, $0x38;
	[tilespmem:$0x4080] =	vst v63  }
0x1c: {  	_ =	swait.ge [sflag:s4], $0x4000  }
0x1d: {  	[sflag:s4] =	ssyncset.done $0x0  }
.LBB2_2:
0x1e: {  	[sflag:s4] =	ssyncadd.s32 $0xFFFFC000  }
0x1f: {  	_ =	sfence.sel $0x180000  }
0x20: {  	[bflag:$0x0] =	sbarrier.arrive $0xFFFF  }
0x21: {  	p0 =	sne.s32 s0, $0x0;
	_ =	strace $0x9000004A  }
0x22: {  	s0 =	sadd.s32 @!p0 $0x100000, s1;
	[bflag:$0x2] =	sbarrier.arrive $0xFFFF  }
0x23: {  	[sflag:s0] =	ssyncadd.tile.s32 @!p0 $0x1;
	_ =	shalt  }
.Lfunc_end2:
_tile_overlayer_lowered:
.L_overlay_start_2:
0x24: {  	(tag) =	ssettag $0x2  }
0x25: {  	s0 =	rddreg [dreg:$0x0];
	s2 =	stileid.u32  }
0x26: {  	s1 =	rddreg [dreg:$0x1];
	p0 =	sne.s32 s2, $0x0  }
0x27: {  	s3 =	rddreg [dreg:$0x2];
	[bflag:$0x3] =	sbarrier.arrive $0xFFFF;
	s2 =	simm.s32 @!p0 $0x1C02  }
0x28: {  	[timem:s3], [sflag:s2] =	dma.local @!p0 [hbm:s0], s1  }
0x29: {  	s0 =	simm.s32 @!p0 $0x2  }
0x2a: {  	_ =	swait.ge @!p0 [sflag:s0], s1  }
0x2b: {  	s1 =	ssub.s32 @!p0 $0x0, s1;
	[sflag:s0] =	ssyncset.done @!p0 $0x0  }
0x2c: {  	[sflag:s0] =	ssyncadd.s32 @!p0 s1  }
0x2d: {  	[bflag:$0x3] =	sbarrier.arrive $0xFFFF  }
0x2e: {  	_ =	shalt  }

// kernel: kernel.21.cloned.1.call-start
scs
__scs_entry_jumppad:
0x0: {  	(pc) =	sbr.rel $0x88, $3  }
0x1: {  	(tag) =	ssettag $0x0;
	lr =	simm.s32 $0x1  }
0x2: {  	[smem:$0x3F97] =	sst lr;
	_ =	strace $0xD0000000  }
0x3: {  	_ = 	snop  }
0x4: {  	_ = 	snop  }
0x5: {  	_ = 	snop  }
0x6: {  	_ = 	snop  }
0x7: {  	_ = 	snop  }
__scs_overlays_trampoline_lowered:
0x8: {  	[smem:$0x3FA6] =	sst s0  }
0x9: {  	[smem:$0x3FA7] =	sst s1  }
0xa: {  	[smem:$0x3FA8] =	sst s2  }
0xb: {  	[smem:$0x3FA9] =	sst s3  }
0xc: {  	[smem:$0x3FAA] =	sst s4  }
0xd: {  	[smem:$0x3FAB] =	sst s5  }
0xe: {  	[smem:$0x3FAC] =	sst s6  }
0xf: {  	[smem:$0x3FAD] =	sst s7  }
0x10: {  	[smem:$0x3FAE] =	sst s8  }
0x11: {  	[smem:$0x3FAF] =	sst s9;
	s0 =	simm.s32 @!p0 $0x0  }
0x12: {  	s1 =	sld [smem:$0x3F95];
	s0 =	simm.s32 @p0 $0x1  }
0x13: {  	[smem:$0x3FB0] =	sst s0;
	s0 =	simm.s32 @!p1 $0x0  }
0x14: {  	s2 =	sld [smem:$0x3F94];
	s0 =	simm.s32 @p1 $0x1  }
0x15: {  	[smem:$0x3FB1] =	sst s0;
	s0 =	simm.s32 @!p2 $0x0  }
0x16: {  	s3 =	sld [smem:$0x3FDB];
	s0 =	simm.s32 @p2 $0x1  }
0x17: {  	s4 =	simm.s32 $0x1BF5;
	[smem:$0x3FB3] =	sst s0  }
0x18: {  	s0 =	sld [smem:$0x3F96];
	_ =	swait.ge [sflag:s4], $0x0  }
0x19: {  	s7 =	sld [smem:$0x3F97]  }
0x1a: {  	s8 =	sadd.s32 $0xFFFFE003, lr  }
0x1b: {  	s9 =	sadd.s32 $0xFFFFFEF7, lr;
	s5 =	simm.s32 $0xFFFFFFFF;
	p2 =	slt.u32 s8, $0xFFFFF086  }
0x1c: {  	p1 =	slt.u32 s9, $0xF7A;
	s5 =	simm.s32 @!p2 $0x0  }
0x1d: {  	s5 =	simm.s32 @p1 $0x1;
	p0 =	seq.s32 s7, s2  }
0x1e: {  	s7 =	smul.u32 @!p0 $0xF7A, s2;
	p2 =	seq.s32 @!p0 s5, $0x0  }
0x1f: {  	s9 =	smul.u32 $0xF7A, s1;
	s8 =	simm.s32 @!p0 $0x1BF5;
	p2 =	por !p2, p0  }
0x20: {  	[sflag:s8] =	ssyncset.s32 @!p0 $0xFFFFF086;
	s6 =	sadd.s32 @!p0 s3, s7;
	s7 =	simm.s32 @!p0 $0x108  }
0x21: {  	s3 =	sadd.s32 s3, s9;
	s6 =	sadd.s32 @!p0 $0x88, s6;
	s7 =	simm.s32 @p2 $0x1082  }
0x22: {  	[simem:s7], [sflag:s8] =	dma.local @!p0 [hbm:s6], $0xF7A  }
0x23: {  	s9 =	sor.u32 $0xD0000000, s2;
	s6 =	simm.s32 $0x108;
	_ =	swait.ge @!p0 [sflag:s8], $0x0  }
0x24: {  	s3 =	sadd.s32 $0x88, s3;
	s6 =	simm.s32 @!p1 $0x1082;
	[sflag:s4] =	ssyncset.s32 $0xFFFFF086  }
0x25: {  	[simem:s6], [sflag:s4] =	dma.local [hbm:s3], $0xF7A  }
0x26: {  	[smem:$0x3F97] =	sst s1;
	(tag) =	ssettag s2;
	_ =	strace s9  }
0x27: {  	s1 =	sld [smem:$0x3FA7]  }
0x28: {  	s2 =	sld [smem:$0x3FA8]  }
0x29: {  	s4 =	sld [smem:$0x3FAA]  }
0x2a: {  	p0 =	seq.s32 s5, $0x0;
	s5 =	sld [smem:$0x3FAB]  }
0x2b: {  	s6 =	sld [smem:$0x3FAC]  }
0x2c: {  	s7 =	sld [smem:$0x3FAD]  }
0x2d: {  	s3 =	simm.s32 $0x108;
	s8 =	sld [smem:$0x3FAE]  }
0x2e: {  	s3 =	simm.s32 @!p0 $0x1082;
	s9 =	sld [smem:$0x3FAF]  }
0x2f: {  	lr =	sadd.s32 s0, s3;
	s0 =	sld [smem:$0x3FA6]  }
0x30: {  	s3 =	sld [smem:$0x3FA9]  }
0x31: {  	[smem:$0x3FB2] =	sst s10  }
0x32: {  	s10 =	sld [smem:$0x3FB0];
	_ =	sdelay $0x3  }
0x33: {  	p0 =	seq.s32 s10, $0x1;
	s10 =	sld [smem:$0x3FB2];
	_ =	sdelay $0x3  }
0x34: {  	[smem:$0x3FB2] =	sst s10  }
0x35: {  	s10 =	sld [smem:$0x3FB1];
	_ =	sdelay $0x3  }
0x36: {  	p1 =	seq.s32 s10, $0x1;
	s10 =	sld [smem:$0x3FB2];
	_ =	sdelay $0x3  }
0x37: {  	[smem:$0x3FB2] =	sst s10  }
0x38: {  	s10 =	sld [smem:$0x3FB3]  }
0x39: {  	_ = 	snop;
	(pc) =	sbr.ind lr, $3  }
0x3a: {  	_ = 	snop  }
0x3b: {  	_ = 	snop  }
0x3c: {  	p2 =	seq.s32 s10, $0x1;
	s10 =	sld [smem:$0x3FB2]  }
0x3d: {  	_ =	shalt  }
0x3e: {  	_ =	shalt  }
0x3f: {  	_ =	shalt  }
0x40: {  	_ =	shalt  }
0x41: {  	_ =	shalt  }
0x42: {  	_ =	shalt  }
0x43: {  	_ =	shalt  }
0x44: {  	_ =	shalt  }
0x45: {  	_ =	shalt  }
0x46: {  	_ =	shalt  }
0x47: {  	_ =	shalt  }
0x48: {  	_ =	shalt  }
0x49: {  	_ =	shalt  }
0x4a: {  	_ =	shalt  }
0x4b: {  	_ =	shalt  }
0x4c: {  	_ =	shalt  }
0x4d: {  	_ =	shalt  }
0x4e: {  	_ =	shalt  }
0x4f: {  	_ =	shalt  }
0x50: {  	_ =	shalt  }
0x51: {  	_ =	shalt  }
0x52: {  	_ =	shalt  }
0x53: {  	_ =	shalt  }
0x54: {  	_ =	shalt  }
0x55: {  	_ =	shalt  }
0x56: {  	_ =	shalt  }
0x57: {  	_ =	shalt  }
0x58: {  	_ =	shalt  }
0x59: {  	_ =	shalt  }
0x5a: {  	_ =	shalt  }
0x5b: {  	_ =	shalt  }
0x5c: {  	_ =	shalt  }
0x5d: {  	_ =	shalt  }
0x5e: {  	_ =	shalt  }
0x5f: {  	_ =	shalt  }
0x60: {  	_ =	shalt  }
0x61: {  	_ =	shalt  }
0x62: {  	_ =	shalt  }
0x63: {  	_ =	shalt  }
0x64: {  	_ =	shalt  }
0x65: {  	_ =	shalt  }
0x66: {  	_ =	shalt  }
0x67: {  	_ =	shalt  }
0x68: {  	_ =	shalt  }
0x69: {  	_ =	shalt  }
0x6a: {  	_ =	shalt  }
0x6b: {  	_ =	shalt  }
0x6c: {  	_ =	shalt  }
0x6d: {  	_ =	shalt  }
0x6e: {  	_ =	shalt  }
0x6f: {  	_ =	shalt  }
0x70: {  	_ =	shalt  }
0x71: {  	_ =	shalt  }
0x72: {  	_ =	shalt  }
0x73: {  	_ =	shalt  }
0x74: {  	_ =	shalt  }
0x75: {  	_ =	shalt  }
0x76: {  	_ =	shalt  }
0x77: {  	_ =	shalt  }
0x78: {  	_ =	shalt  }
0x79: {  	_ =	shalt  }
0x7a: {  	_ =	shalt  }
0x7b: {  	_ =	shalt  }
0x7c: {  	_ =	shalt  }
0x7d: {  	_ =	shalt  }
0x7e: {  	_ =	shalt  }
0x7f: {  	_ =	shalt  }
0x80: {  	_ =	shalt  }
0x81: {  	_ =	shalt  }
0x82: {  	_ =	shalt  }
0x83: {  	_ =	shalt  }
0x84: {  	_ =	shalt  }
0x85: {  	_ =	shalt  }
0x86: {  	_ =	shalt  }
0x87: {  	_ =	shalt  }
.Lfunc_end0:
.L_simem_size_0:
called_computation.3_lowered:
.L_overlay_start_0:
0x88: {  	s2 =	sld [smem:$0x3FD9]  }
0x89: {  	s3 =	sld [smem:$0x3FFE];
	_ =	sdelay $0x1  }
0x8a: {  	s1 =	srdreg.scid  }
0x8b: {  	s0 =	sand.u32 $0x1, s1  }
0x8c: {  	s14 =	sshll.u32 s0, $0xA;
	s2 =	sadd.s32 s3, s2  }
0x8d: {  	s2 =	sadd.s32 s2, s14  }
0x8e: {  	[smem:$0x3FBE] =	sst s2  }
0x8f: {  	_ = 	snop  }
0x90: {  	s2 =	sld [smem:$0x3FD0];
	_ =	sdelay $0x2  }
0x91: {  	s15 =	simm.s32 $0xD;
	s4 =	simm.s32 $0x10  }
0x92: {  	[smem:s4], [sflag:s15] =	dma.local [hbm:s2], $0x1  }
0x93: {  	_ =	swait.eq [sflag:s15], $0x1  }
0x94: {  	[sflag:s15] =	ssyncset.done $0x0  }
0x95: {  	[sflag:s15] =	ssyncadd.s32 $0xFFFFFFFF  }
0x96: {  	s16 =	sld [smem:$0x10];
	(tm) =	ssettm $0x1  }
0x97: {  	s17 =	sld [smem:$0x3FFB];
	_ =	sdelay $0x3  }
0x98: {  	_ =	strace s17  }
0x99: {  	s3 =	sld [smem:$0x3FFC];
	_ =	sdelay $0x3  }
0x9a: {  	_ =	strace s3  }
0x9b: {  	s3 =	sld [smem:$0x3FFD];
	_ =	sdelay $0x3  }
0x9c: {  	_ =	strace s3  }
0x9d: {  	_ =	strace $0x8FFFFFFF  }
0x9e: {  	s18 =	sld [smem:$0x3FDB];
	_ =	sdelay $0x1  }
0x9f: {  	s19 =	simm.s32 $_scs_section_size  }
0xa0: {  	s5 =	simm.s32 $_size__tile_overlayer_lowered;
	s6 =	simm.s32 $_tile_overlayer_lowered  }
0xa1: {  	s22 =	simm.s32 $0x1BFF;
	s21 =	sshll.u32 s6, $0x1;
	s3 =	sadd.s32 s19, s18  }
0xa2: {  	s7 =	simm.s32 $0x0;
	s20 =	sshll.u32 s5, $0x1;
	s5 =	sadd.s32 s21, s3  }
0xa3: {  	[timem:s7], [sflag:s22] =	dma.local [hbm:s5], s20  }
0xa4: {  	_ =	swait.ge [sflag:s22], s20  }
0xa5: {  	s4 =	ssub.s32 $0x0, s20;
	[sflag:s22] =	ssyncset.done $0x0  }
0xa6: {  	[sflag:s22] =	ssyncadd.s32 s4;
	_ =	sdelay $0x1  }
0xa7: {  	s23 =	simm.s32 $0x1B8B  }
0xa8: {  	_ =	swait.ge [sflag:s23], $0x1  }
0xa9: {  	[sflag:s23] =	ssyncset.done $0x0  }
0xaa: {  	s25 =	simm.s32 $0x1B8E;
	s24 =	sld [smem:$0x3FFE];
	[sflag:s23] =	ssyncadd.s32 $0xFFFFFFFF  }
0xab: {  	s26 =	simm.s32 $execute0_lowered;
	[smem:$0x3FD2] =	sst s25  }
0xac: {  	s5 =	sshll.u32 s26, $0x1;
	_ =	strace $0x80000046;
	[dreg:$0x1] =	wrdreg $0xFFFFFFFF  }
0xad: {  	s28 =	simm.s32 $_size_execute0_lowered;
	s3 =	sadd.s32 s3, s5;
	[dreg:$0x0] =	wrdreg $0x0  }
0xae: {  	s5 =	sshll.u32 s28, $0x1;
	[dreg:$0x2] =	wrdreg s3  }
0xaf: {  	[dreg:$0x3] =	wrdreg s5  }
0xb0: {  	[dreg:$0x4] =	wrdreg $0xC0  }
0xb1: {  	_ =	task [dreg:s7], $0x5FFFF  }
0xb2: {  	[dreg:$0x1] =	wrdreg $0xFFFFFFFF  }
0xb3: {  	[dreg:$0x0] =	wrdreg $0x60  }
0xb4: {  	[dreg:$0x2] =	wrdreg s16  }
0xb5: {  	[dreg:$0x3] =	wrdreg s24  }
0xb6: {  	[dreg:$0x4] =	wrdreg $0xC  }
0xb7: {  	_ =	task.clear_ibuf [dreg:s7], $0x5FFFF;
	_ =	strace $0x90000046  }
0xb8: {  	s29 =	simm.s32 $0xC;
	_ =	strace $0x80000048  }
0xb9: {  	_ =	swait.ge [sflag:s29], $0x1  }
0xba: {  	[sflag:s29] =	ssyncadd.s32 $0xFFFFFFFF  }
0xbb: {  	_ =	strace $0x90000048  }
0xbc: {  	_ =	sfence  }
0xbd: {  	s30 =	sld [smem:$0x0];
	_ =	sdelay $0x2  }
0xbe: {  	s31 =	sshll.u32 s1, $0xD;
	s1 =	sshrl.u32 s1, $0x2  }
0xbf: {  	s3 =	sand.u32 $0x4000, s31;
	s1 =	sadd.s32 s1, s30  }
0xc0: {  	s0 =	sor.u32 s3, s0;
	s1 =	sshll.u32 s1, $0x11  }
0xc1: {  	s0 =	sor.u32 s1, s0  }
0xc2: {  	s0 =	sadd.s32 $0x8F2B, s0  }
0xc3: {  	[sflag:s0] =	ssyncadd.remote.s32 $0x1  }
0xc4: {  	_ =	sfence.sel $0xFFFF  }
0xc5: {  	[dreg:$0x0] =	wrdreg $0xFFFFFFFF;
	(pc) =	sbr.abs _section_cstart, $3  }
0xc6: {  	[dreg:$0x1] =	wrdreg $0xFFFFFFFF  }
0xc7: {  	_ =	task.clear_ibuf [dreg:s7], $0x2FFFF;
	_ =	strace $0x9FFFFFFF  }
0xc8: {  	(tm) =	ssettm $0x7FFFFFFF  }
0xc9: {  	_ =	shalt  }
tec
execute0_lowered:
.L_overlay_start_1:
0x0: {  	(tag) =	ssettag $0x1  }
0x1: {  	s1 =	srdreg.scid;
	s0 =	stileid.u32  }
0x2: {  	s2 =	rddreg [dreg:$0x0];
	s6 =	sand.u32 $0x1, s1;
	s30 =	sshll.u32 s0, $0x1  }
0x3: {  	s8 =	rddreg [dreg:$0x1];
	s3 =	simm.s32 $0x0;
	s9 =	sor.u32 s6, s30  }
0x4: {  	s7 =	simm.s32 $0x1;
	[smem:$0x7FF] =	sst s3;
	s4 =	sshll.u32 s9, $0x4  }
0x5: {  	s1 =	rddreg [dreg:$0x2];
	_ =	strace $0x80000047;
	s4 =	sadd.s32 s4, s8  }
0x6: {  	s10 =	ssub.s32 $0x2, s6;
	s5 =	sadd.s32 $0x4000, s4;
	s4 =	simm.s32 $0x2  }
0x7: {  	[tilespmem:s3], [sflag:$0x2] =	stream.linear.gather [hbm4b:s5+s3], $0x80, $0x38;
	[tilespmem:$0x4080] =	vst v63  }
0x8: {  	s6 =	simm.s32 $0x80;
	s11 =	sshrl.u32 s10, $0x1;
	_ =	swait.ge [sflag:s4], $0x80  }
0x9: {  	s9 =	sshll.u32 s9, $0xB;
	s31 =	ssub.s32 s10, s11;
	[sflag:s4] =	ssyncset.done $0x0  }
0xa: {  	s8 =	sadd.s32 s9, s8;
	s9 =	smax.u32 s31, $0x1;
	[sflag:s4] =	ssyncadd.s32 $0xFFFFFF80  }
0xb: {  	[tilespmem:s6], [sflag:$0x1] =	stream.indirect.gather [hbm4b:s2+s6], $0x80, s3, s6, $0xb8;
	[tilespmem:$0x4080] =	vst v63  }
0xc: {  	p0 =	sne.s32 s9, $0x1;
	_ =	swait.ge [sflag:s7], $0x4000  }
.Ltmp0:
0xd: {  	[sflag:s7] =	ssyncset.done $0x0;
	(pc) =	sbr.rel @!p0 .LBB2_2-.Ltmp0, $4  }
0xe: {  	s8 =	sadd.s32 $0x4200, s8;
	[sflag:s7] =	ssyncadd.s32 $0xFFFFC000  }
0xf: {  	[hbm4b:s8+s3] =	stream.linear.scatter [tilespmem:s6], [sflag:$0x2], $0x4000, $0x38;
	[tilespmem:$0x4080] =	vst v63  }
0x10: {  	_ =	swait.ge [sflag:s4], $0x4000  }
0x11: {  	s9 =	sadd.s32 $0xFFFFFFFF, s9;
	[sflag:s4] =	ssyncset.done $0x0  }
.LBB2_1:
0x12: {  	p0 =	sne.s32 s9, $0x1;
	s9 =	sadd.s32 $0xFFFFFFFF, s9;
	[sflag:s4] =	ssyncadd.s32 $0xFFFFC000  }
0x13: {  	[tilespmem:s3], [sflag:$0x2] =	stream.linear.gather [hbm4b:s5+s3], $0x80, $0x38;
	[tilespmem:$0x4080] =	vst v63  }
0x14: {  	_ =	swait.ge [sflag:s4], $0x80  }
0x15: {  	[sflag:s4] =	ssyncset.done $0x0  }
0x16: {  	[sflag:s4] =	ssyncadd.s32 $0xFFFFFF80  }
0x17: {  	[tilespmem:s6], [sflag:$0x1] =	stream.indirect.gather [hbm4b:s2+s6], $0x80, s3, s6, $0xb8;
	[tilespmem:$0x4080] =	vst v63  }
0x18: {  	_ =	swait.ge [sflag:s7], $0x4000  }
.Ltmp1:
0x19: {  	[sflag:s7] =	ssyncset.done $0x0;
	(pc) =	sbr.rel @p0 .LBB2_1-.Ltmp1, $4  }
0x1a: {  	[sflag:s7] =	ssyncadd.s32 $0xFFFFC000  }
0x1b: {  	[hbm4b:s8+s3] =	stream.linear.scatter [tilespmem:s6], [sflag:$0x2], $0x4000, $0x38;
	[tilespmem:$0x4080] =	vst v63  }
0x1c: {  	_ =	swait.ge [sflag:s4], $0x4000  }
0x1d: {  	[sflag:s4] =	ssyncset.done $0x0  }
.LBB2_2:
0x1e: {  	[sflag:s4] =	ssyncadd.s32 $0xFFFFC000  }
0x1f: {  	_ =	sfence.sel $0x180000  }
0x20: {  	[bflag:$0x0] =	sbarrier.arrive $0xFFFF  }
0x21: {  	p0 =	sne.s32 s0, $0x0;
	_ =	strace $0x90000047  }
0x22: {  	s0 =	sadd.s32 @!p0 $0x100000, s1;
	[bflag:$0x2] =	sbarrier.arrive $0xFFFF  }
0x23: {  	[sflag:s0] =	ssyncadd.tile.s32 @!p0 $0x1;
	_ =	shalt  }
.Lfunc_end2:
_tile_overlayer_lowered:
.L_overlay_start_2:
0x24: {  	(tag) =	ssettag $0x2  }
0x25: {  	s0 =	rddreg [dreg:$0x0];
	s2 =	stileid.u32  }
0x26: {  	s1 =	rddreg [dreg:$0x1];
	p0 =	sne.s32 s2, $0x0  }
0x27: {  	s3 =	rddreg [dreg:$0x2];
	[bflag:$0x3] =	sbarrier.arrive $0xFFFF;
	s2 =	simm.s32 @!p0 $0x1C02  }
0x28: {  	[timem:s3], [sflag:s2] =	dma.local @!p0 [hbm:s0], s1  }
0x29: {  	s0 =	simm.s32 @!p0 $0x2  }
0x2a: {  	_ =	swait.ge @!p0 [sflag:s0], s1  }
0x2b: {  	s1 =	ssub.s32 @!p0 $0x0, s1;
	[sflag:s0] =	ssyncset.done @!p0 $0x0  }
0x2c: {  	[sflag:s0] =	ssyncadd.s32 @!p0 s1  }
0x2d: {  	[bflag:$0x3] =	sbarrier.arrive $0xFFFF  }
0x2e: {  	_ =	shalt  }

</sc_bundles>
